<compile_context>
chip_gen: v7x
topology: tpu7x:2x2x1
jax: 0.10.2.dev20260603
libtpu: 0.0.44.dev20260713+nightly
codegen_flags: <defaults>
</compile_context>

<pallas_src>
import functools

import jax
import jax.numpy as jnp
from jax import lax
from jax.experimental import pallas as pl
from jax.experimental.pallas import tpu as pltpu
from jax.experimental.pallas import tpu_sc as plsc

_N, _D, _K = 10000, 128, 32
_RB = 5000
_S = _N // _RB
_KP = _K + 1
_TOTAL = _N * _KP
_NC, _NS = 2, 16
_NW = _NC * _NS
_R = 80
_L = 16
_NCH = _N // _R
_NQ = _KP * _NCH
_NB = 8
_CPW = -(-_NQ // _NW)
_QPW = -(-_CPW // _NB) * _NB
_BPW = _CPW * _R
_PAD = _NW * _BPW - _K * _N


def _prep_body(pf_ref, acc_ref, out_ref):
    phase = pl.program_id(0)

    @pl.when(jnp.logical_and(phase == 0, pl.program_id(1) == 0))
    def _init():
        acc_ref[...] = jnp.zeros_like(acc_ref)

    pf = pf_ref[...]

    @pl.when(phase == 0)
    def _accum():
        part = jnp.sum(pf * pf, axis=0, keepdims=True)
        acc_ref[...] += jnp.broadcast_to(part, acc_ref.shape)

    ss = acc_ref[0:1, :]
    norm = jnp.maximum(jnp.sqrt(ss), 1e-12)
    col = lax.broadcasted_iota(jnp.int32, (1, _D), 1)
    rgb = (col >= 3) & (col < 6)
    scale = jnp.where(rgb, 1.0 / 255.0, 1.0 / norm)
    out_ref[...] = pf * scale


def _prep(pf):
    return pl.pallas_call(
        _prep_body,
        grid=(2, _S),
        in_specs=[pl.BlockSpec((_RB, _D), lambda p, i: (i, 0))],
        out_specs=[
            pl.BlockSpec((8, _D), lambda p, i: (0, 0)),
            pl.BlockSpec((_RB, _D), lambda p, i: (i, 0)),
        ],
        out_shape=[
            jax.ShapeDtypeStruct((8, _D), jnp.float32),
            jax.ShapeDtypeStruct((_N, _D), jnp.float32),
        ],
    )(pf)[1]


@functools.cache
def _sc_gather_fn():
    mesh = plsc.VectorSubcoreMesh(core_axis_name="c", subcore_axis_name="s")

    @functools.partial(
        pl.kernel,
        mesh=mesh,
        out_type=jax.ShapeDtypeStruct((_N, _KP * _D), jnp.float32),
        scratch_types=[
            pltpu.VMEM((_BPW,), jnp.int32),
            *[pltpu.VMEM((_R, _D), jnp.float32) for _ in range(_NB)],
            *[pltpu.SemaphoreType.DMA for _ in range(2 * _NB)],
        ],
    )
    def _sc_gather(table_hbm, idx_hbm, out_hbm, idx_v, *bufs_sems):
        bufs = bufs_sems[:_NB]
        gsems = bufs_sems[_NB:2 * _NB]
        wsems = bufs_sems[2 * _NB:]
        wid = lax.axis_index("s") * _NC + lax.axis_index("c")
        base = wid * _BPW
        pltpu.sync_copy(idx_hbm.at[pl.ds(base, _BPW)], idx_v)

        def _split(q):
            ct = q // _NCH
            r0 = (q - ct * _NCH) * _R
            return ct, r0

        def _dst(q):
            ct, r0 = _split(q)
            return out_hbm.at[pl.ds(r0, _R), pl.ds(ct * _D, _D)]

        @pl.loop(0, _QPW // _NB)
        def _block(i):
            for b in range(_NB):
                k = i * _NB + b
                q = wid * _CPW + k

                @pl.when(jnp.logical_and(i > 0, jnp.logical_and(k < _CPW, q < _NQ)))
                def _wait_write():
                    pltpu.make_async_copy(bufs[b], _dst(q), wsems[b]).wait()

                @pl.when(jnp.logical_and(k < _CPW, q < _NQ))
                def _fix_and_gather():
                    _, r0 = _split(q)
                    for j in range(_R // _L):
                        off = k * _R + j * _L
                        v = idx_v[pl.ds(off, _L)]
                        rowv = r0 + j * _L + lax.iota(jnp.int32, _L)
                        idx_v[pl.ds(off, _L)] = jnp.where(v == 0, rowv, v)
                    pltpu.async_copy(
                        table_hbm.at[idx_v.at[pl.ds(k * _R, _R)]],
                        bufs[b], gsems[b],
                    )

            for b in range(_NB):
                k = i * _NB + b
                q = wid * _CPW + k

                @pl.when(jnp.logical_and(k < _CPW, q < _NQ))
                def _write():
                    pltpu.make_async_copy(
                        table_hbm.at[idx_v.at[pl.ds(k * _R, _R)]],
                        bufs[b], gsems[b],
                    ).wait()
                    pltpu.async_copy(bufs[b], _dst(q), wsems[b])

        for b in range(_NB):
            k = (_QPW // _NB - 1) * _NB + b
            q = wid * _CPW + k

            @pl.when(jnp.logical_and(k < _CPW, q < _NQ))
            def _drain():
                pltpu.make_async_copy(bufs[b], _dst(q), wsems[b]).wait()

    return _sc_gather


def kernel(points_features, points_neighbor):
    pf_n = _prep(points_features)
    idx_flat = jnp.pad(points_neighbor.T.reshape(-1), (0, _PAD))
    return _sc_gather_fn()(pf_n, idx_flat)

# --- scband reference (transcript-rebuilt; emitter-appended) ---
"""Pipeline reference for scband-baseline-color-317827580563 (READ-ONLY COPY).

The authoritative reference and input builder live on the scoring server;
editing this copy changes nothing except your own understanding.
"""

import jax, jax.numpy as jnp
import numpy as np


def _l2norm_dim0(x, eps=1e-12):
    # torch.nn.functional.normalize(x, dim=0): divide each column by its L2 norm over rows
    n = jnp.sqrt(jnp.sum(x * x, axis=0, keepdims=True))
    return x / jnp.maximum(n, eps)


def setup_inputs(seed: int = 0) -> dict:
    key = jax.random.key(seed)
    k1, k2 = jax.random.split(key)
    N, D, K = 10000, 128, 32
    points_features = jax.random.normal(k1, (N, D), dtype=jnp.float32)
    points_neighbor = jax.random.randint(k2, (N, K), 0, N, dtype=jnp.int32)
    return {"points_features": points_features, "points_neighbor": points_neighbor}


def reference(points_features, points_neighbor):
    if points_features.shape[0] == 0:
        return points_features
    pf = points_features
    # points_features[:, 3:6] /= 255.0
    pf = pf.at[:, 3:6].set(pf[:, 3:6] / 255.0)
    # points_features[:, :3] = normalize(points_features[:, :3], dim=0)
    pf = pf.at[:, :3].set(_l2norm_dim0(pf[:, :3]))
    # points_features[:, 6:] = normalize(points_features[:, 6:], dim=0)
    pf = pf.at[:, 6:].set(_l2norm_dim0(pf[:, 6:]))
    N = points_neighbor.shape[0]
    # replace zero entries with the row (self) index
    row_idx = jnp.arange(N, dtype=points_neighbor.dtype)[:, None]
    pn = jnp.where(points_neighbor == 0, row_idx, points_neighbor)
    flat = pn.reshape(-1)
    xyz_aaa = jnp.take(pf, flat, axis=0).reshape(N, -1)
    pointnet_feas = jnp.concatenate([xyz_aaa, pf], axis=-1)
    return pointnet_feas

if __name__ == "__main__":
    import jax
    _d = setup_inputs()
    print(jax.jit(kernel)(*tuple(_d.values())))

</pallas_src>

<mosaic_0001>
#map = affine_map<(d0, d1) -> (0, 0)>
#map1 = affine_map<(d0, d1) -> (0)>
module attributes {stable_mosaic.version = 14 : i64} {
  func.func @_sc_gather(%arg0: i32, %arg1: i32, %arg2: memref<10000x128xf32, #tpu.memory_space<hbm>>, %arg3: memref<330240xi32, #tpu.memory_space<hbm>>, %arg4: memref<10000x4224xf32, #tpu.memory_space<hbm>>, %arg5: memref<10320xi32, #tpu.memory_space<vmem>>, %arg6: memref<80x128xf32, #tpu.memory_space<vmem>>, %arg7: memref<80x128xf32, #tpu.memory_space<vmem>>, %arg8: memref<80x128xf32, #tpu.memory_space<vmem>>, %arg9: memref<80x128xf32, #tpu.memory_space<vmem>>, %arg10: memref<80x128xf32, #tpu.memory_space<vmem>>, %arg11: memref<80x128xf32, #tpu.memory_space<vmem>>, %arg12: memref<80x128xf32, #tpu.memory_space<vmem>>, %arg13: memref<80x128xf32, #tpu.memory_space<vmem>>, %arg14: memref<!tpu.dma_semaphore, #tpu.memory_space<semaphore_mem>>, %arg15: memref<!tpu.dma_semaphore, #tpu.memory_space<semaphore_mem>>, %arg16: memref<!tpu.dma_semaphore, #tpu.memory_space<semaphore_mem>>, %arg17: memref<!tpu.dma_semaphore, #tpu.memory_space<semaphore_mem>>, %arg18: memref<!tpu.dma_semaphore, #tpu.memory_space<semaphore_mem>>, %arg19: memref<!tpu.dma_semaphore, #tpu.memory_space<semaphore_mem>>, %arg20: memref<!tpu.dma_semaphore, #tpu.memory_space<semaphore_mem>>, %arg21: memref<!tpu.dma_semaphore, #tpu.memory_space<semaphore_mem>>, %arg22: memref<!tpu.dma_semaphore, #tpu.memory_space<semaphore_mem>>, %arg23: memref<!tpu.dma_semaphore, #tpu.memory_space<semaphore_mem>>, %arg24: memref<!tpu.dma_semaphore, #tpu.memory_space<semaphore_mem>>, %arg25: memref<!tpu.dma_semaphore, #tpu.memory_space<semaphore_mem>>, %arg26: memref<!tpu.dma_semaphore, #tpu.memory_space<semaphore_mem>>, %arg27: memref<!tpu.dma_semaphore, #tpu.memory_space<semaphore_mem>>, %arg28: memref<!tpu.dma_semaphore, #tpu.memory_space<semaphore_mem>>, %arg29: memref<!tpu.dma_semaphore, #tpu.memory_space<semaphore_mem>>) attributes {dimension_semantics = [#tpu.dimension_semantics<core_parallel>, #tpu.dimension_semantics<subcore_parallel>], iteration_bounds = array<i64: 2, 16>, scalar_prefetch = 0 : i64, scratch_operands = 25 : i64, tpu.core_type = #tpu.core_type<sc_vector_subcore>, window_params = [{transform_indices = #map}, {transform_indices = #map1}, {transform_indices = #map}]} {
    %mul3A = arith.constant 2 : i32
    %mul3A_0 = arith.muli %arg1, %mul3A : i32
    %add3A = arith.addi %mul3A_0, %arg0 : i32
    %mul3A_1 = arith.constant 10320 : i32
    %mul3A_2 = arith.muli %add3A, %mul3A_1 : i32
    "tpu.region"() ({
      %run_scoped3A = tpu.sem_alloc : memref<!tpu.dma_semaphore, #tpu.memory_space<semaphore_mem>>
      %dma_start3A = tpu.memref_slice %arg3[%mul3A_2] : memref<330240xi32, #tpu.memory_space<hbm>> -> memref<10320xi32, #tpu.memory_space<hbm>>
      %dma_start3A_91 = tpu.memref_slice %arg3[%mul3A_2] : memref<330240xi32, #tpu.memory_space<hbm>> -> memref<10320xi32, #tpu.memory_space<hbm>>
      tpu.enqueue_dma source(%dma_start3A_91 : memref<10320xi32, #tpu.memory_space<hbm>>) target(%arg5 : memref<10320xi32, #tpu.memory_space<vmem>>) target_semaphore(%run_scoped3A : memref<!tpu.dma_semaphore, #tpu.memory_space<semaphore_mem>>)
      %dma_wait3A = tpu.memref_slice %arg3[%mul3A_2] : memref<330240xi32, #tpu.memory_space<hbm>> -> memref<10320xi32, #tpu.memory_space<hbm>>
      %dma_wait3A_92 = tpu.memref_slice %arg3[%mul3A_2] : memref<330240xi32, #tpu.memory_space<hbm>> -> memref<10320xi32, #tpu.memory_space<hbm>>
      tpu.wait_dma2 semaphore(%run_scoped3A : memref<!tpu.dma_semaphore, #tpu.memory_space<semaphore_mem>>) src(%dma_wait3A_92 : memref<10320xi32, #tpu.memory_space<hbm>>) dst(%arg5 : memref<10320xi32, #tpu.memory_space<vmem>>)
      tpu.yield
    }) : () -> ()
    %scan3A = arith.constant 0 : i32
    %scan3A_3 = arith.constant 17 : i32
    %scan3A_4 = arith.addi %scan3A, %scan3A_3 : i32
    %scan3A_5 = arith.constant 1 : i32
    scf.for %scan3A_91 = %scan3A to %scan3A_4 step %scan3A_5  : i32 {
      %mul3A_92 = arith.constant 1 : i32
      %mul3A_93 = arith.muli %scan3A_91, %mul3A_92 : i32
      %add3A_94 = arith.constant 0 : i32
      %add3A_95 = arith.addi %add3A_94, %mul3A_93 : i32
      %mul3A_96 = arith.constant 8 : i32
      %mul3A_97 = arith.muli %add3A_95, %mul3A_96 : i32
      %add3A_98 = arith.constant 0 : i32
      %add3A_99 = arith.addi %mul3A_97, %add3A_98 : i32
      %mul3A_100 = arith.constant 129 : i32
      %mul3A_101 = arith.muli %add3A, %mul3A_100 : i32
      %add3A_102 = arith.addi %mul3A_101, %add3A_99 : i32
      %gt3A = arith.constant 0 : i32
      %gt3A_103 = arith.cmpi sgt, %add3A_95, %gt3A : i32
      %lt3A_104 = arith.constant 129 : i32
      %lt3A_105 = arith.cmpi slt, %add3A_99, %lt3A_104 : i32
      %lt3A_106 = arith.constant 4125 : i32
      %lt3A_107 = arith.cmpi slt, %add3A_102, %lt3A_106 : i32
      %and3A_108 = arith.andi %lt3A_105, %lt3A_107 : i1
      %and3A_109 = arith.andi %gt3A_103, %and3A_108 : i1
      %convert_element_type3A_110 = arith.extui %and3A_109 : i1 to i32
      %cond3A_111 = arith.constant 0 : i32
      %cond3A_112 = arith.cmpi ne, %convert_element_type3A_110, %cond3A_111 : i32
      scf.if %cond3A_112 {
        %jit3A = arith.constant 125 : i32
        %div3A = arith.divsi %add3A_102, %jit3A : i32
        %sign3A = arith.constant 0 : i32
        %sign3A_423 = arith.cmpi sgt, %add3A_102, %sign3A : i32
        %sign3A_424 = arith.extui %sign3A_423 : i1 to i32
        %sign3A_425 = arith.constant 0 : i32
        %sign3A_426 = arith.cmpi slt, %add3A_102, %sign3A_425 : i32
        %sign3A_427 = arith.extui %sign3A_426 : i1 to i32
        %sign3A_428 = arith.subi %sign3A_424, %sign3A_427 : i32
        %sign3A_429 = arith.constant 0 : i32
        %sign3A_430 = arith.cmpi sgt, %jit3A, %sign3A_429 : i32
        %sign3A_431 = arith.extui %sign3A_430 : i1 to i32
        %sign3A_432 = arith.constant 0 : i32
        %sign3A_433 = arith.cmpi slt, %jit3A, %sign3A_432 : i32
        %sign3A_434 = arith.extui %sign3A_433 : i1 to i32
        %sign3A_435 = arith.subi %sign3A_431, %sign3A_434 : i32
        %ne3A = arith.cmpi ne, %sign3A_428, %sign3A_435 : i32
        %rem3A = arith.remsi %add3A_102, %jit3A : i32
        %ne3A_436 = arith.constant 0 : i32
        %ne3A_437 = arith.cmpi ne, %rem3A, %ne3A_436 : i32
        %and3A_438 = arith.andi %ne3A, %ne3A_437 : i1
        %sub3A = arith.constant 1 : i32
        %sub3A_439 = arith.subi %div3A, %sub3A : i32
        %select_n3A = arith.select %and3A_438, %sub3A_439, %div3A : i32
        %mul3A_440 = arith.constant 125 : i32
        %mul3A_441 = arith.muli %select_n3A, %mul3A_440 : i32
        %sub3A_442 = arith.subi %add3A_102, %mul3A_441 : i32
        %mul3A_443 = arith.constant 80 : i32
        %mul3A_444 = arith.muli %sub3A_442, %mul3A_443 : i32
        %mul3A_445 = arith.constant 128 : i32
        %mul3A_446 = arith.muli %select_n3A, %mul3A_445 : i32
        %dma_wait3A = tpu.memref_slice %arg4[%mul3A_444, %mul3A_446] : memref<10000x4224xf32, #tpu.memory_space<hbm>> -> memref<80x128xf32, #tpu.memory_space<hbm>>
        %dma_wait3A_447 = tpu.memref_slice %arg4[%mul3A_444, %mul3A_446] : memref<10000x4224xf32, #tpu.memory_space<hbm>> -> memref<80x128xf32, #tpu.memory_space<hbm>>
        tpu.wait_dma2 semaphore(%arg22 : memref<!tpu.dma_semaphore, #tpu.memory_space<semaphore_mem>>) src(%arg6 : memref<80x128xf32, #tpu.memory_space<vmem>>) dst(%dma_wait3A_447 : memref<80x128xf32, #tpu.memory_space<hbm>>)
      } else {
      }
      %lt3A_113 = arith.constant 129 : i32
      %lt3A_114 = arith.cmpi slt, %add3A_99, %lt3A_113 : i32
      %lt3A_115 = arith.constant 4125 : i32
      %lt3A_116 = arith.cmpi slt, %add3A_102, %lt3A_115 : i32
      %and3A_117 = arith.andi %lt3A_114, %lt3A_116 : i1
      %convert_element_type3A_118 = arith.extui %and3A_117 : i1 to i32
      %cond3A_119 = arith.constant 0 : i32
      %cond3A_120 = arith.cmpi ne, %convert_element_type3A_118, %cond3A_119 : i32
      scf.if %cond3A_120 {
        %jit3A = arith.constant 125 : i32
        %div3A = arith.divsi %add3A_102, %jit3A : i32
        %sign3A = arith.constant 0 : i32
        %sign3A_423 = arith.cmpi sgt, %add3A_102, %sign3A : i32
        %sign3A_424 = arith.extui %sign3A_423 : i1 to i32
        %sign3A_425 = arith.constant 0 : i32
        %sign3A_426 = arith.cmpi slt, %add3A_102, %sign3A_425 : i32
        %sign3A_427 = arith.extui %sign3A_426 : i1 to i32
        %sign3A_428 = arith.subi %sign3A_424, %sign3A_427 : i32
        %sign3A_429 = arith.constant 0 : i32
        %sign3A_430 = arith.cmpi sgt, %jit3A, %sign3A_429 : i32
        %sign3A_431 = arith.extui %sign3A_430 : i1 to i32
        %sign3A_432 = arith.constant 0 : i32
        %sign3A_433 = arith.cmpi slt, %jit3A, %sign3A_432 : i32
        %sign3A_434 = arith.extui %sign3A_433 : i1 to i32
        %sign3A_435 = arith.subi %sign3A_431, %sign3A_434 : i32
        %ne3A = arith.cmpi ne, %sign3A_428, %sign3A_435 : i32
        %rem3A = arith.remsi %add3A_102, %jit3A : i32
        %ne3A_436 = arith.constant 0 : i32
        %ne3A_437 = arith.cmpi ne, %rem3A, %ne3A_436 : i32
        %and3A_438 = arith.andi %ne3A, %ne3A_437 : i1
        %sub3A = arith.constant 1 : i32
        %sub3A_439 = arith.subi %div3A, %sub3A : i32
        %select_n3A = arith.select %and3A_438, %sub3A_439, %div3A : i32
        %mul3A_440 = arith.constant 125 : i32
        %mul3A_441 = arith.muli %select_n3A, %mul3A_440 : i32
        %sub3A_442 = arith.subi %add3A_102, %mul3A_441 : i32
        %mul3A_443 = arith.constant 80 : i32
        %mul3A_444 = arith.muli %sub3A_442, %mul3A_443 : i32
        %mul3A_445 = arith.constant 80 : i32
        %mul3A_446 = arith.muli %add3A_99, %mul3A_445 : i32
        %add3A_447 = arith.constant 0 : i32
        %add3A_448 = arith.addi %mul3A_446, %add3A_447 : i32
        %get3A = arith.index_cast %add3A_448 : i32 to index
        %get3A_449 = tpu.vector_load %arg5[%get3A] {strides = array<i32>} : memref<10320xi32, #tpu.memory_space<vmem>>, vector<16xi32>,
        %get3A_450 = vector.shape_cast %get3A_449 : vector<16xi32> to vector<16xi32>
        %add3A_451 = arith.constant 0 : i32
        %add3A_452 = arith.addi %mul3A_444, %add3A_451 : i32
        %iota3A = tpu.iota {dimensions = array<i32: 0>} : vector<16xi32>
        %add3A_453 = vector.broadcast %add3A_452 : i32 to vector<16xi32>
        %add3A_454 = arith.addi %add3A_453, %iota3A : vector<16xi32>
        %eq3A = arith.constant 0 : i32
        %eq3A_455 = vector.broadcast %eq3A : i32 to vector<16xi32>
        %eq3A_456 = arith.cmpi eq, %get3A_450, %eq3A_455 : vector<16xi32>
        %select_n3A_457 = arith.select %eq3A_456, %add3A_454, %get3A_450 : vector<16xi1>, vector<16xi32>
        %swap3A = arith.index_cast %add3A_448 : i32 to index
        %swap3A_458 = tpu.vector_load %arg5[%swap3A] {strides = array<i32>} : memref<10320xi32, #tpu.memory_space<vmem>>, vector<16xi32>,
        %swap3A_459 = vector.shape_cast %swap3A_458 : vector<16xi32> to vector<16xi32>
        %swap3A_460 = vector.shape_cast %select_n3A_457 : vector<16xi32> to vector<16xi32>
        tpu.vector_store %arg5[%swap3A], %swap3A_460 {strides = array<i32>} : memref<10320xi32, #tpu.memory_space<vmem>>, vector<16xi32>,
        %mul3A_461 = arith.constant 80 : i32
        %mul3A_462 = arith.muli %add3A_99, %mul3A_461 : i32
        %add3A_463 = arith.constant 16 : i32
        %add3A_464 = arith.addi %mul3A_462, %add3A_463 : i32
        %get3A_465 = arith.index_cast %add3A_464 : i32 to index
        %get3A_466 = tpu.vector_load %arg5[%get3A_465] {strides = array<i32>} : memref<10320xi32, #tpu.memory_space<vmem>>, vector<16xi32>,
        %get3A_467 = vector.shape_cast %get3A_466 : vector<16xi32> to vector<16xi32>
        %add3A_468 = arith.constant 16 : i32
        %add3A_469 = arith.addi %mul3A_444, %add3A_468 : i32
        %iota3A_470 = tpu.iota {dimensions = array<i32: 0>} : vector<16xi32>
        %add3A_471 = vector.broadcast %add3A_469 : i32 to vector<16xi32>
        %add3A_472 = arith.addi %add3A_471, %iota3A_470 : vector<16xi32>
        %eq3A_473 = arith.constant 0 : i32
        %eq3A_474 = vector.broadcast %eq3A_473 : i32 to vector<16xi32>
        %eq3A_475 = arith.cmpi eq, %get3A_467, %eq3A_474 : vector<16xi32>
        %select_n3A_476 = arith.select %eq3A_475, %add3A_472, %get3A_467 : vector<16xi1>, vector<16xi32>
        %swap3A_477 = arith.index_cast %add3A_464 : i32 to index
        %swap3A_478 = tpu.vector_load %arg5[%swap3A_477] {strides = array<i32>} : memref<10320xi32, #tpu.memory_space<vmem>>, vector<16xi32>,
        %swap3A_479 = vector.shape_cast %swap3A_478 : vector<16xi32> to vector<16xi32>
        %swap3A_480 = vector.shape_cast %select_n3A_476 : vector<16xi32> to vector<16xi32>
        tpu.vector_store %arg5[%swap3A_477], %swap3A_480 {strides = array<i32>} : memref<10320xi32, #tpu.memory_space<vmem>>, vector<16xi32>,
        %mul3A_481 = arith.constant 80 : i32
        %mul3A_482 = arith.muli %add3A_99, %mul3A_481 : i32
        %add3A_483 = arith.constant 32 : i32
        %add3A_484 = arith.addi %mul3A_482, %add3A_483 : i32
        %get3A_485 = arith.index_cast %add3A_484 : i32 to index
        %get3A_486 = tpu.vector_load %arg5[%get3A_485] {strides = array<i32>} : memref<10320xi32, #tpu.memory_space<vmem>>, vector<16xi32>,
        %get3A_487 = vector.shape_cast %get3A_486 : vector<16xi32> to vector<16xi32>
        %add3A_488 = arith.constant 32 : i32
        %add3A_489 = arith.addi %mul3A_444, %add3A_488 : i32
        %iota3A_490 = tpu.iota {dimensions = array<i32: 0>} : vector<16xi32>
        %add3A_491 = vector.broadcast %add3A_489 : i32 to vector<16xi32>
        %add3A_492 = arith.addi %add3A_491, %iota3A_490 : vector<16xi32>
        %eq3A_493 = arith.constant 0 : i32
        %eq3A_494 = vector.broadcast %eq3A_493 : i32 to vector<16xi32>
        %eq3A_495 = arith.cmpi eq, %get3A_487, %eq3A_494 : vector<16xi32>
        %select_n3A_496 = arith.select %eq3A_495, %add3A_492, %get3A_487 : vector<16xi1>, vector<16xi32>
        %swap3A_497 = arith.index_cast %add3A_484 : i32 to index
        %swap3A_498 = tpu.vector_load %arg5[%swap3A_497] {strides = array<i32>} : memref<10320xi32, #tpu.memory_space<vmem>>, vector<16xi32>,
        %swap3A_499 = vector.shape_cast %swap3A_498 : vector<16xi32> to vector<16xi32>
        %swap3A_500 = vector.shape_cast %select_n3A_496 : vector<16xi32> to vector<16xi32>
        tpu.vector_store %arg5[%swap3A_497], %swap3A_500 {strides = array<i32>} : memref<10320xi32, #tpu.memory_space<vmem>>, vector<16xi32>,
        %mul3A_501 = arith.constant 80 : i32
        %mul3A_502 = arith.muli %add3A_99, %mul3A_501 : i32
        %add3A_503 = arith.constant 48 : i32
        %add3A_504 = arith.addi %mul3A_502, %add3A_503 : i32
        %get3A_505 = arith.index_cast %add3A_504 : i32 to index
        %get3A_506 = tpu.vector_load %arg5[%get3A_505] {strides = array<i32>} : memref<10320xi32, #tpu.memory_space<vmem>>, vector<16xi32>,
        %get3A_507 = vector.shape_cast %get3A_506 : vector<16xi32> to vector<16xi32>
        %add3A_508 = arith.constant 48 : i32
        %add3A_509 = arith.addi %mul3A_444, %add3A_508 : i32
        %iota3A_510 = tpu.iota {dimensions = array<i32: 0>} : vector<16xi32>
        %add3A_511 = vector.broadcast %add3A_509 : i32 to vector<16xi32>
        %add3A_512 = arith.addi %add3A_511, %iota3A_510 : vector<16xi32>
        %eq3A_513 = arith.constant 0 : i32
        %eq3A_514 = vector.broadcast %eq3A_513 : i32 to vector<16xi32>
        %eq3A_515 = arith.cmpi eq, %get3A_507, %eq3A_514 : vector<16xi32>
        %select_n3A_516 = arith.select %eq3A_515, %add3A_512, %get3A_507 : vector<16xi1>, vector<16xi32>
        %swap3A_517 = arith.index_cast %add3A_504 : i32 to index
        %swap3A_518 = tpu.vector_load %arg5[%swap3A_517] {strides = array<i32>} : memref<10320xi32, #tpu.memory_space<vmem>>, vector<16xi32>,
        %swap3A_519 = vector.shape_cast %swap3A_518 : vector<16xi32> to vector<16xi32>
        %swap3A_520 = vector.shape_cast %select_n3A_516 : vector<16xi32> to vector<16xi32>
        tpu.vector_store %arg5[%swap3A_517], %swap3A_520 {strides = array<i32>} : memref<10320xi32, #tpu.memory_space<vmem>>, vector<16xi32>,
        %mul3A_521 = arith.constant 80 : i32
        %mul3A_522 = arith.muli %add3A_99, %mul3A_521 : i32
        %add3A_523 = arith.constant 64 : i32
        %add3A_524 = arith.addi %mul3A_522, %add3A_523 : i32
        %get3A_525 = arith.index_cast %add3A_524 : i32 to index
        %get3A_526 = tpu.vector_load %arg5[%get3A_525] {strides = array<i32>} : memref<10320xi32, #tpu.memory_space<vmem>>, vector<16xi32>,
        %get3A_527 = vector.shape_cast %get3A_526 : vector<16xi32> to vector<16xi32>
        %add3A_528 = arith.constant 64 : i32
        %add3A_529 = arith.addi %mul3A_444, %add3A_528 : i32
        %iota3A_530 = tpu.iota {dimensions = array<i32: 0>} : vector<16xi32>
        %add3A_531 = vector.broadcast %add3A_529 : i32 to vector<16xi32>
        %add3A_532 = arith.addi %add3A_531, %iota3A_530 : vector<16xi32>
        %eq3A_533 = arith.constant 0 : i32
        %eq3A_534 = vector.broadcast %eq3A_533 : i32 to vector<16xi32>
        %eq3A_535 = arith.cmpi eq, %get3A_527, %eq3A_534 : vector<16xi32>
        %select_n3A_536 = arith.select %eq3A_535, %add3A_532, %get3A_527 : vector<16xi1>, vector<16xi32>
        %swap3A_537 = arith.index_cast %add3A_524 : i32 to index
        %swap3A_538 = tpu.vector_load %arg5[%swap3A_537] {strides = array<i32>} : memref<10320xi32, #tpu.memory_space<vmem>>, vector<16xi32>,
        %swap3A_539 = vector.shape_cast %swap3A_538 : vector<16xi32> to vector<16xi32>
        %swap3A_540 = vector.shape_cast %select_n3A_536 : vector<16xi32> to vector<16xi32>
        tpu.vector_store %arg5[%swap3A_537], %swap3A_540 {strides = array<i32>} : memref<10320xi32, #tpu.memory_space<vmem>>, vector<16xi32>,
        %mul3A_541 = arith.constant 80 : i32
        %mul3A_542 = arith.muli %add3A_99, %mul3A_541 : i32
        %dma_start3A = tpu.memref_slice %arg5[%mul3A_542] : memref<10320xi32, #tpu.memory_space<vmem>> -> memref<80xi32, #tpu.memory_space<vmem>>
        %dma_start3A_543 = arith.constant 0 : i32
        %dma_start3A_544 = arith.constant 0 : i32
        %dma_start3A_545 = tpu.memref_slice %arg2[%dma_start3A_543, %dma_start3A_544] : memref<10000x128xf32, #tpu.memory_space<hbm>> -> memref<10000x128xf32, #tpu.memory_space<hbm>>
        tpu.enqueue_indirect_dma source(%dma_start3A_545 : memref<10000x128xf32, #tpu.memory_space<hbm>>) target(%arg6 : memref<80x128xf32, #tpu.memory_space<vmem>>) offsets(%dma_start3A : memref<80xi32, #tpu.memory_space<vmem>>) semaphore(%arg14 : memref<!tpu.dma_semaphore, #tpu.memory_space<semaphore_mem>>)
      } else {
      }
      %mul3A_121 = arith.constant 8 : i32
      %mul3A_122 = arith.muli %add3A_95, %mul3A_121 : i32
      %add3A_123 = arith.constant 1 : i32
      %add3A_124 = arith.addi %mul3A_122, %add3A_123 : i32
      %mul3A_125 = arith.constant 129 : i32
      %mul3A_126 = arith.muli %add3A, %mul3A_125 : i32
      %add3A_127 = arith.addi %mul3A_126, %add3A_124 : i32
      %gt3A_128 = arith.constant 0 : i32
      %gt3A_129 = arith.cmpi sgt, %add3A_95, %gt3A_128 : i32
      %lt3A_130 = arith.constant 129 : i32
      %lt3A_131 = arith.cmpi slt, %add3A_124, %lt3A_130 : i32
      %lt3A_132 = arith.constant 4125 : i32
      %lt3A_133 = arith.cmpi slt, %add3A_127, %lt3A_132 : i32
      %and3A_134 = arith.andi %lt3A_131, %lt3A_133 : i1
      %and3A_135 = arith.andi %gt3A_129, %and3A_134 : i1
      %convert_element_type3A_136 = arith.extui %and3A_135 : i1 to i32
      %cond3A_137 = arith.constant 0 : i32
      %cond3A_138 = arith.cmpi ne, %convert_element_type3A_136, %cond3A_137 : i32
      scf.if %cond3A_138 {
        %jit3A = arith.constant 125 : i32
        %div3A = arith.divsi %add3A_127, %jit3A : i32
        %sign3A = arith.constant 0 : i32
        %sign3A_423 = arith.cmpi sgt, %add3A_127, %sign3A : i32
        %sign3A_424 = arith.extui %sign3A_423 : i1 to i32
        %sign3A_425 = arith.constant 0 : i32
        %sign3A_426 = arith.cmpi slt, %add3A_127, %sign3A_425 : i32
        %sign3A_427 = arith.extui %sign3A_426 : i1 to i32
        %sign3A_428 = arith.subi %sign3A_424, %sign3A_427 : i32
        %sign3A_429 = arith.constant 0 : i32
        %sign3A_430 = arith.cmpi sgt, %jit3A, %sign3A_429 : i32
        %sign3A_431 = arith.extui %sign3A_430 : i1 to i32
        %sign3A_432 = arith.constant 0 : i32
        %sign3A_433 = arith.cmpi slt, %jit3A, %sign3A_432 : i32
        %sign3A_434 = arith.extui %sign3A_433 : i1 to i32
        %sign3A_435 = arith.subi %sign3A_431, %sign3A_434 : i32
        %ne3A = arith.cmpi ne, %sign3A_428, %sign3A_435 : i32
        %rem3A = arith.remsi %add3A_127, %jit3A : i32
        %ne3A_436 = arith.constant 0 : i32
        %ne3A_437 = arith.cmpi ne, %rem3A, %ne3A_436 : i32
        %and3A_438 = arith.andi %ne3A, %ne3A_437 : i1
        %sub3A = arith.constant 1 : i32
        %sub3A_439 = arith.subi %div3A, %sub3A : i32
        %select_n3A = arith.select %and3A_438, %sub3A_439, %div3A : i32
        %mul3A_440 = arith.constant 125 : i32
        %mul3A_441 = arith.muli %select_n3A, %mul3A_440 : i32
        %sub3A_442 = arith.subi %add3A_127, %mul3A_441 : i32
        %mul3A_443 = arith.constant 80 : i32
        %mul3A_444 = arith.muli %sub3A_442, %mul3A_443 : i32
        %mul3A_445 = arith.constant 128 : i32
        %mul3A_446 = arith.muli %select_n3A, %mul3A_445 : i32
        %dma_wait3A = tpu.memref_slice %arg4[%mul3A_444, %mul3A_446] : memref<10000x4224xf32, #tpu.memory_space<hbm>> -> memref<80x128xf32, #tpu.memory_space<hbm>>
        %dma_wait3A_447 = tpu.memref_slice %arg4[%mul3A_444, %mul3A_446] : memref<10000x4224xf32, #tpu.memory_space<hbm>> -> memref<80x128xf32, #tpu.memory_space<hbm>>
        tpu.wait_dma2 semaphore(%arg23 : memref<!tpu.dma_semaphore, #tpu.memory_space<semaphore_mem>>) src(%arg7 : memref<80x128xf32, #tpu.memory_space<vmem>>) dst(%dma_wait3A_447 : memref<80x128xf32, #tpu.memory_space<hbm>>)
      } else {
      }
      %lt3A_139 = arith.constant 129 : i32
      %lt3A_140 = arith.cmpi slt, %add3A_124, %lt3A_139 : i32
      %lt3A_141 = arith.constant 4125 : i32
      %lt3A_142 = arith.cmpi slt, %add3A_127, %lt3A_141 : i32
      %and3A_143 = arith.andi %lt3A_140, %lt3A_142 : i1
      %convert_element_type3A_144 = arith.extui %and3A_143 : i1 to i32
      %cond3A_145 = arith.constant 0 : i32
      %cond3A_146 = arith.cmpi ne, %convert_element_type3A_144, %cond3A_145 : i32
      scf.if %cond3A_146 {
        %jit3A = arith.constant 125 : i32
        %div3A = arith.divsi %add3A_127, %jit3A : i32
        %sign3A = arith.constant 0 : i32
        %sign3A_423 = arith.cmpi sgt, %add3A_127, %sign3A : i32
        %sign3A_424 = arith.extui %sign3A_423 : i1 to i32
        %sign3A_425 = arith.constant 0 : i32
        %sign3A_426 = arith.cmpi slt, %add3A_127, %sign3A_425 : i32
        %sign3A_427 = arith.extui %sign3A_426 : i1 to i32
        %sign3A_428 = arith.subi %sign3A_424, %sign3A_427 : i32
        %sign3A_429 = arith.constant 0 : i32
        %sign3A_430 = arith.cmpi sgt, %jit3A, %sign3A_429 : i32
        %sign3A_431 = arith.extui %sign3A_430 : i1 to i32
        %sign3A_432 = arith.constant 0 : i32
        %sign3A_433 = arith.cmpi slt, %jit3A, %sign3A_432 : i32
        %sign3A_434 = arith.extui %sign3A_433 : i1 to i32
        %sign3A_435 = arith.subi %sign3A_431, %sign3A_434 : i32
        %ne3A = arith.cmpi ne, %sign3A_428, %sign3A_435 : i32
        %rem3A = arith.remsi %add3A_127, %jit3A : i32
        %ne3A_436 = arith.constant 0 : i32
        %ne3A_437 = arith.cmpi ne, %rem3A, %ne3A_436 : i32
        %and3A_438 = arith.andi %ne3A, %ne3A_437 : i1
        %sub3A = arith.constant 1 : i32
        %sub3A_439 = arith.subi %div3A, %sub3A : i32
        %select_n3A = arith.select %and3A_438, %sub3A_439, %div3A : i32
        %mul3A_440 = arith.constant 125 : i32
        %mul3A_441 = arith.muli %select_n3A, %mul3A_440 : i32
        %sub3A_442 = arith.subi %add3A_127, %mul3A_441 : i32
        %mul3A_443 = arith.constant 80 : i32
        %mul3A_444 = arith.muli %sub3A_442, %mul3A_443 : i32
        %mul3A_445 = arith.constant 80 : i32
        %mul3A_446 = arith.muli %add3A_124, %mul3A_445 : i32
        %add3A_447 = arith.constant 0 : i32
        %add3A_448 = arith.addi %mul3A_446, %add3A_447 : i32
        %get3A = arith.index_cast %add3A_448 : i32 to index
        %get3A_449 = tpu.vector_load %arg5[%get3A] {strides = array<i32>} : memref<10320xi32, #tpu.memory_space<vmem>>, vector<16xi32>,
        %get3A_450 = vector.shape_cast %get3A_449 : vector<16xi32> to vector<16xi32>
        %add3A_451 = arith.constant 0 : i32
        %add3A_452 = arith.addi %mul3A_444, %add3A_451 : i32
        %iota3A = tpu.iota {dimensions = array<i32: 0>} : vector<16xi32>
        %add3A_453 = vector.broadcast %add3A_452 : i32 to vector<16xi32>
        %add3A_454 = arith.addi %add3A_453, %iota3A : vector<16xi32>
        %eq3A = arith.constant 0 : i32
        %eq3A_455 = vector.broadcast %eq3A : i32 to vector<16xi32>
        %eq3A_456 = arith.cmpi eq, %get3A_450, %eq3A_455 : vector<16xi32>
        %select_n3A_457 = arith.select %eq3A_456, %add3A_454, %get3A_450 : vector<16xi1>, vector<16xi32>
        %swap3A = arith.index_cast %add3A_448 : i32 to index
        %swap3A_458 = tpu.vector_load %arg5[%swap3A] {strides = array<i32>} : memref<10320xi32, #tpu.memory_space<vmem>>, vector<16xi32>,
        %swap3A_459 = vector.shape_cast %swap3A_458 : vector<16xi32> to vector<16xi32>
        %swap3A_460 = vector.shape_cast %select_n3A_457 : vector<16xi32> to vector<16xi32>
        tpu.vector_store %arg5[%swap3A], %swap3A_460 {strides = array<i32>} : memref<10320xi32, #tpu.memory_space<vmem>>, vector<16xi32>,
        %mul3A_461 = arith.constant 80 : i32
        %mul3A_462 = arith.muli %add3A_124, %mul3A_461 : i32
        %add3A_463 = arith.constant 16 : i32
        %add3A_464 = arith.addi %mul3A_462, %add3A_463 : i32
        %get3A_465 = arith.index_cast %add3A_464 : i32 to index
        %get3A_466 = tpu.vector_load %arg5[%get3A_465] {strides = array<i32>} : memref<10320xi32, #tpu.memory_space<vmem>>, vector<16xi32>,
        %get3A_467 = vector.shape_cast %get3A_466 : vector<16xi32> to vector<16xi32>
        %add3A_468 = arith.constant 16 : i32
        %add3A_469 = arith.addi %mul3A_444, %add3A_468 : i32
        %iota3A_470 = tpu.iota {dimensions = array<i32: 0>} : vector<16xi32>
        %add3A_471 = vector.broadcast %add3A_469 : i32 to vector<16xi32>
        %add3A_472 = arith.addi %add3A_471, %iota3A_470 : vector<16xi32>
        %eq3A_473 = arith.constant 0 : i32
        %eq3A_474 = vector.broadcast %eq3A_473 : i32 to vector<16xi32>
        %eq3A_475 = arith.cmpi eq, %get3A_467, %eq3A_474 : vector<16xi32>
        %select_n3A_476 = arith.select %eq3A_475, %add3A_472, %get3A_467 : vector<16xi1>, vector<16xi32>
        %swap3A_477 = arith.index_cast %add3A_464 : i32 to index
        %swap3A_478 = tpu.vector_load %arg5[%swap3A_477] {strides = array<i32>} : memref<10320xi32, #tpu.memory_space<vmem>>, vector<16xi32>,
        %swap3A_479 = vector.shape_cast %swap3A_478 : vector<16xi32> to vector<16xi32>
        %swap3A_480 = vector.shape_cast %select_n3A_476 : vector<16xi32> to vector<16xi32>
        tpu.vector_store %arg5[%swap3A_477], %swap3A_480 {strides = array<i32>} : memref<10320xi32, #tpu.memory_space<vmem>>, vector<16xi32>,
        %mul3A_481 = arith.constant 80 : i32
        %mul3A_482 = arith.muli %add3A_124, %mul3A_481 : i32
        %add3A_483 = arith.constant 32 : i32
        %add3A_484 = arith.addi %mul3A_482, %add3A_483 : i32
        %get3A_485 = arith.index_cast %add3A_484 : i32 to index
        %get3A_486 = tpu.vector_load %arg5[%get3A_485] {strides = array<i32>} : memref<10320xi32, #tpu.memory_space<vmem>>, vector<16xi32>,
        %get3A_487 = vector.shape_cast %get3A_486 : vector<16xi32> to vector<16xi32>
        %add3A_488 = arith.constant 32 : i32
        %add3A_489 = arith.addi %mul3A_444, %add3A_488 : i32
        %iota3A_490 = tpu.iota {dimensions = array<i32: 0>} : vector<16xi32>
        %add3A_491 = vector.broadcast %add3A_489 : i32 to vector<16xi32>
        %add3A_492 = arith.addi %add3A_491, %iota3A_490 : vector<16xi32>
        %eq3A_493 = arith.constant 0 : i32
        %eq3A_494 = vector.broadcast %eq3A_493 : i32 to vector<16xi32>
        %eq3A_495 = arith.cmpi eq, %get3A_487, %eq3A_494 : vector<16xi32>
        %select_n3A_496 = arith.select %eq3A_495, %add3A_492, %get3A_487 : vector<16xi1>, vector<16xi32>
        %swap3A_497 = arith.index_cast %add3A_484 : i32 to index
        %swap3A_498 = tpu.vector_load %arg5[%swap3A_497] {strides = array<i32>} : memref<10320xi32, #tpu.memory_space<vmem>>, vector<16xi32>,
        %swap3A_499 = vector.shape_cast %swap3A_498 : vector<16xi32> to vector<16xi32>
        %swap3A_500 = vector.shape_cast %select_n3A_496 : vector<16xi32> to vector<16xi32>
        tpu.vector_store %arg5[%swap3A_497], %swap3A_500 {strides = array<i32>} : memref<10320xi32, #tpu.memory_space<vmem>>, vector<16xi32>,
        %mul3A_501 = arith.constant 80 : i32
        %mul3A_502 = arith.muli %add3A_124, %mul3A_501 : i32
        %add3A_503 = arith.constant 48 : i32
        %add3A_504 = arith.addi %mul3A_502, %add3A_503 : i32
        %get3A_505 = arith.index_cast %add3A_504 : i32 to index
        %get3A_506 = tpu.vector_load %arg5[%get3A_505] {strides = array<i32>} : memref<10320xi32, #tpu.memory_space<vmem>>, vector<16xi32>,
        %get3A_507 = vector.shape_cast %get3A_506 : vector<16xi32> to vector<16xi32>
        %add3A_508 = arith.constant 48 : i32
        %add3A_509 = arith.addi %mul3A_444, %add3A_508 : i32
        %iota3A_510 = tpu.iota {dimensions = array<i32: 0>} : vector<16xi32>
        %add3A_511 = vector.broadcast %add3A_509 : i32 to vector<16xi32>
        %add3A_512 = arith.addi %add3A_511, %iota3A_510 : vector<16xi32>
        %eq3A_513 = arith.constant 0 : i32
        %eq3A_514 = vector.broadcast %eq3A_513 : i32 to vector<16xi32>
        %eq3A_515 = arith.cmpi eq, %get3A_507, %eq3A_514 : vector<16xi32>
        %select_n3A_516 = arith.select %eq3A_515, %add3A_512, %get3A_507 : vector<16xi1>, vector<16xi32>
        %swap3A_517 = arith.index_cast %add3A_504 : i32 to index
        %swap3A_518 = tpu.vector_load %arg5[%swap3A_517] {strides = array<i32>} : memref<10320xi32, #tpu.memory_space<vmem>>, vector<16xi32>,
        %swap3A_519 = vector.shape_cast %swap3A_518 : vector<16xi32> to vector<16xi32>
        %swap3A_520 = vector.shape_cast %select_n3A_516 : vector<16xi32> to vector<16xi32>
        tpu.vector_store %arg5[%swap3A_517], %swap3A_520 {strides = array<i32>} : memref<10320xi32, #tpu.memory_space<vmem>>, vector<16xi32>,
        %mul3A_521 = arith.constant 80 : i32
        %mul3A_522 = arith.muli %add3A_124, %mul3A_521 : i32
        %add3A_523 = arith.constant 64 : i32
        %add3A_524 = arith.addi %mul3A_522, %add3A_523 : i32
        %get3A_525 = arith.index_cast %add3A_524 : i32 to index
        %get3A_526 = tpu.vector_load %arg5[%get3A_525] {strides = array<i32>} : memref<10320xi32, #tpu.memory_space<vmem>>, vector<16xi32>,
        %get3A_527 = vector.shape_cast %get3A_526 : vector<16xi32> to vector<16xi32>
        %add3A_528 = arith.constant 64 : i32
        %add3A_529 = arith.addi %mul3A_444, %add3A_528 : i32
        %iota3A_530 = tpu.iota {dimensions = array<i32: 0>} : vector<16xi32>
        %add3A_531 = vector.broadcast %add3A_529 : i32 to vector<16xi32>
        %add3A_532 = arith.addi %add3A_531, %iota3A_530 : vector<16xi32>
        %eq3A_533 = arith.constant 0 : i32
        %eq3A_534 = vector.broadcast %eq3A_533 : i32 to vector<16xi32>
        %eq3A_535 = arith.cmpi eq, %get3A_527, %eq3A_534 : vector<16xi32>
        %select_n3A_536 = arith.select %eq3A_535, %add3A_532, %get3A_527 : vector<16xi1>, vector<16xi32>
        %swap3A_537 = arith.index_cast %add3A_524 : i32 to index
        %swap3A_538 = tpu.vector_load %arg5[%swap3A_537] {strides = array<i32>} : memref<10320xi32, #tpu.memory_space<vmem>>, vector<16xi32>,
        %swap3A_539 = vector.shape_cast %swap3A_538 : vector<16xi32> to vector<16xi32>
        %swap3A_540 = vector.shape_cast %select_n3A_536 : vector<16xi32> to vector<16xi32>
        tpu.vector_store %arg5[%swap3A_537], %swap3A_540 {strides = array<i32>} : memref<10320xi32, #tpu.memory_space<vmem>>, vector<16xi32>,
        %mul3A_541 = arith.constant 80 : i32
        %mul3A_542 = arith.muli %add3A_124, %mul3A_541 : i32
        %dma_start3A = tpu.memref_slice %arg5[%mul3A_542] : memref<10320xi32, #tpu.memory_space<vmem>> -> memref<80xi32, #tpu.memory_space<vmem>>
        %dma_start3A_543 = arith.constant 0 : i32
        %dma_start3A_544 = arith.constant 0 : i32
        %dma_start3A_545 = tpu.memref_slice %arg2[%dma_start3A_543, %dma_start3A_544] : memref<10000x128xf32, #tpu.memory_space<hbm>> -> memref<10000x128xf32, #tpu.memory_space<hbm>>
        tpu.enqueue_indirect_dma source(%dma_start3A_545 : memref<10000x128xf32, #tpu.memory_space<hbm>>) target(%arg7 : memref<80x128xf32, #tpu.memory_space<vmem>>) offsets(%dma_start3A : memref<80xi32, #tpu.memory_space<vmem>>) semaphore(%arg15 : memref<!tpu.dma_semaphore, #tpu.memory_space<semaphore_mem>>)
      } else {
      }
      %mul3A_147 = arith.constant 8 : i32
      %mul3A_148 = arith.muli %add3A_95, %mul3A_147 : i32
      %add3A_149 = arith.constant 2 : i32
      %add3A_150 = arith.addi %mul3A_148, %add3A_149 : i32
      %mul3A_151 = arith.constant 129 : i32
      %mul3A_152 = arith.muli %add3A, %mul3A_151 : i32
      %add3A_153 = arith.addi %mul3A_152, %add3A_150 : i32
      %gt3A_154 = arith.constant 0 : i32
      %gt3A_155 = arith.cmpi sgt, %add3A_95, %gt3A_154 : i32
      %lt3A_156 = arith.constant 129 : i32
      %lt3A_157 = arith.cmpi slt, %add3A_150, %lt3A_156 : i32
      %lt3A_158 = arith.constant 4125 : i32
      %lt3A_159 = arith.cmpi slt, %add3A_153, %lt3A_158 : i32
      %and3A_160 = arith.andi %lt3A_157, %lt3A_159 : i1
      %and3A_161 = arith.andi %gt3A_155, %and3A_160 : i1
      %convert_element_type3A_162 = arith.extui %and3A_161 : i1 to i32
      %cond3A_163 = arith.constant 0 : i32
      %cond3A_164 = arith.cmpi ne, %convert_element_type3A_162, %cond3A_163 : i32
      scf.if %cond3A_164 {
        %jit3A = arith.constant 125 : i32
        %div3A = arith.divsi %add3A_153, %jit3A : i32
        %sign3A = arith.constant 0 : i32
        %sign3A_423 = arith.cmpi sgt, %add3A_153, %sign3A : i32
        %sign3A_424 = arith.extui %sign3A_423 : i1 to i32
        %sign3A_425 = arith.constant 0 : i32
        %sign3A_426 = arith.cmpi slt, %add3A_153, %sign3A_425 : i32
        %sign3A_427 = arith.extui %sign3A_426 : i1 to i32
        %sign3A_428 = arith.subi %sign3A_424, %sign3A_427 : i32
        %sign3A_429 = arith.constant 0 : i32
        %sign3A_430 = arith.cmpi sgt, %jit3A, %sign3A_429 : i32
        %sign3A_431 = arith.extui %sign3A_430 : i1 to i32
        %sign3A_432 = arith.constant 0 : i32
        %sign3A_433 = arith.cmpi slt, %jit3A, %sign3A_432 : i32
        %sign3A_434 = arith.extui %sign3A_433 : i1 to i32
        %sign3A_435 = arith.subi %sign3A_431, %sign3A_434 : i32
        %ne3A = arith.cmpi ne, %sign3A_428, %sign3A_435 : i32
        %rem3A = arith.remsi %add3A_153, %jit3A : i32
        %ne3A_436 = arith.constant 0 : i32
        %ne3A_437 = arith.cmpi ne, %rem3A, %ne3A_436 : i32
        %and3A_438 = arith.andi %ne3A, %ne3A_437 : i1
        %sub3A = arith.constant 1 : i32
        %sub3A_439 = arith.subi %div3A, %sub3A : i32
        %select_n3A = arith.select %and3A_438, %sub3A_439, %div3A : i32
        %mul3A_440 = arith.constant 125 : i32
        %mul3A_441 = arith.muli %select_n3A, %mul3A_440 : i32
        %sub3A_442 = arith.subi %add3A_153, %mul3A_441 : i32
        %mul3A_443 = arith.constant 80 : i32
        %mul3A_444 = arith.muli %sub3A_442, %mul3A_443 : i32
        %mul3A_445 = arith.constant 128 : i32
        %mul3A_446 = arith.muli %select_n3A, %mul3A_445 : i32
        %dma_wait3A = tpu.memref_slice %arg4[%mul3A_444, %mul3A_446] : memref<10000x4224xf32, #tpu.memory_space<hbm>> -> memref<80x128xf32, #tpu.memory_space<hbm>>
        %dma_wait3A_447 = tpu.memref_slice %arg4[%mul3A_444, %mul3A_446] : memref<10000x4224xf32, #tpu.memory_space<hbm>> -> memref<80x128xf32, #tpu.memory_space<hbm>>
        tpu.wait_dma2 semaphore(%arg24 : memref<!tpu.dma_semaphore, #tpu.memory_space<semaphore_mem>>) src(%arg8 : memref<80x128xf32, #tpu.memory_space<vmem>>) dst(%dma_wait3A_447 : memref<80x128xf32, #tpu.memory_space<hbm>>)
      } else {
      }
      %lt3A_165 = arith.constant 129 : i32
      %lt3A_166 = arith.cmpi slt, %add3A_150, %lt3A_165 : i32
      %lt3A_167 = arith.constant 4125 : i32
      %lt3A_168 = arith.cmpi slt, %add3A_153, %lt3A_167 : i32
      %and3A_169 = arith.andi %lt3A_166, %lt3A_168 : i1
      %convert_element_type3A_170 = arith.extui %and3A_169 : i1 to i32
      %cond3A_171 = arith.constant 0 : i32
      %cond3A_172 = arith.cmpi ne, %convert_element_type3A_170, %cond3A_171 : i32
      scf.if %cond3A_172 {
        %jit3A = arith.constant 125 : i32
        %div3A = arith.divsi %add3A_153, %jit3A : i32
        %sign3A = arith.constant 0 : i32
        %sign3A_423 = arith.cmpi sgt, %add3A_153, %sign3A : i32
        %sign3A_424 = arith.extui %sign3A_423 : i1 to i32
        %sign3A_425 = arith.constant 0 : i32
        %sign3A_426 = arith.cmpi slt, %add3A_153, %sign3A_425 : i32
        %sign3A_427 = arith.extui %sign3A_426 : i1 to i32
        %sign3A_428 = arith.subi %sign3A_424, %sign3A_427 : i32
        %sign3A_429 = arith.constant 0 : i32
        %sign3A_430 = arith.cmpi sgt, %jit3A, %sign3A_429 : i32
        %sign3A_431 = arith.extui %sign3A_430 : i1 to i32
        %sign3A_432 = arith.constant 0 : i32
        %sign3A_433 = arith.cmpi slt, %jit3A, %sign3A_432 : i32
        %sign3A_434 = arith.extui %sign3A_433 : i1 to i32
        %sign3A_435 = arith.subi %sign3A_431, %sign3A_434 : i32
        %ne3A = arith.cmpi ne, %sign3A_428, %sign3A_435 : i32
        %rem3A = arith.remsi %add3A_153, %jit3A : i32
        %ne3A_436 = arith.constant 0 : i32
        %ne3A_437 = arith.cmpi ne, %rem3A, %ne3A_436 : i32
        %and3A_438 = arith.andi %ne3A, %ne3A_437 : i1
        %sub3A = arith.constant 1 : i32
        %sub3A_439 = arith.subi %div3A, %sub3A : i32
        %select_n3A = arith.select %and3A_438, %sub3A_439, %div3A : i32
        %mul3A_440 = arith.constant 125 : i32
        %mul3A_441 = arith.muli %select_n3A, %mul3A_440 : i32
        %sub3A_442 = arith.subi %add3A_153, %mul3A_441 : i32
        %mul3A_443 = arith.constant 80 : i32
        %mul3A_444 = arith.muli %sub3A_442, %mul3A_443 : i32
        %mul3A_445 = arith.constant 80 : i32
        %mul3A_446 = arith.muli %add3A_150, %mul3A_445 : i32
        %add3A_447 = arith.constant 0 : i32
        %add3A_448 = arith.addi %mul3A_446, %add3A_447 : i32
        %get3A = arith.index_cast %add3A_448 : i32 to index
        %get3A_449 = tpu.vector_load %arg5[%get3A] {strides = array<i32>} : memref<10320xi32, #tpu.memory_space<vmem>>, vector<16xi32>,
        %get3A_450 = vector.shape_cast %get3A_449 : vector<16xi32> to vector<16xi32>
        %add3A_451 = arith.constant 0 : i32
        %add3A_452 = arith.addi %mul3A_444, %add3A_451 : i32
        %iota3A = tpu.iota {dimensions = array<i32: 0>} : vector<16xi32>
        %add3A_453 = vector.broadcast %add3A_452 : i32 to vector<16xi32>
        %add3A_454 = arith.addi %add3A_453, %iota3A : vector<16xi32>
        %eq3A = arith.constant 0 : i32
        %eq3A_455 = vector.broadcast %eq3A : i32 to vector<16xi32>
        %eq3A_456 = arith.cmpi eq, %get3A_450, %eq3A_455 : vector<16xi32>
        %select_n3A_457 = arith.select %eq3A_456, %add3A_454, %get3A_450 : vector<16xi1>, vector<16xi32>
        %swap3A = arith.index_cast %add3A_448 : i32 to index
        %swap3A_458 = tpu.vector_load %arg5[%swap3A] {strides = array<i32>} : memref<10320xi32, #tpu.memory_space<vmem>>, vector<16xi32>,
        %swap3A_459 = vector.shape_cast %swap3A_458 : vector<16xi32> to vector<16xi32>
        %swap3A_460 = vector.shape_cast %select_n3A_457 : vector<16xi32> to vector<16xi32>
        tpu.vector_store %arg5[%swap3A], %swap3A_460 {strides = array<i32>} : memref<10320xi32, #tpu.memory_space<vmem>>, vector<16xi32>,
        %mul3A_461 = arith.constant 80 : i32
        %mul3A_462 = arith.muli %add3A_150, %mul3A_461 : i32
        %add3A_463 = arith.constant 16 : i32
        %add3A_464 = arith.addi %mul3A_462, %add3A_463 : i32
        %get3A_465 = arith.index_cast %add3A_464 : i32 to index
        %get3A_466 = tpu.vector_load %arg5[%get3A_465] {strides = array<i32>} : memref<10320xi32, #tpu.memory_space<vmem>>, vector<16xi32>,
        %get3A_467 = vector.shape_cast %get3A_466 : vector<16xi32> to vector<16xi32>
        %add3A_468 = arith.constant 16 : i32
        %add3A_469 = arith.addi %mul3A_444, %add3A_468 : i32
        %iota3A_470 = tpu.iota {dimensions = array<i32: 0>} : vector<16xi32>
        %add3A_471 = vector.broadcast %add3A_469 : i32 to vector<16xi32>
        %add3A_472 = arith.addi %add3A_471, %iota3A_470 : vector<16xi32>
        %eq3A_473 = arith.constant 0 : i32
        %eq3A_474 = vector.broadcast %eq3A_473 : i32 to vector<16xi32>
        %eq3A_475 = arith.cmpi eq, %get3A_467, %eq3A_474 : vector<16xi32>
        %select_n3A_476 = arith.select %eq3A_475, %add3A_472, %get3A_467 : vector<16xi1>, vector<16xi32>
        %swap3A_477 = arith.index_cast %add3A_464 : i32 to index
        %swap3A_478 = tpu.vector_load %arg5[%swap3A_477] {strides = array<i32>} : memref<10320xi32, #tpu.memory_space<vmem>>, vector<16xi32>,
        %swap3A_479 = vector.shape_cast %swap3A_478 : vector<16xi32> to vector<16xi32>
        %swap3A_480 = vector.shape_cast %select_n3A_476 : vector<16xi32> to vector<16xi32>
        tpu.vector_store %arg5[%swap3A_477], %swap3A_480 {strides = array<i32>} : memref<10320xi32, #tpu.memory_space<vmem>>, vector<16xi32>,
        %mul3A_481 = arith.constant 80 : i32
        %mul3A_482 = arith.muli %add3A_150, %mul3A_481 : i32
        %add3A_483 = arith.constant 32 : i32
        %add3A_484 = arith.addi %mul3A_482, %add3A_483 : i32
        %get3A_485 = arith.index_cast %add3A_484 : i32 to index
        %get3A_486 = tpu.vector_load %arg5[%get3A_485] {strides = array<i32>} : memref<10320xi32, #tpu.memory_space<vmem>>, vector<16xi32>,
        %get3A_487 = vector.shape_cast %get3A_486 : vector<16xi32> to vector<16xi32>
        %add3A_488 = arith.constant 32 : i32
        %add3A_489 = arith.addi %mul3A_444, %add3A_488 : i32
        %iota3A_490 = tpu.iota {dimensions = array<i32: 0>} : vector<16xi32>
        %add3A_491 = vector.broadcast %add3A_489 : i32 to vector<16xi32>
        %add3A_492 = arith.addi %add3A_491, %iota3A_490 : vector<16xi32>
        %eq3A_493 = arith.constant 0 : i32
        %eq3A_494 = vector.broadcast %eq3A_493 : i32 to vector<16xi32>
        %eq3A_495 = arith.cmpi eq, %get3A_487, %eq3A_494 : vector<16xi32>
        %select_n3A_496 = arith.select %eq3A_495, %add3A_492, %get3A_487 : vector<16xi1>, vector<16xi32>
        %swap3A_497 = arith.index_cast %add3A_484 : i32 to index
        %swap3A_498 = tpu.vector_load %arg5[%swap3A_497] {strides = array<i32>} : memref<10320xi32, #tpu.memory_space<vmem>>, vector<16xi32>,
        %swap3A_499 = vector.shape_cast %swap3A_498 : vector<16xi32> to vector<16xi32>
        %swap3A_500 = vector.shape_cast %select_n3A_496 : vector<16xi32> to vector<16xi32>
        tpu.vector_store %arg5[%swap3A_497], %swap3A_500 {strides = array<i32>} : memref<10320xi32, #tpu.memory_space<vmem>>, vector<16xi32>,
        %mul3A_501 = arith.constant 80 : i32
        %mul3A_502 = arith.muli %add3A_150, %mul3A_501 : i32
        %add3A_503 = arith.constant 48 : i32
        %add3A_504 = arith.addi %mul3A_502, %add3A_503 : i32
        %get3A_505 = arith.index_cast %add3A_504 : i32 to index
        %get3A_506 = tpu.vector_load %arg5[%get3A_505] {strides = array<i32>} : memref<10320xi32, #tpu.memory_space<vmem>>, vector<16xi32>,
        %get3A_507 = vector.shape_cast %get3A_506 : vector<16xi32> to vector<16xi32>
        %add3A_508 = arith.constant 48 : i32
        %add3A_509 = arith.addi %mul3A_444, %add3A_508 : i32
        %iota3A_510 = tpu.iota {dimensions = array<i32: 0>} : vector<16xi32>
        %add3A_511 = vector.broadcast %add3A_509 : i32 to vector<16xi32>
        %add3A_512 = arith.addi %add3A_511, %iota3A_510 : vector<16xi32>
        %eq3A_513 = arith.constant 0 : i32
        %eq3A_514 = vector.broadcast %eq3A_513 : i32 to vector<16xi32>
        %eq3A_515 = arith.cmpi eq, %get3A_507, %eq3A_514 : vector<16xi32>
        %select_n3A_516 = arith.select %eq3A_515, %add3A_512, %get3A_507 : vector<16xi1>, vector<16xi32>
        %swap3A_517 = arith.index_cast %add3A_504 : i32 to index
        %swap3A_518 = tpu.vector_load %arg5[%swap3A_517] {strides = array<i32>} : memref<10320xi32, #tpu.memory_space<vmem>>, vector<16xi32>,
        %swap3A_519 = vector.shape_cast %swap3A_518 : vector<16xi32> to vector<16xi32>
        %swap3A_520 = vector.shape_cast %select_n3A_516 : vector<16xi32> to vector<16xi32>
        tpu.vector_store %arg5[%swap3A_517], %swap3A_520 {strides = array<i32>} : memref<10320xi32, #tpu.memory_space<vmem>>, vector<16xi32>,
        %mul3A_521 = arith.constant 80 : i32
        %mul3A_522 = arith.muli %add3A_150, %mul3A_521 : i32
        %add3A_523 = arith.constant 64 : i32
        %add3A_524 = arith.addi %mul3A_522, %add3A_523 : i32
        %get3A_525 = arith.index_cast %add3A_524 : i32 to index
        %get3A_526 = tpu.vector_load %arg5[%get3A_525] {strides = array<i32>} : memref<10320xi32, #tpu.memory_space<vmem>>, vector<16xi32>,
        %get3A_527 = vector.shape_cast %get3A_526 : vector<16xi32> to vector<16xi32>
        %add3A_528 = arith.constant 64 : i32
        %add3A_529 = arith.addi %mul3A_444, %add3A_528 : i32
        %iota3A_530 = tpu.iota {dimensions = array<i32: 0>} : vector<16xi32>
        %add3A_531 = vector.broadcast %add3A_529 : i32 to vector<16xi32>
        %add3A_532 = arith.addi %add3A_531, %iota3A_530 : vector<16xi32>
        %eq3A_533 = arith.constant 0 : i32
        %eq3A_534 = vector.broadcast %eq3A_533 : i32 to vector<16xi32>
        %eq3A_535 = arith.cmpi eq, %get3A_527, %eq3A_534 : vector<16xi32>
        %select_n3A_536 = arith.select %eq3A_535, %add3A_532, %get3A_527 : vector<16xi1>, vector<16xi32>
        %swap3A_537 = arith.index_cast %add3A_524 : i32 to index
        %swap3A_538 = tpu.vector_load %arg5[%swap3A_537] {strides = array<i32>} : memref<10320xi32, #tpu.memory_space<vmem>>, vector<16xi32>,
        %swap3A_539 = vector.shape_cast %swap3A_538 : vector<16xi32> to vector<16xi32>
        %swap3A_540 = vector.shape_cast %select_n3A_536 : vector<16xi32> to vector<16xi32>
        tpu.vector_store %arg5[%swap3A_537], %swap3A_540 {strides = array<i32>} : memref<10320xi32, #tpu.memory_space<vmem>>, vector<16xi32>,
        %mul3A_541 = arith.constant 80 : i32
        %mul3A_542 = arith.muli %add3A_150, %mul3A_541 : i32
        %dma_start3A = tpu.memref_slice %arg5[%mul3A_542] : memref<10320xi32, #tpu.memory_space<vmem>> -> memref<80xi32, #tpu.memory_space<vmem>>
        %dma_start3A_543 = arith.constant 0 : i32
        %dma_start3A_544 = arith.constant 0 : i32
        %dma_start3A_545 = tpu.memref_slice %arg2[%dma_start3A_543, %dma_start3A_544] : memref<10000x128xf32, #tpu.memory_space<hbm>> -> memref<10000x128xf32, #tpu.memory_space<hbm>>
        tpu.enqueue_indirect_dma source(%dma_start3A_545 : memref<10000x128xf32, #tpu.memory_space<hbm>>) target(%arg8 : memref<80x128xf32, #tpu.memory_space<vmem>>) offsets(%dma_start3A : memref<80xi32, #tpu.memory_space<vmem>>) semaphore(%arg16 : memref<!tpu.dma_semaphore, #tpu.memory_space<semaphore_mem>>)
      } else {
      }
      %mul3A_173 = arith.constant 8 : i32
      %mul3A_174 = arith.muli %add3A_95, %mul3A_173 : i32
      %add3A_175 = arith.constant 3 : i32
      %add3A_176 = arith.addi %mul3A_174, %add3A_175 : i32
      %mul3A_177 = arith.constant 129 : i32
      %mul3A_178 = arith.muli %add3A, %mul3A_177 : i32
      %add3A_179 = arith.addi %mul3A_178, %add3A_176 : i32
      %gt3A_180 = arith.constant 0 : i32
      %gt3A_181 = arith.cmpi sgt, %add3A_95, %gt3A_180 : i32
      %lt3A_182 = arith.constant 129 : i32
      %lt3A_183 = arith.cmpi slt, %add3A_176, %lt3A_182 : i32
      %lt3A_184 = arith.constant 4125 : i32
      %lt3A_185 = arith.cmpi slt, %add3A_179, %lt3A_184 : i32
      %and3A_186 = arith.andi %lt3A_183, %lt3A_185 : i1
      %and3A_187 = arith.andi %gt3A_181, %and3A_186 : i1
      %convert_element_type3A_188 = arith.extui %and3A_187 : i1 to i32
      %cond3A_189 = arith.constant 0 : i32
      %cond3A_190 = arith.cmpi ne, %convert_element_type3A_188, %cond3A_189 : i32
      scf.if %cond3A_190 {
        %jit3A = arith.constant 125 : i32
        %div3A = arith.divsi %add3A_179, %jit3A : i32
        %sign3A = arith.constant 0 : i32
        %sign3A_423 = arith.cmpi sgt, %add3A_179, %sign3A : i32
        %sign3A_424 = arith.extui %sign3A_423 : i1 to i32
        %sign3A_425 = arith.constant 0 : i32
        %sign3A_426 = arith.cmpi slt, %add3A_179, %sign3A_425 : i32
        %sign3A_427 = arith.extui %sign3A_426 : i1 to i32
        %sign3A_428 = arith.subi %sign3A_424, %sign3A_427 : i32
        %sign3A_429 = arith.constant 0 : i32
        %sign3A_430 = arith.cmpi sgt, %jit3A, %sign3A_429 : i32
        %sign3A_431 = arith.extui %sign3A_430 : i1 to i32
        %sign3A_432 = arith.constant 0 : i32
        %sign3A_433 = arith.cmpi slt, %jit3A, %sign3A_432 : i32
        %sign3A_434 = arith.extui %sign3A_433 : i1 to i32
        %sign3A_435 = arith.subi %sign3A_431, %sign3A_434 : i32
        %ne3A = arith.cmpi ne, %sign3A_428, %sign3A_435 : i32
        %rem3A = arith.remsi %add3A_179, %jit3A : i32
        %ne3A_436 = arith.constant 0 : i32
        %ne3A_437 = arith.cmpi ne, %rem3A, %ne3A_436 : i32
        %and3A_438 = arith.andi %ne3A, %ne3A_437 : i1
        %sub3A = arith.constant 1 : i32
        %sub3A_439 = arith.subi %div3A, %sub3A : i32
        %select_n3A = arith.select %and3A_438, %sub3A_439, %div3A : i32
        %mul3A_440 = arith.constant 125 : i32
        %mul3A_441 = arith.muli %select_n3A, %mul3A_440 : i32
        %sub3A_442 = arith.subi %add3A_179, %mul3A_441 : i32
        %mul3A_443 = arith.constant 80 : i32
        %mul3A_444 = arith.muli %sub3A_442, %mul3A_443 : i32
        %mul3A_445 = arith.constant 128 : i32
        %mul3A_446 = arith.muli %select_n3A, %mul3A_445 : i32
        %dma_wait3A = tpu.memref_slice %arg4[%mul3A_444, %mul3A_446] : memref<10000x4224xf32, #tpu.memory_space<hbm>> -> memref<80x128xf32, #tpu.memory_space<hbm>>
        %dma_wait3A_447 = tpu.memref_slice %arg4[%mul3A_444, %mul3A_446] : memref<10000x4224xf32, #tpu.memory_space<hbm>> -> memref<80x128xf32, #tpu.memory_space<hbm>>
        tpu.wait_dma2 semaphore(%arg25 : memref<!tpu.dma_semaphore, #tpu.memory_space<semaphore_mem>>) src(%arg9 : memref<80x128xf32, #tpu.memory_space<vmem>>) dst(%dma_wait3A_447 : memref<80x128xf32, #tpu.memory_space<hbm>>)
      } else {
      }
      %lt3A_191 = arith.constant 129 : i32
      %lt3A_192 = arith.cmpi slt, %add3A_176, %lt3A_191 : i32
      %lt3A_193 = arith.constant 4125 : i32
      %lt3A_194 = arith.cmpi slt, %add3A_179, %lt3A_193 : i32
      %and3A_195 = arith.andi %lt3A_192, %lt3A_194 : i1
      %convert_element_type3A_196 = arith.extui %and3A_195 : i1 to i32
      %cond3A_197 = arith.constant 0 : i32
      %cond3A_198 = arith.cmpi ne, %convert_element_type3A_196, %cond3A_197 : i32
      scf.if %cond3A_198 {
        %jit3A = arith.constant 125 : i32
        %div3A = arith.divsi %add3A_179, %jit3A : i32
        %sign3A = arith.constant 0 : i32
        %sign3A_423 = arith.cmpi sgt, %add3A_179, %sign3A : i32
        %sign3A_424 = arith.extui %sign3A_423 : i1 to i32
        %sign3A_425 = arith.constant 0 : i32
        %sign3A_426 = arith.cmpi slt, %add3A_179, %sign3A_425 : i32
        %sign3A_427 = arith.extui %sign3A_426 : i1 to i32
        %sign3A_428 = arith.subi %sign3A_424, %sign3A_427 : i32
        %sign3A_429 = arith.constant 0 : i32
        %sign3A_430 = arith.cmpi sgt, %jit3A, %sign3A_429 : i32
        %sign3A_431 = arith.extui %sign3A_430 : i1 to i32
        %sign3A_432 = arith.constant 0 : i32
        %sign3A_433 = arith.cmpi slt, %jit3A, %sign3A_432 : i32
        %sign3A_434 = arith.extui %sign3A_433 : i1 to i32
        %sign3A_435 = arith.subi %sign3A_431, %sign3A_434 : i32
        %ne3A = arith.cmpi ne, %sign3A_428, %sign3A_435 : i32
        %rem3A = arith.remsi %add3A_179, %jit3A : i32
        %ne3A_436 = arith.constant 0 : i32
        %ne3A_437 = arith.cmpi ne, %rem3A, %ne3A_436 : i32
        %and3A_438 = arith.andi %ne3A, %ne3A_437 : i1
        %sub3A = arith.constant 1 : i32
        %sub3A_439 = arith.subi %div3A, %sub3A : i32
        %select_n3A = arith.select %and3A_438, %sub3A_439, %div3A : i32
        %mul3A_440 = arith.constant 125 : i32
        %mul3A_441 = arith.muli %select_n3A, %mul3A_440 : i32
        %sub3A_442 = arith.subi %add3A_179, %mul3A_441 : i32
        %mul3A_443 = arith.constant 80 : i32
        %mul3A_444 = arith.muli %sub3A_442, %mul3A_443 : i32
        %mul3A_445 = arith.constant 80 : i32
        %mul3A_446 = arith.muli %add3A_176, %mul3A_445 : i32
        %add3A_447 = arith.constant 0 : i32
        %add3A_448 = arith.addi %mul3A_446, %add3A_447 : i32
        %get3A = arith.index_cast %add3A_448 : i32 to index
        %get3A_449 = tpu.vector_load %arg5[%get3A] {strides = array<i32>} : memref<10320xi32, #tpu.memory_space<vmem>>, vector<16xi32>,
        %get3A_450 = vector.shape_cast %get3A_449 : vector<16xi32> to vector<16xi32>
        %add3A_451 = arith.constant 0 : i32
        %add3A_452 = arith.addi %mul3A_444, %add3A_451 : i32
        %iota3A = tpu.iota {dimensions = array<i32: 0>} : vector<16xi32>
        %add3A_453 = vector.broadcast %add3A_452 : i32 to vector<16xi32>
        %add3A_454 = arith.addi %add3A_453, %iota3A : vector<16xi32>
        %eq3A = arith.constant 0 : i32
        %eq3A_455 = vector.broadcast %eq3A : i32 to vector<16xi32>
        %eq3A_456 = arith.cmpi eq, %get3A_450, %eq3A_455 : vector<16xi32>
        %select_n3A_457 = arith.select %eq3A_456, %add3A_454, %get3A_450 : vector<16xi1>, vector<16xi32>
        %swap3A = arith.index_cast %add3A_448 : i32 to index
        %swap3A_458 = tpu.vector_load %arg5[%swap3A] {strides = array<i32>} : memref<10320xi32, #tpu.memory_space<vmem>>, vector<16xi32>,
        %swap3A_459 = vector.shape_cast %swap3A_458 : vector<16xi32> to vector<16xi32>
        %swap3A_460 = vector.shape_cast %select_n3A_457 : vector<16xi32> to vector<16xi32>
        tpu.vector_store %arg5[%swap3A], %swap3A_460 {strides = array<i32>} : memref<10320xi32, #tpu.memory_space<vmem>>, vector<16xi32>,
        %mul3A_461 = arith.constant 80 : i32
        %mul3A_462 = arith.muli %add3A_176, %mul3A_461 : i32
        %add3A_463 = arith.constant 16 : i32
        %add3A_464 = arith.addi %mul3A_462, %add3A_463 : i32
        %get3A_465 = arith.index_cast %add3A_464 : i32 to index
        %get3A_466 = tpu.vector_load %arg5[%get3A_465] {strides = array<i32>} : memref<10320xi32, #tpu.memory_space<vmem>>, vector<16xi32>,
        %get3A_467 = vector.shape_cast %get3A_466 : vector<16xi32> to vector<16xi32>
        %add3A_468 = arith.constant 16 : i32
        %add3A_469 = arith.addi %mul3A_444, %add3A_468 : i32
        %iota3A_470 = tpu.iota {dimensions = array<i32: 0>} : vector<16xi32>
        %add3A_471 = vector.broadcast %add3A_469 : i32 to vector<16xi32>
        %add3A_472 = arith.addi %add3A_471, %iota3A_470 : vector<16xi32>
        %eq3A_473 = arith.constant 0 : i32
        %eq3A_474 = vector.broadcast %eq3A_473 : i32 to vector<16xi32>
        %eq3A_475 = arith.cmpi eq, %get3A_467, %eq3A_474 : vector<16xi32>
        %select_n3A_476 = arith.select %eq3A_475, %add3A_472, %get3A_467 : vector<16xi1>, vector<16xi32>
        %swap3A_477 = arith.index_cast %add3A_464 : i32 to index
        %swap3A_478 = tpu.vector_load %arg5[%swap3A_477] {strides = array<i32>} : memref<10320xi32, #tpu.memory_space<vmem>>, vector<16xi32>,
        %swap3A_479 = vector.shape_cast %swap3A_478 : vector<16xi32> to vector<16xi32>
        %swap3A_480 = vector.shape_cast %select_n3A_476 : vector<16xi32> to vector<16xi32>
        tpu.vector_store %arg5[%swap3A_477], %swap3A_480 {strides = array<i32>} : memref<10320xi32, #tpu.memory_space<vmem>>, vector<16xi32>,
        %mul3A_481 = arith.constant 80 : i32
        %mul3A_482 = arith.muli %add3A_176, %mul3A_481 : i32
        %add3A_483 = arith.constant 32 : i32
        %add3A_484 = arith.addi %mul3A_482, %add3A_483 : i32
        %get3A_485 = arith.index_cast %add3A_484 : i32 to index
        %get3A_486 = tpu.vector_load %arg5[%get3A_485] {strides = array<i32>} : memref<10320xi32, #tpu.memory_space<vmem>>, vector<16xi32>,
        %get3A_487 = vector.shape_cast %get3A_486 : vector<16xi32> to vector<16xi32>
        %add3A_488 = arith.constant 32 : i32
        %add3A_489 = arith.addi %mul3A_444, %add3A_488 : i32
        %iota3A_490 = tpu.iota {dimensions = array<i32: 0>} : vector<16xi32>
        %add3A_491 = vector.broadcast %add3A_489 : i32 to vector<16xi32>
        %add3A_492 = arith.addi %add3A_491, %iota3A_490 : vector<16xi32>
        %eq3A_493 = arith.constant 0 : i32
        %eq3A_494 = vector.broadcast %eq3A_493 : i32 to vector<16xi32>
        %eq3A_495 = arith.cmpi eq, %get3A_487, %eq3A_494 : vector<16xi32>
        %select_n3A_496 = arith.select %eq3A_495, %add3A_492, %get3A_487 : vector<16xi1>, vector<16xi32>
        %swap3A_497 = arith.index_cast %add3A_484 : i32 to index
        %swap3A_498 = tpu.vector_load %arg5[%swap3A_497] {strides = array<i32>} : memref<10320xi32, #tpu.memory_space<vmem>>, vector<16xi32>,
        %swap3A_499 = vector.shape_cast %swap3A_498 : vector<16xi32> to vector<16xi32>
        %swap3A_500 = vector.shape_cast %select_n3A_496 : vector<16xi32> to vector<16xi32>
        tpu.vector_store %arg5[%swap3A_497], %swap3A_500 {strides = array<i32>} : memref<10320xi32, #tpu.memory_space<vmem>>, vector<16xi32>,
        %mul3A_501 = arith.constant 80 : i32
        %mul3A_502 = arith.muli %add3A_176, %mul3A_501 : i32
        %add3A_503 = arith.constant 48 : i32
        %add3A_504 = arith.addi %mul3A_502, %add3A_503 : i32
        %get3A_505 = arith.index_cast %add3A_504 : i32 to index
        %get3A_506 = tpu.vector_load %arg5[%get3A_505] {strides = array<i32>} : memref<10320xi32, #tpu.memory_space<vmem>>, vector<16xi32>,
        %get3A_507 = vector.shape_cast %get3A_506 : vector<16xi32> to vector<16xi32>
        %add3A_508 = arith.constant 48 : i32
        %add3A_509 = arith.addi %mul3A_444, %add3A_508 : i32
        %iota3A_510 = tpu.iota {dimensions = array<i32: 0>} : vector<16xi32>
        %add3A_511 = vector.broadcast %add3A_509 : i32 to vector<16xi32>
        %add3A_512 = arith.addi %add3A_511, %iota3A_510 : vector<16xi32>
        %eq3A_513 = arith.constant 0 : i32
        %eq3A_514 = vector.broadcast %eq3A_513 : i32 to vector<16xi32>
        %eq3A_515 = arith.cmpi eq, %get3A_507, %eq3A_514 : vector<16xi32>
        %select_n3A_516 = arith.select %eq3A_515, %add3A_512, %get3A_507 : vector<16xi1>, vector<16xi32>
        %swap3A_517 = arith.index_cast %add3A_504 : i32 to index
        %swap3A_518 = tpu.vector_load %arg5[%swap3A_517] {strides = array<i32>} : memref<10320xi32, #tpu.memory_space<vmem>>, vector<16xi32>,
        %swap3A_519 = vector.shape_cast %swap3A_518 : vector<16xi32> to vector<16xi32>
        %swap3A_520 = vector.shape_cast %select_n3A_516 : vector<16xi32> to vector<16xi32>
        tpu.vector_store %arg5[%swap3A_517], %swap3A_520 {strides = array<i32>} : memref<10320xi32, #tpu.memory_space<vmem>>, vector<16xi32>,
        %mul3A_521 = arith.constant 80 : i32
        %mul3A_522 = arith.muli %add3A_176, %mul3A_521 : i32
        %add3A_523 = arith.constant 64 : i32
        %add3A_524 = arith.addi %mul3A_522, %add3A_523 : i32
        %get3A_525 = arith.index_cast %add3A_524 : i32 to index
        %get3A_526 = tpu.vector_load %arg5[%get3A_525] {strides = array<i32>} : memref<10320xi32, #tpu.memory_space<vmem>>, vector<16xi32>,
        %get3A_527 = vector.shape_cast %get3A_526 : vector<16xi32> to vector<16xi32>
        %add3A_528 = arith.constant 64 : i32
        %add3A_529 = arith.addi %mul3A_444, %add3A_528 : i32
        %iota3A_530 = tpu.iota {dimensions = array<i32: 0>} : vector<16xi32>
        %add3A_531 = vector.broadcast %add3A_529 : i32 to vector<16xi32>
        %add3A_532 = arith.addi %add3A_531, %iota3A_530 : vector<16xi32>
        %eq3A_533 = arith.constant 0 : i32
        %eq3A_534 = vector.broadcast %eq3A_533 : i32 to vector<16xi32>
        %eq3A_535 = arith.cmpi eq, %get3A_527, %eq3A_534 : vector<16xi32>
        %select_n3A_536 = arith.select %eq3A_535, %add3A_532, %get3A_527 : vector<16xi1>, vector<16xi32>
        %swap3A_537 = arith.index_cast %add3A_524 : i32 to index
        %swap3A_538 = tpu.vector_load %arg5[%swap3A_537] {strides = array<i32>} : memref<10320xi32, #tpu.memory_space<vmem>>, vector<16xi32>,
        %swap3A_539 = vector.shape_cast %swap3A_538 : vector<16xi32> to vector<16xi32>
        %swap3A_540 = vector.shape_cast %select_n3A_536 : vector<16xi32> to vector<16xi32>
        tpu.vector_store %arg5[%swap3A_537], %swap3A_540 {strides = array<i32>} : memref<10320xi32, #tpu.memory_space<vmem>>, vector<16xi32>,
        %mul3A_541 = arith.constant 80 : i32
        %mul3A_542 = arith.muli %add3A_176, %mul3A_541 : i32
        %dma_start3A = tpu.memref_slice %arg5[%mul3A_542] : memref<10320xi32, #tpu.memory_space<vmem>> -> memref<80xi32, #tpu.memory_space<vmem>>
        %dma_start3A_543 = arith.constant 0 : i32
        %dma_start3A_544 = arith.constant 0 : i32
        %dma_start3A_545 = tpu.memref_slice %arg2[%dma_start3A_543, %dma_start3A_544] : memref<10000x128xf32, #tpu.memory_space<hbm>> -> memref<10000x128xf32, #tpu.memory_space<hbm>>
        tpu.enqueue_indirect_dma source(%dma_start3A_545 : memref<10000x128xf32, #tpu.memory_space<hbm>>) target(%arg9 : memref<80x128xf32, #tpu.memory_space<vmem>>) offsets(%dma_start3A : memref<80xi32, #tpu.memory_space<vmem>>) semaphore(%arg17 : memref<!tpu.dma_semaphore, #tpu.memory_space<semaphore_mem>>)
      } else {
      }
      %mul3A_199 = arith.constant 8 : i32
      %mul3A_200 = arith.muli %add3A_95, %mul3A_199 : i32
      %add3A_201 = arith.constant 4 : i32
      %add3A_202 = arith.addi %mul3A_200, %add3A_201 : i32
      %mul3A_203 = arith.constant 129 : i32
      %mul3A_204 = arith.muli %add3A, %mul3A_203 : i32
      %add3A_205 = arith.addi %mul3A_204, %add3A_202 : i32
      %gt3A_206 = arith.constant 0 : i32
      %gt3A_207 = arith.cmpi sgt, %add3A_95, %gt3A_206 : i32
      %lt3A_208 = arith.constant 129 : i32
      %lt3A_209 = arith.cmpi slt, %add3A_202, %lt3A_208 : i32
      %lt3A_210 = arith.constant 4125 : i32
      %lt3A_211 = arith.cmpi slt, %add3A_205, %lt3A_210 : i32
      %and3A_212 = arith.andi %lt3A_209, %lt3A_211 : i1
      %and3A_213 = arith.andi %gt3A_207, %and3A_212 : i1
      %convert_element_type3A_214 = arith.extui %and3A_213 : i1 to i32
      %cond3A_215 = arith.constant 0 : i32
      %cond3A_216 = arith.cmpi ne, %convert_element_type3A_214, %cond3A_215 : i32
      scf.if %cond3A_216 {
        %jit3A = arith.constant 125 : i32
        %div3A = arith.divsi %add3A_205, %jit3A : i32
        %sign3A = arith.constant 0 : i32
        %sign3A_423 = arith.cmpi sgt, %add3A_205, %sign3A : i32
        %sign3A_424 = arith.extui %sign3A_423 : i1 to i32
        %sign3A_425 = arith.constant 0 : i32
        %sign3A_426 = arith.cmpi slt, %add3A_205, %sign3A_425 : i32
        %sign3A_427 = arith.extui %sign3A_426 : i1 to i32
        %sign3A_428 = arith.subi %sign3A_424, %sign3A_427 : i32
        %sign3A_429 = arith.constant 0 : i32
        %sign3A_430 = arith.cmpi sgt, %jit3A, %sign3A_429 : i32
        %sign3A_431 = arith.extui %sign3A_430 : i1 to i32
        %sign3A_432 = arith.constant 0 : i32
        %sign3A_433 = arith.cmpi slt, %jit3A, %sign3A_432 : i32
        %sign3A_434 = arith.extui %sign3A_433 : i1 to i32
        %sign3A_435 = arith.subi %sign3A_431, %sign3A_434 : i32
        %ne3A = arith.cmpi ne, %sign3A_428, %sign3A_435 : i32
        %rem3A = arith.remsi %add3A_205, %jit3A : i32
        %ne3A_436 = arith.constant 0 : i32
        %ne3A_437 = arith.cmpi ne, %rem3A, %ne3A_436 : i32
        %and3A_438 = arith.andi %ne3A, %ne3A_437 : i1
        %sub3A = arith.constant 1 : i32
        %sub3A_439 = arith.subi %div3A, %sub3A : i32
        %select_n3A = arith.select %and3A_438, %sub3A_439, %div3A : i32
        %mul3A_440 = arith.constant 125 : i32
        %mul3A_441 = arith.muli %select_n3A, %mul3A_440 : i32
        %sub3A_442 = arith.subi %add3A_205, %mul3A_441 : i32
        %mul3A_443 = arith.constant 80 : i32
        %mul3A_444 = arith.muli %sub3A_442, %mul3A_443 : i32
        %mul3A_445 = arith.constant 128 : i32
        %mul3A_446 = arith.muli %select_n3A, %mul3A_445 : i32
        %dma_wait3A = tpu.memref_slice %arg4[%mul3A_444, %mul3A_446] : memref<10000x4224xf32, #tpu.memory_space<hbm>> -> memref<80x128xf32, #tpu.memory_space<hbm>>
        %dma_wait3A_447 = tpu.memref_slice %arg4[%mul3A_444, %mul3A_446] : memref<10000x4224xf32, #tpu.memory_space<hbm>> -> memref<80x128xf32, #tpu.memory_space<hbm>>
        tpu.wait_dma2 semaphore(%arg26 : memref<!tpu.dma_semaphore, #tpu.memory_space<semaphore_mem>>) src(%arg10 : memref<80x128xf32, #tpu.memory_space<vmem>>) dst(%dma_wait3A_447 : memref<80x128xf32, #tpu.memory_space<hbm>>)
      } else {
      }
      %lt3A_217 = arith.constant 129 : i32
      %lt3A_218 = arith.cmpi slt, %add3A_202, %lt3A_217 : i32
      %lt3A_219 = arith.constant 4125 : i32
      %lt3A_220 = arith.cmpi slt, %add3A_205, %lt3A_219 : i32
      %and3A_221 = arith.andi %lt3A_218, %lt3A_220 : i1
      %convert_element_type3A_222 = arith.extui %and3A_221 : i1 to i32
      %cond3A_223 = arith.constant 0 : i32
      %cond3A_224 = arith.cmpi ne, %convert_element_type3A_222, %cond3A_223 : i32
      scf.if %cond3A_224 {
        %jit3A = arith.constant 125 : i32
        %div3A = arith.divsi %add3A_205, %jit3A : i32
        %sign3A = arith.constant 0 : i32
        %sign3A_423 = arith.cmpi sgt, %add3A_205, %sign3A : i32
        %sign3A_424 = arith.extui %sign3A_423 : i1 to i32
        %sign3A_425 = arith.constant 0 : i32
        %sign3A_426 = arith.cmpi slt, %add3A_205, %sign3A_425 : i32
        %sign3A_427 = arith.extui %sign3A_426 : i1 to i32
        %sign3A_428 = arith.subi %sign3A_424, %sign3A_427 : i32
        %sign3A_429 = arith.constant 0 : i32
        %sign3A_430 = arith.cmpi sgt, %jit3A, %sign3A_429 : i32
        %sign3A_431 = arith.extui %sign3A_430 : i1 to i32
        %sign3A_432 = arith.constant 0 : i32
        %sign3A_433 = arith.cmpi slt, %jit3A, %sign3A_432 : i32
        %sign3A_434 = arith.extui %sign3A_433 : i1 to i32
        %sign3A_435 = arith.subi %sign3A_431, %sign3A_434 : i32
        %ne3A = arith.cmpi ne, %sign3A_428, %sign3A_435 : i32
        %rem3A = arith.remsi %add3A_205, %jit3A : i32
        %ne3A_436 = arith.constant 0 : i32
        %ne3A_437 = arith.cmpi ne, %rem3A, %ne3A_436 : i32
        %and3A_438 = arith.andi %ne3A, %ne3A_437 : i1
        %sub3A = arith.constant 1 : i32
        %sub3A_439 = arith.subi %div3A, %sub3A : i32
        %select_n3A = arith.select %and3A_438, %sub3A_439, %div3A : i32
        %mul3A_440 = arith.constant 125 : i32
        %mul3A_441 = arith.muli %select_n3A, %mul3A_440 : i32
        %sub3A_442 = arith.subi %add3A_205, %mul3A_441 : i32
        %mul3A_443 = arith.constant 80 : i32
        %mul3A_444 = arith.muli %sub3A_442, %mul3A_443 : i32
        %mul3A_445 = arith.constant 80 : i32
        %mul3A_446 = arith.muli %add3A_202, %mul3A_445 : i32
        %add3A_447 = arith.constant 0 : i32
        %add3A_448 = arith.addi %mul3A_446, %add3A_447 : i32
        %get3A = arith.index_cast %add3A_448 : i32 to index
        %get3A_449 = tpu.vector_load %arg5[%get3A] {strides = array<i32>} : memref<10320xi32, #tpu.memory_space<vmem>>, vector<16xi32>,
        %get3A_450 = vector.shape_cast %get3A_449 : vector<16xi32> to vector<16xi32>
        %add3A_451 = arith.constant 0 : i32
        %add3A_452 = arith.addi %mul3A_444, %add3A_451 : i32
        %iota3A = tpu.iota {dimensions = array<i32: 0>} : vector<16xi32>
        %add3A_453 = vector.broadcast %add3A_452 : i32 to vector<16xi32>
        %add3A_454 = arith.addi %add3A_453, %iota3A : vector<16xi32>
        %eq3A = arith.constant 0 : i32
        %eq3A_455 = vector.broadcast %eq3A : i32 to vector<16xi32>
        %eq3A_456 = arith.cmpi eq, %get3A_450, %eq3A_455 : vector<16xi32>
        %select_n3A_457 = arith.select %eq3A_456, %add3A_454, %get3A_450 : vector<16xi1>, vector<16xi32>
        %swap3A = arith.index_cast %add3A_448 : i32 to index
        %swap3A_458 = tpu.vector_load %arg5[%swap3A] {strides = array<i32>} : memref<10320xi32, #tpu.memory_space<vmem>>, vector<16xi32>,
        %swap3A_459 = vector.shape_cast %swap3A_458 : vector<16xi32> to vector<16xi32>
        %swap3A_460 = vector.shape_cast %select_n3A_457 : vector<16xi32> to vector<16xi32>
        tpu.vector_store %arg5[%swap3A], %swap3A_460 {strides = array<i32>} : memref<10320xi32, #tpu.memory_space<vmem>>, vector<16xi32>,
        %mul3A_461 = arith.constant 80 : i32
        %mul3A_462 = arith.muli %add3A_202, %mul3A_461 : i32
        %add3A_463 = arith.constant 16 : i32
        %add3A_464 = arith.addi %mul3A_462, %add3A_463 : i32
        %get3A_465 = arith.index_cast %add3A_464 : i32 to index
        %get3A_466 = tpu.vector_load %arg5[%get3A_465] {strides = array<i32>} : memref<10320xi32, #tpu.memory_space<vmem>>, vector<16xi32>,
        %get3A_467 = vector.shape_cast %get3A_466 : vector<16xi32> to vector<16xi32>
        %add3A_468 = arith.constant 16 : i32
        %add3A_469 = arith.addi %mul3A_444, %add3A_468 : i32
        %iota3A_470 = tpu.iota {dimensions = array<i32: 0>} : vector<16xi32>
        %add3A_471 = vector.broadcast %add3A_469 : i32 to vector<16xi32>
        %add3A_472 = arith.addi %add3A_471, %iota3A_470 : vector<16xi32>
        %eq3A_473 = arith.constant 0 : i32
        %eq3A_474 = vector.broadcast %eq3A_473 : i32 to vector<16xi32>
        %eq3A_475 = arith.cmpi eq, %get3A_467, %eq3A_474 : vector<16xi32>
        %select_n3A_476 = arith.select %eq3A_475, %add3A_472, %get3A_467 : vector<16xi1>, vector<16xi32>
        %swap3A_477 = arith.index_cast %add3A_464 : i32 to index
        %swap3A_478 = tpu.vector_load %arg5[%swap3A_477] {strides = array<i32>} : memref<10320xi32, #tpu.memory_space<vmem>>, vector<16xi32>,
        %swap3A_479 = vector.shape_cast %swap3A_478 : vector<16xi32> to vector<16xi32>
        %swap3A_480 = vector.shape_cast %select_n3A_476 : vector<16xi32> to vector<16xi32>
        tpu.vector_store %arg5[%swap3A_477], %swap3A_480 {strides = array<i32>} : memref<10320xi32, #tpu.memory_space<vmem>>, vector<16xi32>,
        %mul3A_481 = arith.constant 80 : i32
        %mul3A_482 = arith.muli %add3A_202, %mul3A_481 : i32
        %add3A_483 = arith.constant 32 : i32
        %add3A_484 = arith.addi %mul3A_482, %add3A_483 : i32
        %get3A_485 = arith.index_cast %add3A_484 : i32 to index
        %get3A_486 = tpu.vector_load %arg5[%get3A_485] {strides = array<i32>} : memref<10320xi32, #tpu.memory_space<vmem>>, vector<16xi32>,
        %get3A_487 = vector.shape_cast %get3A_486 : vector<16xi32> to vector<16xi32>
        %add3A_488 = arith.constant 32 : i32
        %add3A_489 = arith.addi %mul3A_444, %add3A_488 : i32
        %iota3A_490 = tpu.iota {dimensions = array<i32: 0>} : vector<16xi32>
        %add3A_491 = vector.broadcast %add3A_489 : i32 to vector<16xi32>
        %add3A_492 = arith.addi %add3A_491, %iota3A_490 : vector<16xi32>
        %eq3A_493 = arith.constant 0 : i32
        %eq3A_494 = vector.broadcast %eq3A_493 : i32 to vector<16xi32>
        %eq3A_495 = arith.cmpi eq, %get3A_487, %eq3A_494 : vector<16xi32>
        %select_n3A_496 = arith.select %eq3A_495, %add3A_492, %get3A_487 : vector<16xi1>, vector<16xi32>
        %swap3A_497 = arith.index_cast %add3A_484 : i32 to index
        %swap3A_498 = tpu.vector_load %arg5[%swap3A_497] {strides = array<i32>} : memref<10320xi32, #tpu.memory_space<vmem>>, vector<16xi32>,
        %swap3A_499 = vector.shape_cast %swap3A_498 : vector<16xi32> to vector<16xi32>
        %swap3A_500 = vector.shape_cast %select_n3A_496 : vector<16xi32> to vector<16xi32>
        tpu.vector_store %arg5[%swap3A_497], %swap3A_500 {strides = array<i32>} : memref<10320xi32, #tpu.memory_space<vmem>>, vector<16xi32>,
        %mul3A_501 = arith.constant 80 : i32
        %mul3A_502 = arith.muli %add3A_202, %mul3A_501 : i32
        %add3A_503 = arith.constant 48 : i32
        %add3A_504 = arith.addi %mul3A_502, %add3A_503 : i32
        %get3A_505 = arith.index_cast %add3A_504 : i32 to index
        %get3A_506 = tpu.vector_load %arg5[%get3A_505] {strides = array<i32>} : memref<10320xi32, #tpu.memory_space<vmem>>, vector<16xi32>,
        %get3A_507 = vector.shape_cast %get3A_506 : vector<16xi32> to vector<16xi32>
        %add3A_508 = arith.constant 48 : i32
        %add3A_509 = arith.addi %mul3A_444, %add3A_508 : i32
        %iota3A_510 = tpu.iota {dimensions = array<i32: 0>} : vector<16xi32>
        %add3A_511 = vector.broadcast %add3A_509 : i32 to vector<16xi32>
        %add3A_512 = arith.addi %add3A_511, %iota3A_510 : vector<16xi32>
        %eq3A_513 = arith.constant 0 : i32
        %eq3A_514 = vector.broadcast %eq3A_513 : i32 to vector<16xi32>
        %eq3A_515 = arith.cmpi eq, %get3A_507, %eq3A_514 : vector<16xi32>
        %select_n3A_516 = arith.select %eq3A_515, %add3A_512, %get3A_507 : vector<16xi1>, vector<16xi32>
        %swap3A_517 = arith.index_cast %add3A_504 : i32 to index
        %swap3A_518 = tpu.vector_load %arg5[%swap3A_517] {strides = array<i32>} : memref<10320xi32, #tpu.memory_space<vmem>>, vector<16xi32>,
        %swap3A_519 = vector.shape_cast %swap3A_518 : vector<16xi32> to vector<16xi32>
        %swap3A_520 = vector.shape_cast %select_n3A_516 : vector<16xi32> to vector<16xi32>
        tpu.vector_store %arg5[%swap3A_517], %swap3A_520 {strides = array<i32>} : memref<10320xi32, #tpu.memory_space<vmem>>, vector<16xi32>,
        %mul3A_521 = arith.constant 80 : i32
        %mul3A_522 = arith.muli %add3A_202, %mul3A_521 : i32
        %add3A_523 = arith.constant 64 : i32
        %add3A_524 = arith.addi %mul3A_522, %add3A_523 : i32
        %get3A_525 = arith.index_cast %add3A_524 : i32 to index
        %get3A_526 = tpu.vector_load %arg5[%get3A_525] {strides = array<i32>} : memref<10320xi32, #tpu.memory_space<vmem>>, vector<16xi32>,
        %get3A_527 = vector.shape_cast %get3A_526 : vector<16xi32> to vector<16xi32>
        %add3A_528 = arith.constant 64 : i32
        %add3A_529 = arith.addi %mul3A_444, %add3A_528 : i32
        %iota3A_530 = tpu.iota {dimensions = array<i32: 0>} : vector<16xi32>
        %add3A_531 = vector.broadcast %add3A_529 : i32 to vector<16xi32>
        %add3A_532 = arith.addi %add3A_531, %iota3A_530 : vector<16xi32>
        %eq3A_533 = arith.constant 0 : i32
        %eq3A_534 = vector.broadcast %eq3A_533 : i32 to vector<16xi32>
        %eq3A_535 = arith.cmpi eq, %get3A_527, %eq3A_534 : vector<16xi32>
        %select_n3A_536 = arith.select %eq3A_535, %add3A_532, %get3A_527 : vector<16xi1>, vector<16xi32>
        %swap3A_537 = arith.index_cast %add3A_524 : i32 to index
        %swap3A_538 = tpu.vector_load %arg5[%swap3A_537] {strides = array<i32>} : memref<10320xi32, #tpu.memory_space<vmem>>, vector<16xi32>,
        %swap3A_539 = vector.shape_cast %swap3A_538 : vector<16xi32> to vector<16xi32>
        %swap3A_540 = vector.shape_cast %select_n3A_536 : vector<16xi32> to vector<16xi32>
        tpu.vector_store %arg5[%swap3A_537], %swap3A_540 {strides = array<i32>} : memref<10320xi32, #tpu.memory_space<vmem>>, vector<16xi32>,
        %mul3A_541 = arith.constant 80 : i32
        %mul3A_542 = arith.muli %add3A_202, %mul3A_541 : i32
        %dma_start3A = tpu.memref_slice %arg5[%mul3A_542] : memref<10320xi32, #tpu.memory_space<vmem>> -> memref<80xi32, #tpu.memory_space<vmem>>
        %dma_start3A_543 = arith.constant 0 : i32
        %dma_start3A_544 = arith.constant 0 : i32
        %dma_start3A_545 = tpu.memref_slice %arg2[%dma_start3A_543, %dma_start3A_544] : memref<10000x128xf32, #tpu.memory_space<hbm>> -> memref<10000x128xf32, #tpu.memory_space<hbm>>
        tpu.enqueue_indirect_dma source(%dma_start3A_545 : memref<10000x128xf32, #tpu.memory_space<hbm>>) target(%arg10 : memref<80x128xf32, #tpu.memory_space<vmem>>) offsets(%dma_start3A : memref<80xi32, #tpu.memory_space<vmem>>) semaphore(%arg18 : memref<!tpu.dma_semaphore, #tpu.memory_space<semaphore_mem>>)
      } else {
      }
      %mul3A_225 = arith.constant 8 : i32
      %mul3A_226 = arith.muli %add3A_95, %mul3A_225 : i32
      %add3A_227 = arith.constant 5 : i32
      %add3A_228 = arith.addi %mul3A_226, %add3A_227 : i32
      %mul3A_229 = arith.constant 129 : i32
      %mul3A_230 = arith.muli %add3A, %mul3A_229 : i32
      %add3A_231 = arith.addi %mul3A_230, %add3A_228 : i32
      %gt3A_232 = arith.constant 0 : i32
      %gt3A_233 = arith.cmpi sgt, %add3A_95, %gt3A_232 : i32
      %lt3A_234 = arith.constant 129 : i32
      %lt3A_235 = arith.cmpi slt, %add3A_228, %lt3A_234 : i32
      %lt3A_236 = arith.constant 4125 : i32
      %lt3A_237 = arith.cmpi slt, %add3A_231, %lt3A_236 : i32
      %and3A_238 = arith.andi %lt3A_235, %lt3A_237 : i1
      %and3A_239 = arith.andi %gt3A_233, %and3A_238 : i1
      %convert_element_type3A_240 = arith.extui %and3A_239 : i1 to i32
      %cond3A_241 = arith.constant 0 : i32
      %cond3A_242 = arith.cmpi ne, %convert_element_type3A_240, %cond3A_241 : i32
      scf.if %cond3A_242 {
        %jit3A = arith.constant 125 : i32
        %div3A = arith.divsi %add3A_231, %jit3A : i32
        %sign3A = arith.constant 0 : i32
        %sign3A_423 = arith.cmpi sgt, %add3A_231, %sign3A : i32
        %sign3A_424 = arith.extui %sign3A_423 : i1 to i32
        %sign3A_425 = arith.constant 0 : i32
        %sign3A_426 = arith.cmpi slt, %add3A_231, %sign3A_425 : i32
        %sign3A_427 = arith.extui %sign3A_426 : i1 to i32
        %sign3A_428 = arith.subi %sign3A_424, %sign3A_427 : i32
        %sign3A_429 = arith.constant 0 : i32
        %sign3A_430 = arith.cmpi sgt, %jit3A, %sign3A_429 : i32
        %sign3A_431 = arith.extui %sign3A_430 : i1 to i32
        %sign3A_432 = arith.constant 0 : i32
        %sign3A_433 = arith.cmpi slt, %jit3A, %sign3A_432 : i32
        %sign3A_434 = arith.extui %sign3A_433 : i1 to i32
        %sign3A_435 = arith.subi %sign3A_431, %sign3A_434 : i32
        %ne3A = arith.cmpi ne, %sign3A_428, %sign3A_435 : i32
        %rem3A = arith.remsi %add3A_231, %jit3A : i32
        %ne3A_436 = arith.constant 0 : i32
        %ne3A_437 = arith.cmpi ne, %rem3A, %ne3A_436 : i32
        %and3A_438 = arith.andi %ne3A, %ne3A_437 : i1
        %sub3A = arith.constant 1 : i32
        %sub3A_439 = arith.subi %div3A, %sub3A : i32
        %select_n3A = arith.select %and3A_438, %sub3A_439, %div3A : i32
        %mul3A_440 = arith.constant 125 : i32
        %mul3A_441 = arith.muli %select_n3A, %mul3A_440 : i32
        %sub3A_442 = arith.subi %add3A_231, %mul3A_441 : i32
        %mul3A_443 = arith.constant 80 : i32
        %mul3A_444 = arith.muli %sub3A_442, %mul3A_443 : i32
        %mul3A_445 = arith.constant 128 : i32
        %mul3A_446 = arith.muli %select_n3A, %mul3A_445 : i32
        %dma_wait3A = tpu.memref_slice %arg4[%mul3A_444, %mul3A_446] : memref<10000x4224xf32, #tpu.memory_space<hbm>> -> memref<80x128xf32, #tpu.memory_space<hbm>>
        %dma_wait3A_447 = tpu.memref_slice %arg4[%mul3A_444, %mul3A_446] : memref<10000x4224xf32, #tpu.memory_space<hbm>> -> memref<80x128xf32, #tpu.memory_space<hbm>>
        tpu.wait_dma2 semaphore(%arg27 : memref<!tpu.dma_semaphore, #tpu.memory_space<semaphore_mem>>) src(%arg11 : memref<80x128xf32, #tpu.memory_space<vmem>>) dst(%dma_wait3A_447 : memref<80x128xf32, #tpu.memory_space<hbm>>)
      } else {
      }
      %lt3A_243 = arith.constant 129 : i32
      %lt3A_244 = arith.cmpi slt, %add3A_228, %lt3A_243 : i32
      %lt3A_245 = arith.constant 4125 : i32
      %lt3A_246 = arith.cmpi slt, %add3A_231, %lt3A_245 : i32
      %and3A_247 = arith.andi %lt3A_244, %lt3A_246 : i1
      %convert_element_type3A_248 = arith.extui %and3A_247 : i1 to i32
      %cond3A_249 = arith.constant 0 : i32
      %cond3A_250 = arith.cmpi ne, %convert_element_type3A_248, %cond3A_249 : i32
      scf.if %cond3A_250 {
        %jit3A = arith.constant 125 : i32
        %div3A = arith.divsi %add3A_231, %jit3A : i32
        %sign3A = arith.constant 0 : i32
        %sign3A_423 = arith.cmpi sgt, %add3A_231, %sign3A : i32
        %sign3A_424 = arith.extui %sign3A_423 : i1 to i32
        %sign3A_425 = arith.constant 0 : i32
        %sign3A_426 = arith.cmpi slt, %add3A_231, %sign3A_425 : i32
        %sign3A_427 = arith.extui %sign3A_426 : i1 to i32
        %sign3A_428 = arith.subi %sign3A_424, %sign3A_427 : i32
        %sign3A_429 = arith.constant 0 : i32
        %sign3A_430 = arith.cmpi sgt, %jit3A, %sign3A_429 : i32
        %sign3A_431 = arith.extui %sign3A_430 : i1 to i32
        %sign3A_432 = arith.constant 0 : i32
        %sign3A_433 = arith.cmpi slt, %jit3A, %sign3A_432 : i32
        %sign3A_434 = arith.extui %sign3A_433 : i1 to i32
        %sign3A_435 = arith.subi %sign3A_431, %sign3A_434 : i32
        %ne3A = arith.cmpi ne, %sign3A_428, %sign3A_435 : i32
        %rem3A = arith.remsi %add3A_231, %jit3A : i32
        %ne3A_436 = arith.constant 0 : i32
        %ne3A_437 = arith.cmpi ne, %rem3A, %ne3A_436 : i32
        %and3A_438 = arith.andi %ne3A, %ne3A_437 : i1
        %sub3A = arith.constant 1 : i32
        %sub3A_439 = arith.subi %div3A, %sub3A : i32
        %select_n3A = arith.select %and3A_438, %sub3A_439, %div3A : i32
        %mul3A_440 = arith.constant 125 : i32
        %mul3A_441 = arith.muli %select_n3A, %mul3A_440 : i32
        %sub3A_442 = arith.subi %add3A_231, %mul3A_441 : i32
        %mul3A_443 = arith.constant 80 : i32
        %mul3A_444 = arith.muli %sub3A_442, %mul3A_443 : i32
        %mul3A_445 = arith.constant 80 : i32
        %mul3A_446 = arith.muli %add3A_228, %mul3A_445 : i32
        %add3A_447 = arith.constant 0 : i32
        %add3A_448 = arith.addi %mul3A_446, %add3A_447 : i32
        %get3A = arith.index_cast %add3A_448 : i32 to index
        %get3A_449 = tpu.vector_load %arg5[%get3A] {strides = array<i32>} : memref<10320xi32, #tpu.memory_space<vmem>>, vector<16xi32>,
        %get3A_450 = vector.shape_cast %get3A_449 : vector<16xi32> to vector<16xi32>
        %add3A_451 = arith.constant 0 : i32
        %add3A_452 = arith.addi %mul3A_444, %add3A_451 : i32
        %iota3A = tpu.iota {dimensions = array<i32: 0>} : vector<16xi32>
        %add3A_453 = vector.broadcast %add3A_452 : i32 to vector<16xi32>
        %add3A_454 = arith.addi %add3A_453, %iota3A : vector<16xi32>
        %eq3A = arith.constant 0 : i32
        %eq3A_455 = vector.broadcast %eq3A : i32 to vector<16xi32>
        %eq3A_456 = arith.cmpi eq, %get3A_450, %eq3A_455 : vector<16xi32>
        %select_n3A_457 = arith.select %eq3A_456, %add3A_454, %get3A_450 : vector<16xi1>, vector<16xi32>
        %swap3A = arith.index_cast %add3A_448 : i32 to index
        %swap3A_458 = tpu.vector_load %arg5[%swap3A] {strides = array<i32>} : memref<10320xi32, #tpu.memory_space<vmem>>, vector<16xi32>,
        %swap3A_459 = vector.shape_cast %swap3A_458 : vector<16xi32> to vector<16xi32>
        %swap3A_460 = vector.shape_cast %select_n3A_457 : vector<16xi32> to vector<16xi32>
        tpu.vector_store %arg5[%swap3A], %swap3A_460 {strides = array<i32>} : memref<10320xi32, #tpu.memory_space<vmem>>, vector<16xi32>,
        %mul3A_461 = arith.constant 80 : i32
        %mul3A_462 = arith.muli %add3A_228, %mul3A_461 : i32
        %add3A_463 = arith.constant 16 : i32
        %add3A_464 = arith.addi %mul3A_462, %add3A_463 : i32
        %get3A_465 = arith.index_cast %add3A_464 : i32 to index
        %get3A_466 = tpu.vector_load %arg5[%get3A_465] {strides = array<i32>} : memref<10320xi32, #tpu.memory_space<vmem>>, vector<16xi32>,
        %get3A_467 = vector.shape_cast %get3A_466 : vector<16xi32> to vector<16xi32>
        %add3A_468 = arith.constant 16 : i32
        %add3A_469 = arith.addi %mul3A_444, %add3A_468 : i32
        %iota3A_470 = tpu.iota {dimensions = array<i32: 0>} : vector<16xi32>
        %add3A_471 = vector.broadcast %add3A_469 : i32 to vector<16xi32>
        %add3A_472 = arith.addi %add3A_471, %iota3A_470 : vector<16xi32>
        %eq3A_473 = arith.constant 0 : i32
        %eq3A_474 = vector.broadcast %eq3A_473 : i32 to vector<16xi32>
        %eq3A_475 = arith.cmpi eq, %get3A_467, %eq3A_474 : vector<16xi32>
        %select_n3A_476 = arith.select %eq3A_475, %add3A_472, %get3A_467 : vector<16xi1>, vector<16xi32>
        %swap3A_477 = arith.index_cast %add3A_464 : i32 to index
        %swap3A_478 = tpu.vector_load %arg5[%swap3A_477] {strides = array<i32>} : memref<10320xi32, #tpu.memory_space<vmem>>, vector<16xi32>,
        %swap3A_479 = vector.shape_cast %swap3A_478 : vector<16xi32> to vector<16xi32>
        %swap3A_480 = vector.shape_cast %select_n3A_476 : vector<16xi32> to vector<16xi32>
        tpu.vector_store %arg5[%swap3A_477], %swap3A_480 {strides = array<i32>} : memref<10320xi32, #tpu.memory_space<vmem>>, vector<16xi32>,
        %mul3A_481 = arith.constant 80 : i32
        %mul3A_482 = arith.muli %add3A_228, %mul3A_481 : i32
        %add3A_483 = arith.constant 32 : i32
        %add3A_484 = arith.addi %mul3A_482, %add3A_483 : i32
        %get3A_485 = arith.index_cast %add3A_484 : i32 to index
        %get3A_486 = tpu.vector_load %arg5[%get3A_485] {strides = array<i32>} : memref<10320xi32, #tpu.memory_space<vmem>>, vector<16xi32>,
        %get3A_487 = vector.shape_cast %get3A_486 : vector<16xi32> to vector<16xi32>
        %add3A_488 = arith.constant 32 : i32
        %add3A_489 = arith.addi %mul3A_444, %add3A_488 : i32
        %iota3A_490 = tpu.iota {dimensions = array<i32: 0>} : vector<16xi32>
        %add3A_491 = vector.broadcast %add3A_489 : i32 to vector<16xi32>
        %add3A_492 = arith.addi %add3A_491, %iota3A_490 : vector<16xi32>
        %eq3A_493 = arith.constant 0 : i32
        %eq3A_494 = vector.broadcast %eq3A_493 : i32 to vector<16xi32>
        %eq3A_495 = arith.cmpi eq, %get3A_487, %eq3A_494 : vector<16xi32>
        %select_n3A_496 = arith.select %eq3A_495, %add3A_492, %get3A_487 : vector<16xi1>, vector<16xi32>
        %swap3A_497 = arith.index_cast %add3A_484 : i32 to index
        %swap3A_498 = tpu.vector_load %arg5[%swap3A_497] {strides = array<i32>} : memref<10320xi32, #tpu.memory_space<vmem>>, vector<16xi32>,
        %swap3A_499 = vector.shape_cast %swap3A_498 : vector<16xi32> to vector<16xi32>
        %swap3A_500 = vector.shape_cast %select_n3A_496 : vector<16xi32> to vector<16xi32>
        tpu.vector_store %arg5[%swap3A_497], %swap3A_500 {strides = array<i32>} : memref<10320xi32, #tpu.memory_space<vmem>>, vector<16xi32>,
        %mul3A_501 = arith.constant 80 : i32
        %mul3A_502 = arith.muli %add3A_228, %mul3A_501 : i32
        %add3A_503 = arith.constant 48 : i32
        %add3A_504 = arith.addi %mul3A_502, %add3A_503 : i32
        %get3A_505 = arith.index_cast %add3A_504 : i32 to index
        %get3A_506 = tpu.vector_load %arg5[%get3A_505] {strides = array<i32>} : memref<10320xi32, #tpu.memory_space<vmem>>, vector<16xi32>,
        %get3A_507 = vector.shape_cast %get3A_506 : vector<16xi32> to vector<16xi32>
        %add3A_508 = arith.constant 48 : i32
        %add3A_509 = arith.addi %mul3A_444, %add3A_508 : i32
        %iota3A_510 = tpu.iota {dimensions = array<i32: 0>} : vector<16xi32>
        %add3A_511 = vector.broadcast %add3A_509 : i32 to vector<16xi32>
        %add3A_512 = arith.addi %add3A_511, %iota3A_510 : vector<16xi32>
        %eq3A_513 = arith.constant 0 : i32
        %eq3A_514 = vector.broadcast %eq3A_513 : i32 to vector<16xi32>
        %eq3A_515 = arith.cmpi eq, %get3A_507, %eq3A_514 : vector<16xi32>
        %select_n3A_516 = arith.select %eq3A_515, %add3A_512, %get3A_507 : vector<16xi1>, vector<16xi32>
        %swap3A_517 = arith.index_cast %add3A_504 : i32 to index
        %swap3A_518 = tpu.vector_load %arg5[%swap3A_517] {strides = array<i32>} : memref<10320xi32, #tpu.memory_space<vmem>>, vector<16xi32>,
        %swap3A_519 = vector.shape_cast %swap3A_518 : vector<16xi32> to vector<16xi32>
        %swap3A_520 = vector.shape_cast %select_n3A_516 : vector<16xi32> to vector<16xi32>
        tpu.vector_store %arg5[%swap3A_517], %swap3A_520 {strides = array<i32>} : memref<10320xi32, #tpu.memory_space<vmem>>, vector<16xi32>,
        %mul3A_521 = arith.constant 80 : i32
        %mul3A_522 = arith.muli %add3A_228, %mul3A_521 : i32
        %add3A_523 = arith.constant 64 : i32
        %add3A_524 = arith.addi %mul3A_522, %add3A_523 : i32
        %get3A_525 = arith.index_cast %add3A_524 : i32 to index
        %get3A_526 = tpu.vector_load %arg5[%get3A_525] {strides = array<i32>} : memref<10320xi32, #tpu.memory_space<vmem>>, vector<16xi32>,
        %get3A_527 = vector.shape_cast %get3A_526 : vector<16xi32> to vector<16xi32>
        %add3A_528 = arith.constant 64 : i32
        %add3A_529 = arith.addi %mul3A_444, %add3A_528 : i32
        %iota3A_530 = tpu.iota {dimensions = array<i32: 0>} : vector<16xi32>
        %add3A_531 = vector.broadcast %add3A_529 : i32 to vector<16xi32>
        %add3A_532 = arith.addi %add3A_531, %iota3A_530 : vector<16xi32>
        %eq3A_533 = arith.constant 0 : i32
        %eq3A_534 = vector.broadcast %eq3A_533 : i32 to vector<16xi32>
        %eq3A_535 = arith.cmpi eq, %get3A_527, %eq3A_534 : vector<16xi32>
        %select_n3A_536 = arith.select %eq3A_535, %add3A_532, %get3A_527 : vector<16xi1>, vector<16xi32>
        %swap3A_537 = arith.index_cast %add3A_524 : i32 to index
        %swap3A_538 = tpu.vector_load %arg5[%swap3A_537] {strides = array<i32>} : memref<10320xi32, #tpu.memory_space<vmem>>, vector<16xi32>,
        %swap3A_539 = vector.shape_cast %swap3A_538 : vector<16xi32> to vector<16xi32>
        %swap3A_540 = vector.shape_cast %select_n3A_536 : vector<16xi32> to vector<16xi32>
        tpu.vector_store %arg5[%swap3A_537], %swap3A_540 {strides = array<i32>} : memref<10320xi32, #tpu.memory_space<vmem>>, vector<16xi32>,
        %mul3A_541 = arith.constant 80 : i32
        %mul3A_542 = arith.muli %add3A_228, %mul3A_541 : i32
        %dma_start3A = tpu.memref_slice %arg5[%mul3A_542] : memref<10320xi32, #tpu.memory_space<vmem>> -> memref<80xi32, #tpu.memory_space<vmem>>
        %dma_start3A_543 = arith.constant 0 : i32
        %dma_start3A_544 = arith.constant 0 : i32
        %dma_start3A_545 = tpu.memref_slice %arg2[%dma_start3A_543, %dma_start3A_544] : memref<10000x128xf32, #tpu.memory_space<hbm>> -> memref<10000x128xf32, #tpu.memory_space<hbm>>
        tpu.enqueue_indirect_dma source(%dma_start3A_545 : memref<10000x128xf32, #tpu.memory_space<hbm>>) target(%arg11 : memref<80x128xf32, #tpu.memory_space<vmem>>) offsets(%dma_start3A : memref<80xi32, #tpu.memory_space<vmem>>) semaphore(%arg19 : memref<!tpu.dma_semaphore, #tpu.memory_space<semaphore_mem>>)
      } else {
      }
      %mul3A_251 = arith.constant 8 : i32
      %mul3A_252 = arith.muli %add3A_95, %mul3A_251 : i32
      %add3A_253 = arith.constant 6 : i32
      %add3A_254 = arith.addi %mul3A_252, %add3A_253 : i32
      %mul3A_255 = arith.constant 129 : i32
      %mul3A_256 = arith.muli %add3A, %mul3A_255 : i32
      %add3A_257 = arith.addi %mul3A_256, %add3A_254 : i32
      %gt3A_258 = arith.constant 0 : i32
      %gt3A_259 = arith.cmpi sgt, %add3A_95, %gt3A_258 : i32
      %lt3A_260 = arith.constant 129 : i32
      %lt3A_261 = arith.cmpi slt, %add3A_254, %lt3A_260 : i32
      %lt3A_262 = arith.constant 4125 : i32
      %lt3A_263 = arith.cmpi slt, %add3A_257, %lt3A_262 : i32
      %and3A_264 = arith.andi %lt3A_261, %lt3A_263 : i1
      %and3A_265 = arith.andi %gt3A_259, %and3A_264 : i1
      %convert_element_type3A_266 = arith.extui %and3A_265 : i1 to i32
      %cond3A_267 = arith.constant 0 : i32
      %cond3A_268 = arith.cmpi ne, %convert_element_type3A_266, %cond3A_267 : i32
      scf.if %cond3A_268 {
        %jit3A = arith.constant 125 : i32
        %div3A = arith.divsi %add3A_257, %jit3A : i32
        %sign3A = arith.constant 0 : i32
        %sign3A_423 = arith.cmpi sgt, %add3A_257, %sign3A : i32
        %sign3A_424 = arith.extui %sign3A_423 : i1 to i32
        %sign3A_425 = arith.constant 0 : i32
        %sign3A_426 = arith.cmpi slt, %add3A_257, %sign3A_425 : i32
        %sign3A_427 = arith.extui %sign3A_426 : i1 to i32
        %sign3A_428 = arith.subi %sign3A_424, %sign3A_427 : i32
        %sign3A_429 = arith.constant 0 : i32
        %sign3A_430 = arith.cmpi sgt, %jit3A, %sign3A_429 : i32
        %sign3A_431 = arith.extui %sign3A_430 : i1 to i32
        %sign3A_432 = arith.constant 0 : i32
        %sign3A_433 = arith.cmpi slt, %jit3A, %sign3A_432 : i32
        %sign3A_434 = arith.extui %sign3A_433 : i1 to i32
        %sign3A_435 = arith.subi %sign3A_431, %sign3A_434 : i32
        %ne3A = arith.cmpi ne, %sign3A_428, %sign3A_435 : i32
        %rem3A = arith.remsi %add3A_257, %jit3A : i32
        %ne3A_436 = arith.constant 0 : i32
        %ne3A_437 = arith.cmpi ne, %rem3A, %ne3A_436 : i32
        %and3A_438 = arith.andi %ne3A, %ne3A_437 : i1
        %sub3A = arith.constant 1 : i32
        %sub3A_439 = arith.subi %div3A, %sub3A : i32
        %select_n3A = arith.select %and3A_438, %sub3A_439, %div3A : i32
        %mul3A_440 = arith.constant 125 : i32
        %mul3A_441 = arith.muli %select_n3A, %mul3A_440 : i32
        %sub3A_442 = arith.subi %add3A_257, %mul3A_441 : i32
        %mul3A_443 = arith.constant 80 : i32
        %mul3A_444 = arith.muli %sub3A_442, %mul3A_443 : i32
        %mul3A_445 = arith.constant 128 : i32
        %mul3A_446 = arith.muli %select_n3A, %mul3A_445 : i32
        %dma_wait3A = tpu.memref_slice %arg4[%mul3A_444, %mul3A_446] : memref<10000x4224xf32, #tpu.memory_space<hbm>> -> memref<80x128xf32, #tpu.memory_space<hbm>>
        %dma_wait3A_447 = tpu.memref_slice %arg4[%mul3A_444, %mul3A_446] : memref<10000x4224xf32, #tpu.memory_space<hbm>> -> memref<80x128xf32, #tpu.memory_space<hbm>>
        tpu.wait_dma2 semaphore(%arg28 : memref<!tpu.dma_semaphore, #tpu.memory_space<semaphore_mem>>) src(%arg12 : memref<80x128xf32, #tpu.memory_space<vmem>>) dst(%dma_wait3A_447 : memref<80x128xf32, #tpu.memory_space<hbm>>)
      } else {
      }
      %lt3A_269 = arith.constant 129 : i32
      %lt3A_270 = arith.cmpi slt, %add3A_254, %lt3A_269 : i32
      %lt3A_271 = arith.constant 4125 : i32
      %lt3A_272 = arith.cmpi slt, %add3A_257, %lt3A_271 : i32
      %and3A_273 = arith.andi %lt3A_270, %lt3A_272 : i1
      %convert_element_type3A_274 = arith.extui %and3A_273 : i1 to i32
      %cond3A_275 = arith.constant 0 : i32
      %cond3A_276 = arith.cmpi ne, %convert_element_type3A_274, %cond3A_275 : i32
      scf.if %cond3A_276 {
        %jit3A = arith.constant 125 : i32
        %div3A = arith.divsi %add3A_257, %jit3A : i32
        %sign3A = arith.constant 0 : i32
        %sign3A_423 = arith.cmpi sgt, %add3A_257, %sign3A : i32
        %sign3A_424 = arith.extui %sign3A_423 : i1 to i32
        %sign3A_425 = arith.constant 0 : i32
        %sign3A_426 = arith.cmpi slt, %add3A_257, %sign3A_425 : i32
        %sign3A_427 = arith.extui %sign3A_426 : i1 to i32
        %sign3A_428 = arith.subi %sign3A_424, %sign3A_427 : i32
        %sign3A_429 = arith.constant 0 : i32
        %sign3A_430 = arith.cmpi sgt, %jit3A, %sign3A_429 : i32
        %sign3A_431 = arith.extui %sign3A_430 : i1 to i32
        %sign3A_432 = arith.constant 0 : i32
        %sign3A_433 = arith.cmpi slt, %jit3A, %sign3A_432 : i32
        %sign3A_434 = arith.extui %sign3A_433 : i1 to i32
        %sign3A_435 = arith.subi %sign3A_431, %sign3A_434 : i32
        %ne3A = arith.cmpi ne, %sign3A_428, %sign3A_435 : i32
        %rem3A = arith.remsi %add3A_257, %jit3A : i32
        %ne3A_436 = arith.constant 0 : i32
        %ne3A_437 = arith.cmpi ne, %rem3A, %ne3A_436 : i32
        %and3A_438 = arith.andi %ne3A, %ne3A_437 : i1
        %sub3A = arith.constant 1 : i32
        %sub3A_439 = arith.subi %div3A, %sub3A : i32
        %select_n3A = arith.select %and3A_438, %sub3A_439, %div3A : i32
        %mul3A_440 = arith.constant 125 : i32
        %mul3A_441 = arith.muli %select_n3A, %mul3A_440 : i32
        %sub3A_442 = arith.subi %add3A_257, %mul3A_441 : i32
        %mul3A_443 = arith.constant 80 : i32
        %mul3A_444 = arith.muli %sub3A_442, %mul3A_443 : i32
        %mul3A_445 = arith.constant 80 : i32
        %mul3A_446 = arith.muli %add3A_254, %mul3A_445 : i32
        %add3A_447 = arith.constant 0 : i32
        %add3A_448 = arith.addi %mul3A_446, %add3A_447 : i32
        %get3A = arith.index_cast %add3A_448 : i32 to index
        %get3A_449 = tpu.vector_load %arg5[%get3A] {strides = array<i32>} : memref<10320xi32, #tpu.memory_space<vmem>>, vector<16xi32>,
        %get3A_450 = vector.shape_cast %get3A_449 : vector<16xi32> to vector<16xi32>
        %add3A_451 = arith.constant 0 : i32
        %add3A_452 = arith.addi %mul3A_444, %add3A_451 : i32
        %iota3A = tpu.iota {dimensions = array<i32: 0>} : vector<16xi32>
        %add3A_453 = vector.broadcast %add3A_452 : i32 to vector<16xi32>
        %add3A_454 = arith.addi %add3A_453, %iota3A : vector<16xi32>
        %eq3A = arith.constant 0 : i32
        %eq3A_455 = vector.broadcast %eq3A : i32 to vector<16xi32>
        %eq3A_456 = arith.cmpi eq, %get3A_450, %eq3A_455 : vector<16xi32>
        %select_n3A_457 = arith.select %eq3A_456, %add3A_454, %get3A_450 : vector<16xi1>, vector<16xi32>
        %swap3A = arith.index_cast %add3A_448 : i32 to index
        %swap3A_458 = tpu.vector_load %arg5[%swap3A] {strides = array<i32>} : memref<10320xi32, #tpu.memory_space<vmem>>, vector<16xi32>,
        %swap3A_459 = vector.shape_cast %swap3A_458 : vector<16xi32> to vector<16xi32>
        %swap3A_460 = vector.shape_cast %select_n3A_457 : vector<16xi32> to vector<16xi32>
        tpu.vector_store %arg5[%swap3A], %swap3A_460 {strides = array<i32>} : memref<10320xi32, #tpu.memory_space<vmem>>, vector<16xi32>,
        %mul3A_461 = arith.constant 80 : i32
        %mul3A_462 = arith.muli %add3A_254, %mul3A_461 : i32
        %add3A_463 = arith.constant 16 : i32
        %add3A_464 = arith.addi %mul3A_462, %add3A_463 : i32
        %get3A_465 = arith.index_cast %add3A_464 : i32 to index
        %get3A_466 = tpu.vector_load %arg5[%get3A_465] {strides = array<i32>} : memref<10320xi32, #tpu.memory_space<vmem>>, vector<16xi32>,
        %get3A_467 = vector.shape_cast %get3A_466 : vector<16xi32> to vector<16xi32>
        %add3A_468 = arith.constant 16 : i32
        %add3A_469 = arith.addi %mul3A_444, %add3A_468 : i32
        %iota3A_470 = tpu.iota {dimensions = array<i32: 0>} : vector<16xi32>
        %add3A_471 = vector.broadcast %add3A_469 : i32 to vector<16xi32>
        %add3A_472 = arith.addi %add3A_471, %iota3A_470 : vector<16xi32>
        %eq3A_473 = arith.constant 0 : i32
        %eq3A_474 = vector.broadcast %eq3A_473 : i32 to vector<16xi32>
        %eq3A_475 = arith.cmpi eq, %get3A_467, %eq3A_474 : vector<16xi32>
        %select_n3A_476 = arith.select %eq3A_475, %add3A_472, %get3A_467 : vector<16xi1>, vector<16xi32>
        %swap3A_477 = arith.index_cast %add3A_464 : i32 to index
        %swap3A_478 = tpu.vector_load %arg5[%swap3A_477] {strides = array<i32>} : memref<10320xi32, #tpu.memory_space<vmem>>, vector<16xi32>,
        %swap3A_479 = vector.shape_cast %swap3A_478 : vector<16xi32> to vector<16xi32>
        %swap3A_480 = vector.shape_cast %select_n3A_476 : vector<16xi32> to vector<16xi32>
        tpu.vector_store %arg5[%swap3A_477], %swap3A_480 {strides = array<i32>} : memref<10320xi32, #tpu.memory_space<vmem>>, vector<16xi32>,
        %mul3A_481 = arith.constant 80 : i32
        %mul3A_482 = arith.muli %add3A_254, %mul3A_481 : i32
        %add3A_483 = arith.constant 32 : i32
        %add3A_484 = arith.addi %mul3A_482, %add3A_483 : i32
        %get3A_485 = arith.index_cast %add3A_484 : i32 to index
        %get3A_486 = tpu.vector_load %arg5[%get3A_485] {strides = array<i32>} : memref<10320xi32, #tpu.memory_space<vmem>>, vector<16xi32>,
        %get3A_487 = vector.shape_cast %get3A_486 : vector<16xi32> to vector<16xi32>
        %add3A_488 = arith.constant 32 : i32
        %add3A_489 = arith.addi %mul3A_444, %add3A_488 : i32
        %iota3A_490 = tpu.iota {dimensions = array<i32: 0>} : vector<16xi32>
        %add3A_491 = vector.broadcast %add3A_489 : i32 to vector<16xi32>
        %add3A_492 = arith.addi %add3A_491, %iota3A_490 : vector<16xi32>
        %eq3A_493 = arith.constant 0 : i32
        %eq3A_494 = vector.broadcast %eq3A_493 : i32 to vector<16xi32>
        %eq3A_495 = arith.cmpi eq, %get3A_487, %eq3A_494 : vector<16xi32>
        %select_n3A_496 = arith.select %eq3A_495, %add3A_492, %get3A_487 : vector<16xi1>, vector<16xi32>
        %swap3A_497 = arith.index_cast %add3A_484 : i32 to index
        %swap3A_498 = tpu.vector_load %arg5[%swap3A_497] {strides = array<i32>} : memref<10320xi32, #tpu.memory_space<vmem>>, vector<16xi32>,
        %swap3A_499 = vector.shape_cast %swap3A_498 : vector<16xi32> to vector<16xi32>
        %swap3A_500 = vector.shape_cast %select_n3A_496 : vector<16xi32> to vector<16xi32>
        tpu.vector_store %arg5[%swap3A_497], %swap3A_500 {strides = array<i32>} : memref<10320xi32, #tpu.memory_space<vmem>>, vector<16xi32>,
        %mul3A_501 = arith.constant 80 : i32
        %mul3A_502 = arith.muli %add3A_254, %mul3A_501 : i32
        %add3A_503 = arith.constant 48 : i32
        %add3A_504 = arith.addi %mul3A_502, %add3A_503 : i32
        %get3A_505 = arith.index_cast %add3A_504 : i32 to index
        %get3A_506 = tpu.vector_load %arg5[%get3A_505] {strides = array<i32>} : memref<10320xi32, #tpu.memory_space<vmem>>, vector<16xi32>,
        %get3A_507 = vector.shape_cast %get3A_506 : vector<16xi32> to vector<16xi32>
        %add3A_508 = arith.constant 48 : i32
        %add3A_509 = arith.addi %mul3A_444, %add3A_508 : i32
        %iota3A_510 = tpu.iota {dimensions = array<i32: 0>} : vector<16xi32>
        %add3A_511 = vector.broadcast %add3A_509 : i32 to vector<16xi32>
        %add3A_512 = arith.addi %add3A_511, %iota3A_510 : vector<16xi32>
        %eq3A_513 = arith.constant 0 : i32
        %eq3A_514 = vector.broadcast %eq3A_513 : i32 to vector<16xi32>
        %eq3A_515 = arith.cmpi eq, %get3A_507, %eq3A_514 : vector<16xi32>
        %select_n3A_516 = arith.select %eq3A_515, %add3A_512, %get3A_507 : vector<16xi1>, vector<16xi32>
        %swap3A_517 = arith.index_cast %add3A_504 : i32 to index
        %swap3A_518 = tpu.vector_load %arg5[%swap3A_517] {strides = array<i32>} : memref<10320xi32, #tpu.memory_space<vmem>>, vector<16xi32>,
        %swap3A_519 = vector.shape_cast %swap3A_518 : vector<16xi32> to vector<16xi32>
        %swap3A_520 = vector.shape_cast %select_n3A_516 : vector<16xi32> to vector<16xi32>
        tpu.vector_store %arg5[%swap3A_517], %swap3A_520 {strides = array<i32>} : memref<10320xi32, #tpu.memory_space<vmem>>, vector<16xi32>,
        %mul3A_521 = arith.constant 80 : i32
        %mul3A_522 = arith.muli %add3A_254, %mul3A_521 : i32
        %add3A_523 = arith.constant 64 : i32
        %add3A_524 = arith.addi %mul3A_522, %add3A_523 : i32
        %get3A_525 = arith.index_cast %add3A_524 : i32 to index
        %get3A_526 = tpu.vector_load %arg5[%get3A_525] {strides = array<i32>} : memref<10320xi32, #tpu.memory_space<vmem>>, vector<16xi32>,
        %get3A_527 = vector.shape_cast %get3A_526 : vector<16xi32> to vector<16xi32>
        %add3A_528 = arith.constant 64 : i32
        %add3A_529 = arith.addi %mul3A_444, %add3A_528 : i32
        %iota3A_530 = tpu.iota {dimensions = array<i32: 0>} : vector<16xi32>
        %add3A_531 = vector.broadcast %add3A_529 : i32 to vector<16xi32>
        %add3A_532 = arith.addi %add3A_531, %iota3A_530 : vector<16xi32>
        %eq3A_533 = arith.constant 0 : i32
        %eq3A_534 = vector.broadcast %eq3A_533 : i32 to vector<16xi32>
        %eq3A_535 = arith.cmpi eq, %get3A_527, %eq3A_534 : vector<16xi32>
        %select_n3A_536 = arith.select %eq3A_535, %add3A_532, %get3A_527 : vector<16xi1>, vector<16xi32>
        %swap3A_537 = arith.index_cast %add3A_524 : i32 to index
        %swap3A_538 = tpu.vector_load %arg5[%swap3A_537] {strides = array<i32>} : memref<10320xi32, #tpu.memory_space<vmem>>, vector<16xi32>,
        %swap3A_539 = vector.shape_cast %swap3A_538 : vector<16xi32> to vector<16xi32>
        %swap3A_540 = vector.shape_cast %select_n3A_536 : vector<16xi32> to vector<16xi32>
        tpu.vector_store %arg5[%swap3A_537], %swap3A_540 {strides = array<i32>} : memref<10320xi32, #tpu.memory_space<vmem>>, vector<16xi32>,
        %mul3A_541 = arith.constant 80 : i32
        %mul3A_542 = arith.muli %add3A_254, %mul3A_541 : i32
        %dma_start3A = tpu.memref_slice %arg5[%mul3A_542] : memref<10320xi32, #tpu.memory_space<vmem>> -> memref<80xi32, #tpu.memory_space<vmem>>
        %dma_start3A_543 = arith.constant 0 : i32
        %dma_start3A_544 = arith.constant 0 : i32
        %dma_start3A_545 = tpu.memref_slice %arg2[%dma_start3A_543, %dma_start3A_544] : memref<10000x128xf32, #tpu.memory_space<hbm>> -> memref<10000x128xf32, #tpu.memory_space<hbm>>
        tpu.enqueue_indirect_dma source(%dma_start3A_545 : memref<10000x128xf32, #tpu.memory_space<hbm>>) target(%arg12 : memref<80x128xf32, #tpu.memory_space<vmem>>) offsets(%dma_start3A : memref<80xi32, #tpu.memory_space<vmem>>) semaphore(%arg20 : memref<!tpu.dma_semaphore, #tpu.memory_space<semaphore_mem>>)
      } else {
      }
      %mul3A_277 = arith.constant 8 : i32
      %mul3A_278 = arith.muli %add3A_95, %mul3A_277 : i32
      %add3A_279 = arith.constant 7 : i32
      %add3A_280 = arith.addi %mul3A_278, %add3A_279 : i32
      %mul3A_281 = arith.constant 129 : i32
      %mul3A_282 = arith.muli %add3A, %mul3A_281 : i32
      %add3A_283 = arith.addi %mul3A_282, %add3A_280 : i32
      %gt3A_284 = arith.constant 0 : i32
      %gt3A_285 = arith.cmpi sgt, %add3A_95, %gt3A_284 : i32
      %lt3A_286 = arith.constant 129 : i32
      %lt3A_287 = arith.cmpi slt, %add3A_280, %lt3A_286 : i32
      %lt3A_288 = arith.constant 4125 : i32
      %lt3A_289 = arith.cmpi slt, %add3A_283, %lt3A_288 : i32
      %and3A_290 = arith.andi %lt3A_287, %lt3A_289 : i1
      %and3A_291 = arith.andi %gt3A_285, %and3A_290 : i1
      %convert_element_type3A_292 = arith.extui %and3A_291 : i1 to i32
      %cond3A_293 = arith.constant 0 : i32
      %cond3A_294 = arith.cmpi ne, %convert_element_type3A_292, %cond3A_293 : i32
      scf.if %cond3A_294 {
        %jit3A = arith.constant 125 : i32
        %div3A = arith.divsi %add3A_283, %jit3A : i32
        %sign3A = arith.constant 0 : i32
        %sign3A_423 = arith.cmpi sgt, %add3A_283, %sign3A : i32
        %sign3A_424 = arith.extui %sign3A_423 : i1 to i32
        %sign3A_425 = arith.constant 0 : i32
        %sign3A_426 = arith.cmpi slt, %add3A_283, %sign3A_425 : i32
        %sign3A_427 = arith.extui %sign3A_426 : i1 to i32
        %sign3A_428 = arith.subi %sign3A_424, %sign3A_427 : i32
        %sign3A_429 = arith.constant 0 : i32
        %sign3A_430 = arith.cmpi sgt, %jit3A, %sign3A_429 : i32
        %sign3A_431 = arith.extui %sign3A_430 : i1 to i32
        %sign3A_432 = arith.constant 0 : i32
        %sign3A_433 = arith.cmpi slt, %jit3A, %sign3A_432 : i32
        %sign3A_434 = arith.extui %sign3A_433 : i1 to i32
        %sign3A_435 = arith.subi %sign3A_431, %sign3A_434 : i32
        %ne3A = arith.cmpi ne, %sign3A_428, %sign3A_435 : i32
        %rem3A = arith.remsi %add3A_283, %jit3A : i32
        %ne3A_436 = arith.constant 0 : i32
        %ne3A_437 = arith.cmpi ne, %rem3A, %ne3A_436 : i32
        %and3A_438 = arith.andi %ne3A, %ne3A_437 : i1
        %sub3A = arith.constant 1 : i32
        %sub3A_439 = arith.subi %div3A, %sub3A : i32
        %select_n3A = arith.select %and3A_438, %sub3A_439, %div3A : i32
        %mul3A_440 = arith.constant 125 : i32
        %mul3A_441 = arith.muli %select_n3A, %mul3A_440 : i32
        %sub3A_442 = arith.subi %add3A_283, %mul3A_441 : i32
        %mul3A_443 = arith.constant 80 : i32
        %mul3A_444 = arith.muli %sub3A_442, %mul3A_443 : i32
        %mul3A_445 = arith.constant 128 : i32
        %mul3A_446 = arith.muli %select_n3A, %mul3A_445 : i32
        %dma_wait3A = tpu.memref_slice %arg4[%mul3A_444, %mul3A_446] : memref<10000x4224xf32, #tpu.memory_space<hbm>> -> memref<80x128xf32, #tpu.memory_space<hbm>>
        %dma_wait3A_447 = tpu.memref_slice %arg4[%mul3A_444, %mul3A_446] : memref<10000x4224xf32, #tpu.memory_space<hbm>> -> memref<80x128xf32, #tpu.memory_space<hbm>>
        tpu.wait_dma2 semaphore(%arg29 : memref<!tpu.dma_semaphore, #tpu.memory_space<semaphore_mem>>) src(%arg13 : memref<80x128xf32, #tpu.memory_space<vmem>>) dst(%dma_wait3A_447 : memref<80x128xf32, #tpu.memory_space<hbm>>)
      } else {
      }
      %lt3A_295 = arith.constant 129 : i32
      %lt3A_296 = arith.cmpi slt, %add3A_280, %lt3A_295 : i32
      %lt3A_297 = arith.constant 4125 : i32
      %lt3A_298 = arith.cmpi slt, %add3A_283, %lt3A_297 : i32
      %and3A_299 = arith.andi %lt3A_296, %lt3A_298 : i1
      %convert_element_type3A_300 = arith.extui %and3A_299 : i1 to i32
      %cond3A_301 = arith.constant 0 : i32
      %cond3A_302 = arith.cmpi ne, %convert_element_type3A_300, %cond3A_301 : i32
      scf.if %cond3A_302 {
        %jit3A = arith.constant 125 : i32
        %div3A = arith.divsi %add3A_283, %jit3A : i32
        %sign3A = arith.constant 0 : i32
        %sign3A_423 = arith.cmpi sgt, %add3A_283, %sign3A : i32
        %sign3A_424 = arith.extui %sign3A_423 : i1 to i32
        %sign3A_425 = arith.constant 0 : i32
        %sign3A_426 = arith.cmpi slt, %add3A_283, %sign3A_425 : i32
        %sign3A_427 = arith.extui %sign3A_426 : i1 to i32
        %sign3A_428 = arith.subi %sign3A_424, %sign3A_427 : i32
        %sign3A_429 = arith.constant 0 : i32
        %sign3A_430 = arith.cmpi sgt, %jit3A, %sign3A_429 : i32
        %sign3A_431 = arith.extui %sign3A_430 : i1 to i32
        %sign3A_432 = arith.constant 0 : i32
        %sign3A_433 = arith.cmpi slt, %jit3A, %sign3A_432 : i32
        %sign3A_434 = arith.extui %sign3A_433 : i1 to i32
        %sign3A_435 = arith.subi %sign3A_431, %sign3A_434 : i32
        %ne3A = arith.cmpi ne, %sign3A_428, %sign3A_435 : i32
        %rem3A = arith.remsi %add3A_283, %jit3A : i32
        %ne3A_436 = arith.constant 0 : i32
        %ne3A_437 = arith.cmpi ne, %rem3A, %ne3A_436 : i32
        %and3A_438 = arith.andi %ne3A, %ne3A_437 : i1
        %sub3A = arith.constant 1 : i32
        %sub3A_439 = arith.subi %div3A, %sub3A : i32
        %select_n3A = arith.select %and3A_438, %sub3A_439, %div3A : i32
        %mul3A_440 = arith.constant 125 : i32
        %mul3A_441 = arith.muli %select_n3A, %mul3A_440 : i32
        %sub3A_442 = arith.subi %add3A_283, %mul3A_441 : i32
        %mul3A_443 = arith.constant 80 : i32
        %mul3A_444 = arith.muli %sub3A_442, %mul3A_443 : i32
        %mul3A_445 = arith.constant 80 : i32
        %mul3A_446 = arith.muli %add3A_280, %mul3A_445 : i32
        %add3A_447 = arith.constant 0 : i32
        %add3A_448 = arith.addi %mul3A_446, %add3A_447 : i32
        %get3A = arith.index_cast %add3A_448 : i32 to index
        %get3A_449 = tpu.vector_load %arg5[%get3A] {strides = array<i32>} : memref<10320xi32, #tpu.memory_space<vmem>>, vector<16xi32>,
        %get3A_450 = vector.shape_cast %get3A_449 : vector<16xi32> to vector<16xi32>
        %add3A_451 = arith.constant 0 : i32
        %add3A_452 = arith.addi %mul3A_444, %add3A_451 : i32
        %iota3A = tpu.iota {dimensions = array<i32: 0>} : vector<16xi32>
        %add3A_453 = vector.broadcast %add3A_452 : i32 to vector<16xi32>
        %add3A_454 = arith.addi %add3A_453, %iota3A : vector<16xi32>
        %eq3A = arith.constant 0 : i32
        %eq3A_455 = vector.broadcast %eq3A : i32 to vector<16xi32>
        %eq3A_456 = arith.cmpi eq, %get3A_450, %eq3A_455 : vector<16xi32>
        %select_n3A_457 = arith.select %eq3A_456, %add3A_454, %get3A_450 : vector<16xi1>, vector<16xi32>
        %swap3A = arith.index_cast %add3A_448 : i32 to index
        %swap3A_458 = tpu.vector_load %arg5[%swap3A] {strides = array<i32>} : memref<10320xi32, #tpu.memory_space<vmem>>, vector<16xi32>,
        %swap3A_459 = vector.shape_cast %swap3A_458 : vector<16xi32> to vector<16xi32>
        %swap3A_460 = vector.shape_cast %select_n3A_457 : vector<16xi32> to vector<16xi32>
        tpu.vector_store %arg5[%swap3A], %swap3A_460 {strides = array<i32>} : memref<10320xi32, #tpu.memory_space<vmem>>, vector<16xi32>,
        %mul3A_461 = arith.constant 80 : i32
        %mul3A_462 = arith.muli %add3A_280, %mul3A_461 : i32
        %add3A_463 = arith.constant 16 : i32
        %add3A_464 = arith.addi %mul3A_462, %add3A_463 : i32
        %get3A_465 = arith.index_cast %add3A_464 : i32 to index
        %get3A_466 = tpu.vector_load %arg5[%get3A_465] {strides = array<i32>} : memref<10320xi32, #tpu.memory_space<vmem>>, vector<16xi32>,
        %get3A_467 = vector.shape_cast %get3A_466 : vector<16xi32> to vector<16xi32>
        %add3A_468 = arith.constant 16 : i32
        %add3A_469 = arith.addi %mul3A_444, %add3A_468 : i32
        %iota3A_470 = tpu.iota {dimensions = array<i32: 0>} : vector<16xi32>
        %add3A_471 = vector.broadcast %add3A_469 : i32 to vector<16xi32>
        %add3A_472 = arith.addi %add3A_471, %iota3A_470 : vector<16xi32>
        %eq3A_473 = arith.constant 0 : i32
        %eq3A_474 = vector.broadcast %eq3A_473 : i32 to vector<16xi32>
        %eq3A_475 = arith.cmpi eq, %get3A_467, %eq3A_474 : vector<16xi32>
        %select_n3A_476 = arith.select %eq3A_475, %add3A_472, %get3A_467 : vector<16xi1>, vector<16xi32>
        %swap3A_477 = arith.index_cast %add3A_464 : i32 to index
        %swap3A_478 = tpu.vector_load %arg5[%swap3A_477] {strides = array<i32>} : memref<10320xi32, #tpu.memory_space<vmem>>, vector<16xi32>,
        %swap3A_479 = vector.shape_cast %swap3A_478 : vector<16xi32> to vector<16xi32>
        %swap3A_480 = vector.shape_cast %select_n3A_476 : vector<16xi32> to vector<16xi32>
        tpu.vector_store %arg5[%swap3A_477], %swap3A_480 {strides = array<i32>} : memref<10320xi32, #tpu.memory_space<vmem>>, vector<16xi32>,
        %mul3A_481 = arith.constant 80 : i32
        %mul3A_482 = arith.muli %add3A_280, %mul3A_481 : i32
        %add3A_483 = arith.constant 32 : i32
        %add3A_484 = arith.addi %mul3A_482, %add3A_483 : i32
        %get3A_485 = arith.index_cast %add3A_484 : i32 to index
        %get3A_486 = tpu.vector_load %arg5[%get3A_485] {strides = array<i32>} : memref<10320xi32, #tpu.memory_space<vmem>>, vector<16xi32>,
        %get3A_487 = vector.shape_cast %get3A_486 : vector<16xi32> to vector<16xi32>
        %add3A_488 = arith.constant 32 : i32
        %add3A_489 = arith.addi %mul3A_444, %add3A_488 : i32
        %iota3A_490 = tpu.iota {dimensions = array<i32: 0>} : vector<16xi32>
        %add3A_491 = vector.broadcast %add3A_489 : i32 to vector<16xi32>
        %add3A_492 = arith.addi %add3A_491, %iota3A_490 : vector<16xi32>
        %eq3A_493 = arith.constant 0 : i32
        %eq3A_494 = vector.broadcast %eq3A_493 : i32 to vector<16xi32>
        %eq3A_495 = arith.cmpi eq, %get3A_487, %eq3A_494 : vector<16xi32>
        %select_n3A_496 = arith.select %eq3A_495, %add3A_492, %get3A_487 : vector<16xi1>, vector<16xi32>
        %swap3A_497 = arith.index_cast %add3A_484 : i32 to index
        %swap3A_498 = tpu.vector_load %arg5[%swap3A_497] {strides = array<i32>} : memref<10320xi32, #tpu.memory_space<vmem>>, vector<16xi32>,
        %swap3A_499 = vector.shape_cast %swap3A_498 : vector<16xi32> to vector<16xi32>
        %swap3A_500 = vector.shape_cast %select_n3A_496 : vector<16xi32> to vector<16xi32>
        tpu.vector_store %arg5[%swap3A_497], %swap3A_500 {strides = array<i32>} : memref<10320xi32, #tpu.memory_space<vmem>>, vector<16xi32>,
        %mul3A_501 = arith.constant 80 : i32
        %mul3A_502 = arith.muli %add3A_280, %mul3A_501 : i32
        %add3A_503 = arith.constant 48 : i32
        %add3A_504 = arith.addi %mul3A_502, %add3A_503 : i32
        %get3A_505 = arith.index_cast %add3A_504 : i32 to index
        %get3A_506 = tpu.vector_load %arg5[%get3A_505] {strides = array<i32>} : memref<10320xi32, #tpu.memory_space<vmem>>, vector<16xi32>,
        %get3A_507 = vector.shape_cast %get3A_506 : vector<16xi32> to vector<16xi32>
        %add3A_508 = arith.constant 48 : i32
        %add3A_509 = arith.addi %mul3A_444, %add3A_508 : i32
        %iota3A_510 = tpu.iota {dimensions = array<i32: 0>} : vector<16xi32>
        %add3A_511 = vector.broadcast %add3A_509 : i32 to vector<16xi32>
        %add3A_512 = arith.addi %add3A_511, %iota3A_510 : vector<16xi32>
        %eq3A_513 = arith.constant 0 : i32
        %eq3A_514 = vector.broadcast %eq3A_513 : i32 to vector<16xi32>
        %eq3A_515 = arith.cmpi eq, %get3A_507, %eq3A_514 : vector<16xi32>
        %select_n3A_516 = arith.select %eq3A_515, %add3A_512, %get3A_507 : vector<16xi1>, vector<16xi32>
        %swap3A_517 = arith.index_cast %add3A_504 : i32 to index
        %swap3A_518 = tpu.vector_load %arg5[%swap3A_517] {strides = array<i32>} : memref<10320xi32, #tpu.memory_space<vmem>>, vector<16xi32>,
        %swap3A_519 = vector.shape_cast %swap3A_518 : vector<16xi32> to vector<16xi32>
        %swap3A_520 = vector.shape_cast %select_n3A_516 : vector<16xi32> to vector<16xi32>
        tpu.vector_store %arg5[%swap3A_517], %swap3A_520 {strides = array<i32>} : memref<10320xi32, #tpu.memory_space<vmem>>, vector<16xi32>,
        %mul3A_521 = arith.constant 80 : i32
        %mul3A_522 = arith.muli %add3A_280, %mul3A_521 : i32
        %add3A_523 = arith.constant 64 : i32
        %add3A_524 = arith.addi %mul3A_522, %add3A_523 : i32
        %get3A_525 = arith.index_cast %add3A_524 : i32 to index
        %get3A_526 = tpu.vector_load %arg5[%get3A_525] {strides = array<i32>} : memref<10320xi32, #tpu.memory_space<vmem>>, vector<16xi32>,
        %get3A_527 = vector.shape_cast %get3A_526 : vector<16xi32> to vector<16xi32>
        %add3A_528 = arith.constant 64 : i32
        %add3A_529 = arith.addi %mul3A_444, %add3A_528 : i32
        %iota3A_530 = tpu.iota {dimensions = array<i32: 0>} : vector<16xi32>
        %add3A_531 = vector.broadcast %add3A_529 : i32 to vector<16xi32>
        %add3A_532 = arith.addi %add3A_531, %iota3A_530 : vector<16xi32>
        %eq3A_533 = arith.constant 0 : i32
        %eq3A_534 = vector.broadcast %eq3A_533 : i32 to vector<16xi32>
        %eq3A_535 = arith.cmpi eq, %get3A_527, %eq3A_534 : vector<16xi32>
        %select_n3A_536 = arith.select %eq3A_535, %add3A_532, %get3A_527 : vector<16xi1>, vector<16xi32>
        %swap3A_537 = arith.index_cast %add3A_524 : i32 to index
        %swap3A_538 = tpu.vector_load %arg5[%swap3A_537] {strides = array<i32>} : memref<10320xi32, #tpu.memory_space<vmem>>, vector<16xi32>,
        %swap3A_539 = vector.shape_cast %swap3A_538 : vector<16xi32> to vector<16xi32>
        %swap3A_540 = vector.shape_cast %select_n3A_536 : vector<16xi32> to vector<16xi32>
        tpu.vector_store %arg5[%swap3A_537], %swap3A_540 {strides = array<i32>} : memref<10320xi32, #tpu.memory_space<vmem>>, vector<16xi32>,
        %mul3A_541 = arith.constant 80 : i32
        %mul3A_542 = arith.muli %add3A_280, %mul3A_541 : i32
        %dma_start3A = tpu.memref_slice %arg5[%mul3A_542] : memref<10320xi32, #tpu.memory_space<vmem>> -> memref<80xi32, #tpu.memory_space<vmem>>
        %dma_start3A_543 = arith.constant 0 : i32
        %dma_start3A_544 = arith.constant 0 : i32
        %dma_start3A_545 = tpu.memref_slice %arg2[%dma_start3A_543, %dma_start3A_544] : memref<10000x128xf32, #tpu.memory_space<hbm>> -> memref<10000x128xf32, #tpu.memory_space<hbm>>
        tpu.enqueue_indirect_dma source(%dma_start3A_545 : memref<10000x128xf32, #tpu.memory_space<hbm>>) target(%arg13 : memref<80x128xf32, #tpu.memory_space<vmem>>) offsets(%dma_start3A : memref<80xi32, #tpu.memory_space<vmem>>) semaphore(%arg21 : memref<!tpu.dma_semaphore, #tpu.memory_space<semaphore_mem>>)
      } else {
      }
      %mul3A_303 = arith.constant 8 : i32
      %mul3A_304 = arith.muli %add3A_95, %mul3A_303 : i32
      %add3A_305 = arith.constant 0 : i32
      %add3A_306 = arith.addi %mul3A_304, %add3A_305 : i32
      %mul3A_307 = arith.constant 129 : i32
      %mul3A_308 = arith.muli %add3A, %mul3A_307 : i32
      %add3A_309 = arith.addi %mul3A_308, %add3A_306 : i32
      %lt3A_310 = arith.constant 129 : i32
      %lt3A_311 = arith.cmpi slt, %add3A_306, %lt3A_310 : i32
      %lt3A_312 = arith.constant 4125 : i32
      %lt3A_313 = arith.cmpi slt, %add3A_309, %lt3A_312 : i32
      %and3A_314 = arith.andi %lt3A_311, %lt3A_313 : i1
      %convert_element_type3A_315 = arith.extui %and3A_314 : i1 to i32
      %cond3A_316 = arith.constant 0 : i32
      %cond3A_317 = arith.cmpi ne, %convert_element_type3A_315, %cond3A_316 : i32
      scf.if %cond3A_317 {
        %mul3A_423 = arith.constant 80 : i32
        %mul3A_424 = arith.muli %add3A_306, %mul3A_423 : i32
        %dma_wait3A = tpu.memref_slice %arg5[%mul3A_424] : memref<10320xi32, #tpu.memory_space<vmem>> -> memref<80xi32, #tpu.memory_space<vmem>>
        %dma_wait3A_425 = arith.constant 0 : i32
        %dma_wait3A_426 = arith.constant 0 : i32
        %dma_wait3A_427 = tpu.memref_slice %arg2[%dma_wait3A_425, %dma_wait3A_426] : memref<10000x128xf32, #tpu.memory_space<hbm>> -> memref<10000x128xf32, #tpu.memory_space<hbm>>
        tpu.wait_indirect_dma semaphore(%arg14 : memref<!tpu.dma_semaphore, #tpu.memory_space<semaphore_mem>>) src(%dma_wait3A_427 : memref<10000x128xf32, #tpu.memory_space<hbm>>) dst(%arg6 : memref<80x128xf32, #tpu.memory_space<vmem>>)
        %jit3A = arith.constant 125 : i32
        %div3A = arith.divsi %add3A_309, %jit3A : i32
        %sign3A = arith.constant 0 : i32
        %sign3A_428 = arith.cmpi sgt, %add3A_309, %sign3A : i32
        %sign3A_429 = arith.extui %sign3A_428 : i1 to i32
        %sign3A_430 = arith.constant 0 : i32
        %sign3A_431 = arith.cmpi slt, %add3A_309, %sign3A_430 : i32
        %sign3A_432 = arith.extui %sign3A_431 : i1 to i32
        %sign3A_433 = arith.subi %sign3A_429, %sign3A_432 : i32
        %sign3A_434 = arith.constant 0 : i32
        %sign3A_435 = arith.cmpi sgt, %jit3A, %sign3A_434 : i32
        %sign3A_436 = arith.extui %sign3A_435 : i1 to i32
        %sign3A_437 = arith.constant 0 : i32
        %sign3A_438 = arith.cmpi slt, %jit3A, %sign3A_437 : i32
        %sign3A_439 = arith.extui %sign3A_438 : i1 to i32
        %sign3A_440 = arith.subi %sign3A_436, %sign3A_439 : i32
        %ne3A = arith.cmpi ne, %sign3A_433, %sign3A_440 : i32
        %rem3A = arith.remsi %add3A_309, %jit3A : i32
        %ne3A_441 = arith.constant 0 : i32
        %ne3A_442 = arith.cmpi ne, %rem3A, %ne3A_441 : i32
        %and3A_443 = arith.andi %ne3A, %ne3A_442 : i1
        %sub3A = arith.constant 1 : i32
        %sub3A_444 = arith.subi %div3A, %sub3A : i32
        %select_n3A = arith.select %and3A_443, %sub3A_444, %div3A : i32
        %mul3A_445 = arith.constant 125 : i32
        %mul3A_446 = arith.muli %select_n3A, %mul3A_445 : i32
        %sub3A_447 = arith.subi %add3A_309, %mul3A_446 : i32
        %mul3A_448 = arith.constant 80 : i32
        %mul3A_449 = arith.muli %sub3A_447, %mul3A_448 : i32
        %mul3A_450 = arith.constant 128 : i32
        %mul3A_451 = arith.muli %select_n3A, %mul3A_450 : i32
        %dma_start3A = tpu.memref_slice %arg4[%mul3A_449, %mul3A_451] : memref<10000x4224xf32, #tpu.memory_space<hbm>> -> memref<80x128xf32, #tpu.memory_space<hbm>>
        %dma_start3A_452 = tpu.memref_slice %arg4[%mul3A_449, %mul3A_451] : memref<10000x4224xf32, #tpu.memory_space<hbm>> -> memref<80x128xf32, #tpu.memory_space<hbm>>
        tpu.enqueue_dma source(%arg6 : memref<80x128xf32, #tpu.memory_space<vmem>>) target(%dma_start3A_452 : memref<80x128xf32, #tpu.memory_space<hbm>>) target_semaphore(%arg22 : memref<!tpu.dma_semaphore, #tpu.memory_space<semaphore_mem>>)
      } else {
      }
      %mul3A_318 = arith.constant 8 : i32
      %mul3A_319 = arith.muli %add3A_95, %mul3A_318 : i32
      %add3A_320 = arith.constant 1 : i32
      %add3A_321 = arith.addi %mul3A_319, %add3A_320 : i32
      %mul3A_322 = arith.constant 129 : i32
      %mul3A_323 = arith.muli %add3A, %mul3A_322 : i32
      %add3A_324 = arith.addi %mul3A_323, %add3A_321 : i32
      %lt3A_325 = arith.constant 129 : i32
      %lt3A_326 = arith.cmpi slt, %add3A_321, %lt3A_325 : i32
      %lt3A_327 = arith.constant 4125 : i32
      %lt3A_328 = arith.cmpi slt, %add3A_324, %lt3A_327 : i32
      %and3A_329 = arith.andi %lt3A_326, %lt3A_328 : i1
      %convert_element_type3A_330 = arith.extui %and3A_329 : i1 to i32
      %cond3A_331 = arith.constant 0 : i32
      %cond3A_332 = arith.cmpi ne, %convert_element_type3A_330, %cond3A_331 : i32
      scf.if %cond3A_332 {
        %mul3A_423 = arith.constant 80 : i32
        %mul3A_424 = arith.muli %add3A_321, %mul3A_423 : i32
        %dma_wait3A = tpu.memref_slice %arg5[%mul3A_424] : memref<10320xi32, #tpu.memory_space<vmem>> -> memref<80xi32, #tpu.memory_space<vmem>>
        %dma_wait3A_425 = arith.constant 0 : i32
        %dma_wait3A_426 = arith.constant 0 : i32
        %dma_wait3A_427 = tpu.memref_slice %arg2[%dma_wait3A_425, %dma_wait3A_426] : memref<10000x128xf32, #tpu.memory_space<hbm>> -> memref<10000x128xf32, #tpu.memory_space<hbm>>
        tpu.wait_indirect_dma semaphore(%arg15 : memref<!tpu.dma_semaphore, #tpu.memory_space<semaphore_mem>>) src(%dma_wait3A_427 : memref<10000x128xf32, #tpu.memory_space<hbm>>) dst(%arg7 : memref<80x128xf32, #tpu.memory_space<vmem>>)
        %jit3A = arith.constant 125 : i32
        %div3A = arith.divsi %add3A_324, %jit3A : i32
        %sign3A = arith.constant 0 : i32
        %sign3A_428 = arith.cmpi sgt, %add3A_324, %sign3A : i32
        %sign3A_429 = arith.extui %sign3A_428 : i1 to i32
        %sign3A_430 = arith.constant 0 : i32
        %sign3A_431 = arith.cmpi slt, %add3A_324, %sign3A_430 : i32
        %sign3A_432 = arith.extui %sign3A_431 : i1 to i32
        %sign3A_433 = arith.subi %sign3A_429, %sign3A_432 : i32
        %sign3A_434 = arith.constant 0 : i32
        %sign3A_435 = arith.cmpi sgt, %jit3A, %sign3A_434 : i32
        %sign3A_436 = arith.extui %sign3A_435 : i1 to i32
        %sign3A_437 = arith.constant 0 : i32
        %sign3A_438 = arith.cmpi slt, %jit3A, %sign3A_437 : i32
        %sign3A_439 = arith.extui %sign3A_438 : i1 to i32
        %sign3A_440 = arith.subi %sign3A_436, %sign3A_439 : i32
        %ne3A = arith.cmpi ne, %sign3A_433, %sign3A_440 : i32
        %rem3A = arith.remsi %add3A_324, %jit3A : i32
        %ne3A_441 = arith.constant 0 : i32
        %ne3A_442 = arith.cmpi ne, %rem3A, %ne3A_441 : i32
        %and3A_443 = arith.andi %ne3A, %ne3A_442 : i1
        %sub3A = arith.constant 1 : i32
        %sub3A_444 = arith.subi %div3A, %sub3A : i32
        %select_n3A = arith.select %and3A_443, %sub3A_444, %div3A : i32
        %mul3A_445 = arith.constant 125 : i32
        %mul3A_446 = arith.muli %select_n3A, %mul3A_445 : i32
        %sub3A_447 = arith.subi %add3A_324, %mul3A_446 : i32
        %mul3A_448 = arith.constant 80 : i32
        %mul3A_449 = arith.muli %sub3A_447, %mul3A_448 : i32
        %mul3A_450 = arith.constant 128 : i32
        %mul3A_451 = arith.muli %select_n3A, %mul3A_450 : i32
        %dma_start3A = tpu.memref_slice %arg4[%mul3A_449, %mul3A_451] : memref<10000x4224xf32, #tpu.memory_space<hbm>> -> memref<80x128xf32, #tpu.memory_space<hbm>>
        %dma_start3A_452 = tpu.memref_slice %arg4[%mul3A_449, %mul3A_451] : memref<10000x4224xf32, #tpu.memory_space<hbm>> -> memref<80x128xf32, #tpu.memory_space<hbm>>
        tpu.enqueue_dma source(%arg7 : memref<80x128xf32, #tpu.memory_space<vmem>>) target(%dma_start3A_452 : memref<80x128xf32, #tpu.memory_space<hbm>>) target_semaphore(%arg23 : memref<!tpu.dma_semaphore, #tpu.memory_space<semaphore_mem>>)
      } else {
      }
      %mul3A_333 = arith.constant 8 : i32
      %mul3A_334 = arith.muli %add3A_95, %mul3A_333 : i32
      %add3A_335 = arith.constant 2 : i32
      %add3A_336 = arith.addi %mul3A_334, %add3A_335 : i32
      %mul3A_337 = arith.constant 129 : i32
      %mul3A_338 = arith.muli %add3A, %mul3A_337 : i32
      %add3A_339 = arith.addi %mul3A_338, %add3A_336 : i32
      %lt3A_340 = arith.constant 129 : i32
      %lt3A_341 = arith.cmpi slt, %add3A_336, %lt3A_340 : i32
      %lt3A_342 = arith.constant 4125 : i32
      %lt3A_343 = arith.cmpi slt, %add3A_339, %lt3A_342 : i32
      %and3A_344 = arith.andi %lt3A_341, %lt3A_343 : i1
      %convert_element_type3A_345 = arith.extui %and3A_344 : i1 to i32
      %cond3A_346 = arith.constant 0 : i32
      %cond3A_347 = arith.cmpi ne, %convert_element_type3A_345, %cond3A_346 : i32
      scf.if %cond3A_347 {
        %mul3A_423 = arith.constant 80 : i32
        %mul3A_424 = arith.muli %add3A_336, %mul3A_423 : i32
        %dma_wait3A = tpu.memref_slice %arg5[%mul3A_424] : memref<10320xi32, #tpu.memory_space<vmem>> -> memref<80xi32, #tpu.memory_space<vmem>>
        %dma_wait3A_425 = arith.constant 0 : i32
        %dma_wait3A_426 = arith.constant 0 : i32
        %dma_wait3A_427 = tpu.memref_slice %arg2[%dma_wait3A_425, %dma_wait3A_426] : memref<10000x128xf32, #tpu.memory_space<hbm>> -> memref<10000x128xf32, #tpu.memory_space<hbm>>
        tpu.wait_indirect_dma semaphore(%arg16 : memref<!tpu.dma_semaphore, #tpu.memory_space<semaphore_mem>>) src(%dma_wait3A_427 : memref<10000x128xf32, #tpu.memory_space<hbm>>) dst(%arg8 : memref<80x128xf32, #tpu.memory_space<vmem>>)
        %jit3A = arith.constant 125 : i32
        %div3A = arith.divsi %add3A_339, %jit3A : i32
        %sign3A = arith.constant 0 : i32
        %sign3A_428 = arith.cmpi sgt, %add3A_339, %sign3A : i32
        %sign3A_429 = arith.extui %sign3A_428 : i1 to i32
        %sign3A_430 = arith.constant 0 : i32
        %sign3A_431 = arith.cmpi slt, %add3A_339, %sign3A_430 : i32
        %sign3A_432 = arith.extui %sign3A_431 : i1 to i32
        %sign3A_433 = arith.subi %sign3A_429, %sign3A_432 : i32
        %sign3A_434 = arith.constant 0 : i32
        %sign3A_435 = arith.cmpi sgt, %jit3A, %sign3A_434 : i32
        %sign3A_436 = arith.extui %sign3A_435 : i1 to i32
        %sign3A_437 = arith.constant 0 : i32
        %sign3A_438 = arith.cmpi slt, %jit3A, %sign3A_437 : i32
        %sign3A_439 = arith.extui %sign3A_438 : i1 to i32
        %sign3A_440 = arith.subi %sign3A_436, %sign3A_439 : i32
        %ne3A = arith.cmpi ne, %sign3A_433, %sign3A_440 : i32
        %rem3A = arith.remsi %add3A_339, %jit3A : i32
        %ne3A_441 = arith.constant 0 : i32
        %ne3A_442 = arith.cmpi ne, %rem3A, %ne3A_441 : i32
        %and3A_443 = arith.andi %ne3A, %ne3A_442 : i1
        %sub3A = arith.constant 1 : i32
        %sub3A_444 = arith.subi %div3A, %sub3A : i32
        %select_n3A = arith.select %and3A_443, %sub3A_444, %div3A : i32
        %mul3A_445 = arith.constant 125 : i32
        %mul3A_446 = arith.muli %select_n3A, %mul3A_445 : i32
        %sub3A_447 = arith.subi %add3A_339, %mul3A_446 : i32
        %mul3A_448 = arith.constant 80 : i32
        %mul3A_449 = arith.muli %sub3A_447, %mul3A_448 : i32
        %mul3A_450 = arith.constant 128 : i32
        %mul3A_451 = arith.muli %select_n3A, %mul3A_450 : i32
        %dma_start3A = tpu.memref_slice %arg4[%mul3A_449, %mul3A_451] : memref<10000x4224xf32, #tpu.memory_space<hbm>> -> memref<80x128xf32, #tpu.memory_space<hbm>>
        %dma_start3A_452 = tpu.memref_slice %arg4[%mul3A_449, %mul3A_451] : memref<10000x4224xf32, #tpu.memory_space<hbm>> -> memref<80x128xf32, #tpu.memory_space<hbm>>
        tpu.enqueue_dma source(%arg8 : memref<80x128xf32, #tpu.memory_space<vmem>>) target(%dma_start3A_452 : memref<80x128xf32, #tpu.memory_space<hbm>>) target_semaphore(%arg24 : memref<!tpu.dma_semaphore, #tpu.memory_space<semaphore_mem>>)
      } else {
      }
      %mul3A_348 = arith.constant 8 : i32
      %mul3A_349 = arith.muli %add3A_95, %mul3A_348 : i32
      %add3A_350 = arith.constant 3 : i32
      %add3A_351 = arith.addi %mul3A_349, %add3A_350 : i32
      %mul3A_352 = arith.constant 129 : i32
      %mul3A_353 = arith.muli %add3A, %mul3A_352 : i32
      %add3A_354 = arith.addi %mul3A_353, %add3A_351 : i32
      %lt3A_355 = arith.constant 129 : i32
      %lt3A_356 = arith.cmpi slt, %add3A_351, %lt3A_355 : i32
      %lt3A_357 = arith.constant 4125 : i32
      %lt3A_358 = arith.cmpi slt, %add3A_354, %lt3A_357 : i32
      %and3A_359 = arith.andi %lt3A_356, %lt3A_358 : i1
      %convert_element_type3A_360 = arith.extui %and3A_359 : i1 to i32
      %cond3A_361 = arith.constant 0 : i32
      %cond3A_362 = arith.cmpi ne, %convert_element_type3A_360, %cond3A_361 : i32
      scf.if %cond3A_362 {
        %mul3A_423 = arith.constant 80 : i32
        %mul3A_424 = arith.muli %add3A_351, %mul3A_423 : i32
        %dma_wait3A = tpu.memref_slice %arg5[%mul3A_424] : memref<10320xi32, #tpu.memory_space<vmem>> -> memref<80xi32, #tpu.memory_space<vmem>>
        %dma_wait3A_425 = arith.constant 0 : i32
        %dma_wait3A_426 = arith.constant 0 : i32
        %dma_wait3A_427 = tpu.memref_slice %arg2[%dma_wait3A_425, %dma_wait3A_426] : memref<10000x128xf32, #tpu.memory_space<hbm>> -> memref<10000x128xf32, #tpu.memory_space<hbm>>
        tpu.wait_indirect_dma semaphore(%arg17 : memref<!tpu.dma_semaphore, #tpu.memory_space<semaphore_mem>>) src(%dma_wait3A_427 : memref<10000x128xf32, #tpu.memory_space<hbm>>) dst(%arg9 : memref<80x128xf32, #tpu.memory_space<vmem>>)
        %jit3A = arith.constant 125 : i32
        %div3A = arith.divsi %add3A_354, %jit3A : i32
        %sign3A = arith.constant 0 : i32
        %sign3A_428 = arith.cmpi sgt, %add3A_354, %sign3A : i32
        %sign3A_429 = arith.extui %sign3A_428 : i1 to i32
        %sign3A_430 = arith.constant 0 : i32
        %sign3A_431 = arith.cmpi slt, %add3A_354, %sign3A_430 : i32
        %sign3A_432 = arith.extui %sign3A_431 : i1 to i32
        %sign3A_433 = arith.subi %sign3A_429, %sign3A_432 : i32
        %sign3A_434 = arith.constant 0 : i32
        %sign3A_435 = arith.cmpi sgt, %jit3A, %sign3A_434 : i32
        %sign3A_436 = arith.extui %sign3A_435 : i1 to i32
        %sign3A_437 = arith.constant 0 : i32
        %sign3A_438 = arith.cmpi slt, %jit3A, %sign3A_437 : i32
        %sign3A_439 = arith.extui %sign3A_438 : i1 to i32
        %sign3A_440 = arith.subi %sign3A_436, %sign3A_439 : i32
        %ne3A = arith.cmpi ne, %sign3A_433, %sign3A_440 : i32
        %rem3A = arith.remsi %add3A_354, %jit3A : i32
        %ne3A_441 = arith.constant 0 : i32
        %ne3A_442 = arith.cmpi ne, %rem3A, %ne3A_441 : i32
        %and3A_443 = arith.andi %ne3A, %ne3A_442 : i1
        %sub3A = arith.constant 1 : i32
        %sub3A_444 = arith.subi %div3A, %sub3A : i32
        %select_n3A = arith.select %and3A_443, %sub3A_444, %div3A : i32
        %mul3A_445 = arith.constant 125 : i32
        %mul3A_446 = arith.muli %select_n3A, %mul3A_445 : i32
        %sub3A_447 = arith.subi %add3A_354, %mul3A_446 : i32
        %mul3A_448 = arith.constant 80 : i32
        %mul3A_449 = arith.muli %sub3A_447, %mul3A_448 : i32
        %mul3A_450 = arith.constant 128 : i32
        %mul3A_451 = arith.muli %select_n3A, %mul3A_450 : i32
        %dma_start3A = tpu.memref_slice %arg4[%mul3A_449, %mul3A_451] : memref<10000x4224xf32, #tpu.memory_space<hbm>> -> memref<80x128xf32, #tpu.memory_space<hbm>>
        %dma_start3A_452 = tpu.memref_slice %arg4[%mul3A_449, %mul3A_451] : memref<10000x4224xf32, #tpu.memory_space<hbm>> -> memref<80x128xf32, #tpu.memory_space<hbm>>
        tpu.enqueue_dma source(%arg9 : memref<80x128xf32, #tpu.memory_space<vmem>>) target(%dma_start3A_452 : memref<80x128xf32, #tpu.memory_space<hbm>>) target_semaphore(%arg25 : memref<!tpu.dma_semaphore, #tpu.memory_space<semaphore_mem>>)
      } else {
      }
      %mul3A_363 = arith.constant 8 : i32
      %mul3A_364 = arith.muli %add3A_95, %mul3A_363 : i32
      %add3A_365 = arith.constant 4 : i32
      %add3A_366 = arith.addi %mul3A_364, %add3A_365 : i32
      %mul3A_367 = arith.constant 129 : i32
      %mul3A_368 = arith.muli %add3A, %mul3A_367 : i32
      %add3A_369 = arith.addi %mul3A_368, %add3A_366 : i32
      %lt3A_370 = arith.constant 129 : i32
      %lt3A_371 = arith.cmpi slt, %add3A_366, %lt3A_370 : i32
      %lt3A_372 = arith.constant 4125 : i32
      %lt3A_373 = arith.cmpi slt, %add3A_369, %lt3A_372 : i32
      %and3A_374 = arith.andi %lt3A_371, %lt3A_373 : i1
      %convert_element_type3A_375 = arith.extui %and3A_374 : i1 to i32
      %cond3A_376 = arith.constant 0 : i32
      %cond3A_377 = arith.cmpi ne, %convert_element_type3A_375, %cond3A_376 : i32
      scf.if %cond3A_377 {
        %mul3A_423 = arith.constant 80 : i32
        %mul3A_424 = arith.muli %add3A_366, %mul3A_423 : i32
        %dma_wait3A = tpu.memref_slice %arg5[%mul3A_424] : memref<10320xi32, #tpu.memory_space<vmem>> -> memref<80xi32, #tpu.memory_space<vmem>>
        %dma_wait3A_425 = arith.constant 0 : i32
        %dma_wait3A_426 = arith.constant 0 : i32
        %dma_wait3A_427 = tpu.memref_slice %arg2[%dma_wait3A_425, %dma_wait3A_426] : memref<10000x128xf32, #tpu.memory_space<hbm>> -> memref<10000x128xf32, #tpu.memory_space<hbm>>
        tpu.wait_indirect_dma semaphore(%arg18 : memref<!tpu.dma_semaphore, #tpu.memory_space<semaphore_mem>>) src(%dma_wait3A_427 : memref<10000x128xf32, #tpu.memory_space<hbm>>) dst(%arg10 : memref<80x128xf32, #tpu.memory_space<vmem>>)
        %jit3A = arith.constant 125 : i32
        %div3A = arith.divsi %add3A_369, %jit3A : i32
        %sign3A = arith.constant 0 : i32
        %sign3A_428 = arith.cmpi sgt, %add3A_369, %sign3A : i32
        %sign3A_429 = arith.extui %sign3A_428 : i1 to i32
        %sign3A_430 = arith.constant 0 : i32
        %sign3A_431 = arith.cmpi slt, %add3A_369, %sign3A_430 : i32
        %sign3A_432 = arith.extui %sign3A_431 : i1 to i32
        %sign3A_433 = arith.subi %sign3A_429, %sign3A_432 : i32
        %sign3A_434 = arith.constant 0 : i32
        %sign3A_435 = arith.cmpi sgt, %jit3A, %sign3A_434 : i32
        %sign3A_436 = arith.extui %sign3A_435 : i1 to i32
        %sign3A_437 = arith.constant 0 : i32
        %sign3A_438 = arith.cmpi slt, %jit3A, %sign3A_437 : i32
        %sign3A_439 = arith.extui %sign3A_438 : i1 to i32
        %sign3A_440 = arith.subi %sign3A_436, %sign3A_439 : i32
        %ne3A = arith.cmpi ne, %sign3A_433, %sign3A_440 : i32
        %rem3A = arith.remsi %add3A_369, %jit3A : i32
        %ne3A_441 = arith.constant 0 : i32
        %ne3A_442 = arith.cmpi ne, %rem3A, %ne3A_441 : i32
        %and3A_443 = arith.andi %ne3A, %ne3A_442 : i1
        %sub3A = arith.constant 1 : i32
        %sub3A_444 = arith.subi %div3A, %sub3A : i32
        %select_n3A = arith.select %and3A_443, %sub3A_444, %div3A : i32
        %mul3A_445 = arith.constant 125 : i32
        %mul3A_446 = arith.muli %select_n3A, %mul3A_445 : i32
        %sub3A_447 = arith.subi %add3A_369, %mul3A_446 : i32
        %mul3A_448 = arith.constant 80 : i32
        %mul3A_449 = arith.muli %sub3A_447, %mul3A_448 : i32
        %mul3A_450 = arith.constant 128 : i32
        %mul3A_451 = arith.muli %select_n3A, %mul3A_450 : i32
        %dma_start3A = tpu.memref_slice %arg4[%mul3A_449, %mul3A_451] : memref<10000x4224xf32, #tpu.memory_space<hbm>> -> memref<80x128xf32, #tpu.memory_space<hbm>>
        %dma_start3A_452 = tpu.memref_slice %arg4[%mul3A_449, %mul3A_451] : memref<10000x4224xf32, #tpu.memory_space<hbm>> -> memref<80x128xf32, #tpu.memory_space<hbm>>
        tpu.enqueue_dma source(%arg10 : memref<80x128xf32, #tpu.memory_space<vmem>>) target(%dma_start3A_452 : memref<80x128xf32, #tpu.memory_space<hbm>>) target_semaphore(%arg26 : memref<!tpu.dma_semaphore, #tpu.memory_space<semaphore_mem>>)
      } else {
      }
      %mul3A_378 = arith.constant 8 : i32
      %mul3A_379 = arith.muli %add3A_95, %mul3A_378 : i32
      %add3A_380 = arith.constant 5 : i32
      %add3A_381 = arith.addi %mul3A_379, %add3A_380 : i32
      %mul3A_382 = arith.constant 129 : i32
      %mul3A_383 = arith.muli %add3A, %mul3A_382 : i32
      %add3A_384 = arith.addi %mul3A_383, %add3A_381 : i32
      %lt3A_385 = arith.constant 129 : i32
      %lt3A_386 = arith.cmpi slt, %add3A_381, %lt3A_385 : i32
      %lt3A_387 = arith.constant 4125 : i32
      %lt3A_388 = arith.cmpi slt, %add3A_384, %lt3A_387 : i32
      %and3A_389 = arith.andi %lt3A_386, %lt3A_388 : i1
      %convert_element_type3A_390 = arith.extui %and3A_389 : i1 to i32
      %cond3A_391 = arith.constant 0 : i32
      %cond3A_392 = arith.cmpi ne, %convert_element_type3A_390, %cond3A_391 : i32
      scf.if %cond3A_392 {
        %mul3A_423 = arith.constant 80 : i32
        %mul3A_424 = arith.muli %add3A_381, %mul3A_423 : i32
        %dma_wait3A = tpu.memref_slice %arg5[%mul3A_424] : memref<10320xi32, #tpu.memory_space<vmem>> -> memref<80xi32, #tpu.memory_space<vmem>>
        %dma_wait3A_425 = arith.constant 0 : i32
        %dma_wait3A_426 = arith.constant 0 : i32
        %dma_wait3A_427 = tpu.memref_slice %arg2[%dma_wait3A_425, %dma_wait3A_426] : memref<10000x128xf32, #tpu.memory_space<hbm>> -> memref<10000x128xf32, #tpu.memory_space<hbm>>
        tpu.wait_indirect_dma semaphore(%arg19 : memref<!tpu.dma_semaphore, #tpu.memory_space<semaphore_mem>>) src(%dma_wait3A_427 : memref<10000x128xf32, #tpu.memory_space<hbm>>) dst(%arg11 : memref<80x128xf32, #tpu.memory_space<vmem>>)
        %jit3A = arith.constant 125 : i32
        %div3A = arith.divsi %add3A_384, %jit3A : i32
        %sign3A = arith.constant 0 : i32
        %sign3A_428 = arith.cmpi sgt, %add3A_384, %sign3A : i32
        %sign3A_429 = arith.extui %sign3A_428 : i1 to i32
        %sign3A_430 = arith.constant 0 : i32
        %sign3A_431 = arith.cmpi slt, %add3A_384, %sign3A_430 : i32
        %sign3A_432 = arith.extui %sign3A_431 : i1 to i32
        %sign3A_433 = arith.subi %sign3A_429, %sign3A_432 : i32
        %sign3A_434 = arith.constant 0 : i32
        %sign3A_435 = arith.cmpi sgt, %jit3A, %sign3A_434 : i32
        %sign3A_436 = arith.extui %sign3A_435 : i1 to i32
        %sign3A_437 = arith.constant 0 : i32
        %sign3A_438 = arith.cmpi slt, %jit3A, %sign3A_437 : i32
        %sign3A_439 = arith.extui %sign3A_438 : i1 to i32
        %sign3A_440 = arith.subi %sign3A_436, %sign3A_439 : i32
        %ne3A = arith.cmpi ne, %sign3A_433, %sign3A_440 : i32
        %rem3A = arith.remsi %add3A_384, %jit3A : i32
        %ne3A_441 = arith.constant 0 : i32
        %ne3A_442 = arith.cmpi ne, %rem3A, %ne3A_441 : i32
        %and3A_443 = arith.andi %ne3A, %ne3A_442 : i1
        %sub3A = arith.constant 1 : i32
        %sub3A_444 = arith.subi %div3A, %sub3A : i32
        %select_n3A = arith.select %and3A_443, %sub3A_444, %div3A : i32
        %mul3A_445 = arith.constant 125 : i32
        %mul3A_446 = arith.muli %select_n3A, %mul3A_445 : i32
        %sub3A_447 = arith.subi %add3A_384, %mul3A_446 : i32
        %mul3A_448 = arith.constant 80 : i32
        %mul3A_449 = arith.muli %sub3A_447, %mul3A_448 : i32
        %mul3A_450 = arith.constant 128 : i32
        %mul3A_451 = arith.muli %select_n3A, %mul3A_450 : i32
        %dma_start3A = tpu.memref_slice %arg4[%mul3A_449, %mul3A_451] : memref<10000x4224xf32, #tpu.memory_space<hbm>> -> memref<80x128xf32, #tpu.memory_space<hbm>>
        %dma_start3A_452 = tpu.memref_slice %arg4[%mul3A_449, %mul3A_451] : memref<10000x4224xf32, #tpu.memory_space<hbm>> -> memref<80x128xf32, #tpu.memory_space<hbm>>
        tpu.enqueue_dma source(%arg11 : memref<80x128xf32, #tpu.memory_space<vmem>>) target(%dma_start3A_452 : memref<80x128xf32, #tpu.memory_space<hbm>>) target_semaphore(%arg27 : memref<!tpu.dma_semaphore, #tpu.memory_space<semaphore_mem>>)
      } else {
      }
      %mul3A_393 = arith.constant 8 : i32
      %mul3A_394 = arith.muli %add3A_95, %mul3A_393 : i32
      %add3A_395 = arith.constant 6 : i32
      %add3A_396 = arith.addi %mul3A_394, %add3A_395 : i32
      %mul3A_397 = arith.constant 129 : i32
      %mul3A_398 = arith.muli %add3A, %mul3A_397 : i32
      %add3A_399 = arith.addi %mul3A_398, %add3A_396 : i32
      %lt3A_400 = arith.constant 129 : i32
      %lt3A_401 = arith.cmpi slt, %add3A_396, %lt3A_400 : i32
      %lt3A_402 = arith.constant 4125 : i32
      %lt3A_403 = arith.cmpi slt, %add3A_399, %lt3A_402 : i32
      %and3A_404 = arith.andi %lt3A_401, %lt3A_403 : i1
      %convert_element_type3A_405 = arith.extui %and3A_404 : i1 to i32
      %cond3A_406 = arith.constant 0 : i32
      %cond3A_407 = arith.cmpi ne, %convert_element_type3A_405, %cond3A_406 : i32
      scf.if %cond3A_407 {
        %mul3A_423 = arith.constant 80 : i32
        %mul3A_424 = arith.muli %add3A_396, %mul3A_423 : i32
        %dma_wait3A = tpu.memref_slice %arg5[%mul3A_424] : memref<10320xi32, #tpu.memory_space<vmem>> -> memref<80xi32, #tpu.memory_space<vmem>>
        %dma_wait3A_425 = arith.constant 0 : i32
        %dma_wait3A_426 = arith.constant 0 : i32
        %dma_wait3A_427 = tpu.memref_slice %arg2[%dma_wait3A_425, %dma_wait3A_426] : memref<10000x128xf32, #tpu.memory_space<hbm>> -> memref<10000x128xf32, #tpu.memory_space<hbm>>
        tpu.wait_indirect_dma semaphore(%arg20 : memref<!tpu.dma_semaphore, #tpu.memory_space<semaphore_mem>>) src(%dma_wait3A_427 : memref<10000x128xf32, #tpu.memory_space<hbm>>) dst(%arg12 : memref<80x128xf32, #tpu.memory_space<vmem>>)
        %jit3A = arith.constant 125 : i32
        %div3A = arith.divsi %add3A_399, %jit3A : i32
        %sign3A = arith.constant 0 : i32
        %sign3A_428 = arith.cmpi sgt, %add3A_399, %sign3A : i32
        %sign3A_429 = arith.extui %sign3A_428 : i1 to i32
        %sign3A_430 = arith.constant 0 : i32
        %sign3A_431 = arith.cmpi slt, %add3A_399, %sign3A_430 : i32
        %sign3A_432 = arith.extui %sign3A_431 : i1 to i32
        %sign3A_433 = arith.subi %sign3A_429, %sign3A_432 : i32
        %sign3A_434 = arith.constant 0 : i32
        %sign3A_435 = arith.cmpi sgt, %jit3A, %sign3A_434 : i32
        %sign3A_436 = arith.extui %sign3A_435 : i1 to i32
        %sign3A_437 = arith.constant 0 : i32
        %sign3A_438 = arith.cmpi slt, %jit3A, %sign3A_437 : i32
        %sign3A_439 = arith.extui %sign3A_438 : i1 to i32
        %sign3A_440 = arith.subi %sign3A_436, %sign3A_439 : i32
        %ne3A = arith.cmpi ne, %sign3A_433, %sign3A_440 : i32
        %rem3A = arith.remsi %add3A_399, %jit3A : i32
        %ne3A_441 = arith.constant 0 : i32
        %ne3A_442 = arith.cmpi ne, %rem3A, %ne3A_441 : i32
        %and3A_443 = arith.andi %ne3A, %ne3A_442 : i1
        %sub3A = arith.constant 1 : i32
        %sub3A_444 = arith.subi %div3A, %sub3A : i32
        %select_n3A = arith.select %and3A_443, %sub3A_444, %div3A : i32
        %mul3A_445 = arith.constant 125 : i32
        %mul3A_446 = arith.muli %select_n3A, %mul3A_445 : i32
        %sub3A_447 = arith.subi %add3A_399, %mul3A_446 : i32
        %mul3A_448 = arith.constant 80 : i32
        %mul3A_449 = arith.muli %sub3A_447, %mul3A_448 : i32
        %mul3A_450 = arith.constant 128 : i32
        %mul3A_451 = arith.muli %select_n3A, %mul3A_450 : i32
        %dma_start3A = tpu.memref_slice %arg4[%mul3A_449, %mul3A_451] : memref<10000x4224xf32, #tpu.memory_space<hbm>> -> memref<80x128xf32, #tpu.memory_space<hbm>>
        %dma_start3A_452 = tpu.memref_slice %arg4[%mul3A_449, %mul3A_451] : memref<10000x4224xf32, #tpu.memory_space<hbm>> -> memref<80x128xf32, #tpu.memory_space<hbm>>
        tpu.enqueue_dma source(%arg12 : memref<80x128xf32, #tpu.memory_space<vmem>>) target(%dma_start3A_452 : memref<80x128xf32, #tpu.memory_space<hbm>>) target_semaphore(%arg28 : memref<!tpu.dma_semaphore, #tpu.memory_space<semaphore_mem>>)
      } else {
      }
      %mul3A_408 = arith.constant 8 : i32
      %mul3A_409 = arith.muli %add3A_95, %mul3A_408 : i32
      %add3A_410 = arith.constant 7 : i32
      %add3A_411 = arith.addi %mul3A_409, %add3A_410 : i32
      %mul3A_412 = arith.constant 129 : i32
      %mul3A_413 = arith.muli %add3A, %mul3A_412 : i32
      %add3A_414 = arith.addi %mul3A_413, %add3A_411 : i32
      %lt3A_415 = arith.constant 129 : i32
      %lt3A_416 = arith.cmpi slt, %add3A_411, %lt3A_415 : i32
      %lt3A_417 = arith.constant 4125 : i32
      %lt3A_418 = arith.cmpi slt, %add3A_414, %lt3A_417 : i32
      %and3A_419 = arith.andi %lt3A_416, %lt3A_418 : i1
      %convert_element_type3A_420 = arith.extui %and3A_419 : i1 to i32
      %cond3A_421 = arith.constant 0 : i32
      %cond3A_422 = arith.cmpi ne, %convert_element_type3A_420, %cond3A_421 : i32
      scf.if %cond3A_422 {
        %mul3A_423 = arith.constant 80 : i32
        %mul3A_424 = arith.muli %add3A_411, %mul3A_423 : i32
        %dma_wait3A = tpu.memref_slice %arg5[%mul3A_424] : memref<10320xi32, #tpu.memory_space<vmem>> -> memref<80xi32, #tpu.memory_space<vmem>>
        %dma_wait3A_425 = arith.constant 0 : i32
        %dma_wait3A_426 = arith.constant 0 : i32
        %dma_wait3A_427 = tpu.memref_slice %arg2[%dma_wait3A_425, %dma_wait3A_426] : memref<10000x128xf32, #tpu.memory_space<hbm>> -> memref<10000x128xf32, #tpu.memory_space<hbm>>
        tpu.wait_indirect_dma semaphore(%arg21 : memref<!tpu.dma_semaphore, #tpu.memory_space<semaphore_mem>>) src(%dma_wait3A_427 : memref<10000x128xf32, #tpu.memory_space<hbm>>) dst(%arg13 : memref<80x128xf32, #tpu.memory_space<vmem>>)
        %jit3A = arith.constant 125 : i32
        %div3A = arith.divsi %add3A_414, %jit3A : i32
        %sign3A = arith.constant 0 : i32
        %sign3A_428 = arith.cmpi sgt, %add3A_414, %sign3A : i32
        %sign3A_429 = arith.extui %sign3A_428 : i1 to i32
        %sign3A_430 = arith.constant 0 : i32
        %sign3A_431 = arith.cmpi slt, %add3A_414, %sign3A_430 : i32
        %sign3A_432 = arith.extui %sign3A_431 : i1 to i32
        %sign3A_433 = arith.subi %sign3A_429, %sign3A_432 : i32
        %sign3A_434 = arith.constant 0 : i32
        %sign3A_435 = arith.cmpi sgt, %jit3A, %sign3A_434 : i32
        %sign3A_436 = arith.extui %sign3A_435 : i1 to i32
        %sign3A_437 = arith.constant 0 : i32
        %sign3A_438 = arith.cmpi slt, %jit3A, %sign3A_437 : i32
        %sign3A_439 = arith.extui %sign3A_438 : i1 to i32
        %sign3A_440 = arith.subi %sign3A_436, %sign3A_439 : i32
        %ne3A = arith.cmpi ne, %sign3A_433, %sign3A_440 : i32
        %rem3A = arith.remsi %add3A_414, %jit3A : i32
        %ne3A_441 = arith.constant 0 : i32
        %ne3A_442 = arith.cmpi ne, %rem3A, %ne3A_441 : i32
        %and3A_443 = arith.andi %ne3A, %ne3A_442 : i1
        %sub3A = arith.constant 1 : i32
        %sub3A_444 = arith.subi %div3A, %sub3A : i32
        %select_n3A = arith.select %and3A_443, %sub3A_444, %div3A : i32
        %mul3A_445 = arith.constant 125 : i32
        %mul3A_446 = arith.muli %select_n3A, %mul3A_445 : i32
        %sub3A_447 = arith.subi %add3A_414, %mul3A_446 : i32
        %mul3A_448 = arith.constant 80 : i32
        %mul3A_449 = arith.muli %sub3A_447, %mul3A_448 : i32
        %mul3A_450 = arith.constant 128 : i32
        %mul3A_451 = arith.muli %select_n3A, %mul3A_450 : i32
        %dma_start3A = tpu.memref_slice %arg4[%mul3A_449, %mul3A_451] : memref<10000x4224xf32, #tpu.memory_space<hbm>> -> memref<80x128xf32, #tpu.memory_space<hbm>>
        %dma_start3A_452 = tpu.memref_slice %arg4[%mul3A_449, %mul3A_451] : memref<10000x4224xf32, #tpu.memory_space<hbm>> -> memref<80x128xf32, #tpu.memory_space<hbm>>
        tpu.enqueue_dma source(%arg13 : memref<80x128xf32, #tpu.memory_space<vmem>>) target(%dma_start3A_452 : memref<80x128xf32, #tpu.memory_space<hbm>>) target_semaphore(%arg29 : memref<!tpu.dma_semaphore, #tpu.memory_space<semaphore_mem>>)
      } else {
      }
    }
    %scan3A_6 = arith.constant 17 : i32
    %mul3A_7 = arith.constant 129 : i32
    %mul3A_8 = arith.muli %add3A, %mul3A_7 : i32
    %add3A_9 = arith.constant 128 : i32
    %add3A_10 = arith.addi %mul3A_8, %add3A_9 : i32
    %lt3A = arith.constant 4125 : i32
    %lt3A_11 = arith.cmpi slt, %add3A_10, %lt3A : i32
    %and3A = arith.constant true
    %and3A_12 = arith.andi %and3A, %lt3A_11 : i1
    %convert_element_type3A = arith.extui %and3A_12 : i1 to i32
    %cond3A = arith.constant 0 : i32
    %cond3A_13 = arith.cmpi ne, %convert_element_type3A, %cond3A : i32
    scf.if %cond3A_13 {
      %jit3A = arith.constant 125 : i32
      %div3A = arith.divsi %add3A_10, %jit3A : i32
      %sign3A = arith.constant 0 : i32
      %sign3A_91 = arith.cmpi sgt, %add3A_10, %sign3A : i32
      %sign3A_92 = arith.extui %sign3A_91 : i1 to i32
      %sign3A_93 = arith.constant 0 : i32
      %sign3A_94 = arith.cmpi slt, %add3A_10, %sign3A_93 : i32
      %sign3A_95 = arith.extui %sign3A_94 : i1 to i32
      %sign3A_96 = arith.subi %sign3A_92, %sign3A_95 : i32
      %sign3A_97 = arith.constant 0 : i32
      %sign3A_98 = arith.cmpi sgt, %jit3A, %sign3A_97 : i32
      %sign3A_99 = arith.extui %sign3A_98 : i1 to i32
      %sign3A_100 = arith.constant 0 : i32
      %sign3A_101 = arith.cmpi slt, %jit3A, %sign3A_100 : i32
      %sign3A_102 = arith.extui %sign3A_101 : i1 to i32
      %sign3A_103 = arith.subi %sign3A_99, %sign3A_102 : i32
      %ne3A = arith.cmpi ne, %sign3A_96, %sign3A_103 : i32
      %rem3A = arith.remsi %add3A_10, %jit3A : i32
      %ne3A_104 = arith.constant 0 : i32
      %ne3A_105 = arith.cmpi ne, %rem3A, %ne3A_104 : i32
      %and3A_106 = arith.andi %ne3A, %ne3A_105 : i1
      %sub3A = arith.constant 1 : i32
      %sub3A_107 = arith.subi %div3A, %sub3A : i32
      %select_n3A = arith.select %and3A_106, %sub3A_107, %div3A : i32
      %mul3A_108 = arith.constant 125 : i32
      %mul3A_109 = arith.muli %select_n3A, %mul3A_108 : i32
      %sub3A_110 = arith.subi %add3A_10, %mul3A_109 : i32
      %mul3A_111 = arith.constant 80 : i32
      %mul3A_112 = arith.muli %sub3A_110, %mul3A_111 : i32
      %mul3A_113 = arith.constant 128 : i32
      %mul3A_114 = arith.muli %select_n3A, %mul3A_113 : i32
      %dma_wait3A = tpu.memref_slice %arg4[%mul3A_112, %mul3A_114] : memref<10000x4224xf32, #tpu.memory_space<hbm>> -> memref<80x128xf32, #tpu.memory_space<hbm>>
      %dma_wait3A_115 = tpu.memref_slice %arg4[%mul3A_112, %mul3A_114] : memref<10000x4224xf32, #tpu.memory_space<hbm>> -> memref<80x128xf32, #tpu.memory_space<hbm>>
      tpu.wait_dma2 semaphore(%arg22 : memref<!tpu.dma_semaphore, #tpu.memory_space<semaphore_mem>>) src(%arg6 : memref<80x128xf32, #tpu.memory_space<vmem>>) dst(%dma_wait3A_115 : memref<80x128xf32, #tpu.memory_space<hbm>>)
    } else {
    }
    %mul3A_14 = arith.constant 129 : i32
    %mul3A_15 = arith.muli %add3A, %mul3A_14 : i32
    %add3A_16 = arith.constant 129 : i32
    %add3A_17 = arith.addi %mul3A_15, %add3A_16 : i32
    %lt3A_18 = arith.constant 4125 : i32
    %lt3A_19 = arith.cmpi slt, %add3A_17, %lt3A_18 : i32
    %and3A_20 = arith.constant false
    %and3A_21 = arith.andi %and3A_20, %lt3A_19 : i1
    %convert_element_type3A_22 = arith.extui %and3A_21 : i1 to i32
    %cond3A_23 = arith.constant 0 : i32
    %cond3A_24 = arith.cmpi ne, %convert_element_type3A_22, %cond3A_23 : i32
    scf.if %cond3A_24 {
      %jit3A = arith.constant 125 : i32
      %div3A = arith.divsi %add3A_17, %jit3A : i32
      %sign3A = arith.constant 0 : i32
      %sign3A_91 = arith.cmpi sgt, %add3A_17, %sign3A : i32
      %sign3A_92 = arith.extui %sign3A_91 : i1 to i32
      %sign3A_93 = arith.constant 0 : i32
      %sign3A_94 = arith.cmpi slt, %add3A_17, %sign3A_93 : i32
      %sign3A_95 = arith.extui %sign3A_94 : i1 to i32
      %sign3A_96 = arith.subi %sign3A_92, %sign3A_95 : i32
      %sign3A_97 = arith.constant 0 : i32
      %sign3A_98 = arith.cmpi sgt, %jit3A, %sign3A_97 : i32
      %sign3A_99 = arith.extui %sign3A_98 : i1 to i32
      %sign3A_100 = arith.constant 0 : i32
      %sign3A_101 = arith.cmpi slt, %jit3A, %sign3A_100 : i32
      %sign3A_102 = arith.extui %sign3A_101 : i1 to i32
      %sign3A_103 = arith.subi %sign3A_99, %sign3A_102 : i32
      %ne3A = arith.cmpi ne, %sign3A_96, %sign3A_103 : i32
      %rem3A = arith.remsi %add3A_17, %jit3A : i32
      %ne3A_104 = arith.constant 0 : i32
      %ne3A_105 = arith.cmpi ne, %rem3A, %ne3A_104 : i32
      %and3A_106 = arith.andi %ne3A, %ne3A_105 : i1
      %sub3A = arith.constant 1 : i32
      %sub3A_107 = arith.subi %div3A, %sub3A : i32
      %select_n3A = arith.select %and3A_106, %sub3A_107, %div3A : i32
      %mul3A_108 = arith.constant 125 : i32
      %mul3A_109 = arith.muli %select_n3A, %mul3A_108 : i32
      %sub3A_110 = arith.subi %add3A_17, %mul3A_109 : i32
      %mul3A_111 = arith.constant 80 : i32
      %mul3A_112 = arith.muli %sub3A_110, %mul3A_111 : i32
      %mul3A_113 = arith.constant 128 : i32
      %mul3A_114 = arith.muli %select_n3A, %mul3A_113 : i32
      %dma_wait3A = tpu.memref_slice %arg4[%mul3A_112, %mul3A_114] : memref<10000x4224xf32, #tpu.memory_space<hbm>> -> memref<80x128xf32, #tpu.memory_space<hbm>>
      %dma_wait3A_115 = tpu.memref_slice %arg4[%mul3A_112, %mul3A_114] : memref<10000x4224xf32, #tpu.memory_space<hbm>> -> memref<80x128xf32, #tpu.memory_space<hbm>>
      tpu.wait_dma2 semaphore(%arg23 : memref<!tpu.dma_semaphore, #tpu.memory_space<semaphore_mem>>) src(%arg7 : memref<80x128xf32, #tpu.memory_space<vmem>>) dst(%dma_wait3A_115 : memref<80x128xf32, #tpu.memory_space<hbm>>)
    } else {
    }
    %mul3A_25 = arith.constant 129 : i32
    %mul3A_26 = arith.muli %add3A, %mul3A_25 : i32
    %add3A_27 = arith.constant 130 : i32
    %add3A_28 = arith.addi %mul3A_26, %add3A_27 : i32
    %lt3A_29 = arith.constant 4125 : i32
    %lt3A_30 = arith.cmpi slt, %add3A_28, %lt3A_29 : i32
    %and3A_31 = arith.constant false
    %and3A_32 = arith.andi %and3A_31, %lt3A_30 : i1
    %convert_element_type3A_33 = arith.extui %and3A_32 : i1 to i32
    %cond3A_34 = arith.constant 0 : i32
    %cond3A_35 = arith.cmpi ne, %convert_element_type3A_33, %cond3A_34 : i32
    scf.if %cond3A_35 {
      %jit3A = arith.constant 125 : i32
      %div3A = arith.divsi %add3A_28, %jit3A : i32
      %sign3A = arith.constant 0 : i32
      %sign3A_91 = arith.cmpi sgt, %add3A_28, %sign3A : i32
      %sign3A_92 = arith.extui %sign3A_91 : i1 to i32
      %sign3A_93 = arith.constant 0 : i32
      %sign3A_94 = arith.cmpi slt, %add3A_28, %sign3A_93 : i32
      %sign3A_95 = arith.extui %sign3A_94 : i1 to i32
      %sign3A_96 = arith.subi %sign3A_92, %sign3A_95 : i32
      %sign3A_97 = arith.constant 0 : i32
      %sign3A_98 = arith.cmpi sgt, %jit3A, %sign3A_97 : i32
      %sign3A_99 = arith.extui %sign3A_98 : i1 to i32
      %sign3A_100 = arith.constant 0 : i32
      %sign3A_101 = arith.cmpi slt, %jit3A, %sign3A_100 : i32
      %sign3A_102 = arith.extui %sign3A_101 : i1 to i32
      %sign3A_103 = arith.subi %sign3A_99, %sign3A_102 : i32
      %ne3A = arith.cmpi ne, %sign3A_96, %sign3A_103 : i32
      %rem3A = arith.remsi %add3A_28, %jit3A : i32
      %ne3A_104 = arith.constant 0 : i32
      %ne3A_105 = arith.cmpi ne, %rem3A, %ne3A_104 : i32
      %and3A_106 = arith.andi %ne3A, %ne3A_105 : i1
      %sub3A = arith.constant 1 : i32
      %sub3A_107 = arith.subi %div3A, %sub3A : i32
      %select_n3A = arith.select %and3A_106, %sub3A_107, %div3A : i32
      %mul3A_108 = arith.constant 125 : i32
      %mul3A_109 = arith.muli %select_n3A, %mul3A_108 : i32
      %sub3A_110 = arith.subi %add3A_28, %mul3A_109 : i32
      %mul3A_111 = arith.constant 80 : i32
      %mul3A_112 = arith.muli %sub3A_110, %mul3A_111 : i32
      %mul3A_113 = arith.constant 128 : i32
      %mul3A_114 = arith.muli %select_n3A, %mul3A_113 : i32
      %dma_wait3A = tpu.memref_slice %arg4[%mul3A_112, %mul3A_114] : memref<10000x4224xf32, #tpu.memory_space<hbm>> -> memref<80x128xf32, #tpu.memory_space<hbm>>
      %dma_wait3A_115 = tpu.memref_slice %arg4[%mul3A_112, %mul3A_114] : memref<10000x4224xf32, #tpu.memory_space<hbm>> -> memref<80x128xf32, #tpu.memory_space<hbm>>
      tpu.wait_dma2 semaphore(%arg24 : memref<!tpu.dma_semaphore, #tpu.memory_space<semaphore_mem>>) src(%arg8 : memref<80x128xf32, #tpu.memory_space<vmem>>) dst(%dma_wait3A_115 : memref<80x128xf32, #tpu.memory_space<hbm>>)
    } else {
    }
    %mul3A_36 = arith.constant 129 : i32
    %mul3A_37 = arith.muli %add3A, %mul3A_36 : i32
    %add3A_38 = arith.constant 131 : i32
    %add3A_39 = arith.addi %mul3A_37, %add3A_38 : i32
    %lt3A_40 = arith.constant 4125 : i32
    %lt3A_41 = arith.cmpi slt, %add3A_39, %lt3A_40 : i32
    %and3A_42 = arith.constant false
    %and3A_43 = arith.andi %and3A_42, %lt3A_41 : i1
    %convert_element_type3A_44 = arith.extui %and3A_43 : i1 to i32
    %cond3A_45 = arith.constant 0 : i32
    %cond3A_46 = arith.cmpi ne, %convert_element_type3A_44, %cond3A_45 : i32
    scf.if %cond3A_46 {
      %jit3A = arith.constant 125 : i32
      %div3A = arith.divsi %add3A_39, %jit3A : i32
      %sign3A = arith.constant 0 : i32
      %sign3A_91 = arith.cmpi sgt, %add3A_39, %sign3A : i32
      %sign3A_92 = arith.extui %sign3A_91 : i1 to i32
      %sign3A_93 = arith.constant 0 : i32
      %sign3A_94 = arith.cmpi slt, %add3A_39, %sign3A_93 : i32
      %sign3A_95 = arith.extui %sign3A_94 : i1 to i32
      %sign3A_96 = arith.subi %sign3A_92, %sign3A_95 : i32
      %sign3A_97 = arith.constant 0 : i32
      %sign3A_98 = arith.cmpi sgt, %jit3A, %sign3A_97 : i32
      %sign3A_99 = arith.extui %sign3A_98 : i1 to i32
      %sign3A_100 = arith.constant 0 : i32
      %sign3A_101 = arith.cmpi slt, %jit3A, %sign3A_100 : i32
      %sign3A_102 = arith.extui %sign3A_101 : i1 to i32
      %sign3A_103 = arith.subi %sign3A_99, %sign3A_102 : i32
      %ne3A = arith.cmpi ne, %sign3A_96, %sign3A_103 : i32
      %rem3A = arith.remsi %add3A_39, %jit3A : i32
      %ne3A_104 = arith.constant 0 : i32
      %ne3A_105 = arith.cmpi ne, %rem3A, %ne3A_104 : i32
      %and3A_106 = arith.andi %ne3A, %ne3A_105 : i1
      %sub3A = arith.constant 1 : i32
      %sub3A_107 = arith.subi %div3A, %sub3A : i32
      %select_n3A = arith.select %and3A_106, %sub3A_107, %div3A : i32
      %mul3A_108 = arith.constant 125 : i32
      %mul3A_109 = arith.muli %select_n3A, %mul3A_108 : i32
      %sub3A_110 = arith.subi %add3A_39, %mul3A_109 : i32
      %mul3A_111 = arith.constant 80 : i32
      %mul3A_112 = arith.muli %sub3A_110, %mul3A_111 : i32
      %mul3A_113 = arith.constant 128 : i32
      %mul3A_114 = arith.muli %select_n3A, %mul3A_113 : i32
      %dma_wait3A = tpu.memref_slice %arg4[%mul3A_112, %mul3A_114] : memref<10000x4224xf32, #tpu.memory_space<hbm>> -> memref<80x128xf32, #tpu.memory_space<hbm>>
      %dma_wait3A_115 = tpu.memref_slice %arg4[%mul3A_112, %mul3A_114] : memref<10000x4224xf32, #tpu.memory_space<hbm>> -> memref<80x128xf32, #tpu.memory_space<hbm>>
      tpu.wait_dma2 semaphore(%arg25 : memref<!tpu.dma_semaphore, #tpu.memory_space<semaphore_mem>>) src(%arg9 : memref<80x128xf32, #tpu.memory_space<vmem>>) dst(%dma_wait3A_115 : memref<80x128xf32, #tpu.memory_space<hbm>>)
    } else {
    }
    %mul3A_47 = arith.constant 129 : i32
    %mul3A_48 = arith.muli %add3A, %mul3A_47 : i32
    %add3A_49 = arith.constant 132 : i32
    %add3A_50 = arith.addi %mul3A_48, %add3A_49 : i32
    %lt3A_51 = arith.constant 4125 : i32
    %lt3A_52 = arith.cmpi slt, %add3A_50, %lt3A_51 : i32
    %and3A_53 = arith.constant false
    %and3A_54 = arith.andi %and3A_53, %lt3A_52 : i1
    %convert_element_type3A_55 = arith.extui %and3A_54 : i1 to i32
    %cond3A_56 = arith.constant 0 : i32
    %cond3A_57 = arith.cmpi ne, %convert_element_type3A_55, %cond3A_56 : i32
    scf.if %cond3A_57 {
      %jit3A = arith.constant 125 : i32
      %div3A = arith.divsi %add3A_50, %jit3A : i32
      %sign3A = arith.constant 0 : i32
      %sign3A_91 = arith.cmpi sgt, %add3A_50, %sign3A : i32
      %sign3A_92 = arith.extui %sign3A_91 : i1 to i32
      %sign3A_93 = arith.constant 0 : i32
      %sign3A_94 = arith.cmpi slt, %add3A_50, %sign3A_93 : i32
      %sign3A_95 = arith.extui %sign3A_94 : i1 to i32
      %sign3A_96 = arith.subi %sign3A_92, %sign3A_95 : i32
      %sign3A_97 = arith.constant 0 : i32
      %sign3A_98 = arith.cmpi sgt, %jit3A, %sign3A_97 : i32
      %sign3A_99 = arith.extui %sign3A_98 : i1 to i32
      %sign3A_100 = arith.constant 0 : i32
      %sign3A_101 = arith.cmpi slt, %jit3A, %sign3A_100 : i32
      %sign3A_102 = arith.extui %sign3A_101 : i1 to i32
      %sign3A_103 = arith.subi %sign3A_99, %sign3A_102 : i32
      %ne3A = arith.cmpi ne, %sign3A_96, %sign3A_103 : i32
      %rem3A = arith.remsi %add3A_50, %jit3A : i32
      %ne3A_104 = arith.constant 0 : i32
      %ne3A_105 = arith.cmpi ne, %rem3A, %ne3A_104 : i32
      %and3A_106 = arith.andi %ne3A, %ne3A_105 : i1
      %sub3A = arith.constant 1 : i32
      %sub3A_107 = arith.subi %div3A, %sub3A : i32
      %select_n3A = arith.select %and3A_106, %sub3A_107, %div3A : i32
      %mul3A_108 = arith.constant 125 : i32
      %mul3A_109 = arith.muli %select_n3A, %mul3A_108 : i32
      %sub3A_110 = arith.subi %add3A_50, %mul3A_109 : i32
      %mul3A_111 = arith.constant 80 : i32
      %mul3A_112 = arith.muli %sub3A_110, %mul3A_111 : i32
      %mul3A_113 = arith.constant 128 : i32
      %mul3A_114 = arith.muli %select_n3A, %mul3A_113 : i32
      %dma_wait3A = tpu.memref_slice %arg4[%mul3A_112, %mul3A_114] : memref<10000x4224xf32, #tpu.memory_space<hbm>> -> memref<80x128xf32, #tpu.memory_space<hbm>>
      %dma_wait3A_115 = tpu.memref_slice %arg4[%mul3A_112, %mul3A_114] : memref<10000x4224xf32, #tpu.memory_space<hbm>> -> memref<80x128xf32, #tpu.memory_space<hbm>>
      tpu.wait_dma2 semaphore(%arg26 : memref<!tpu.dma_semaphore, #tpu.memory_space<semaphore_mem>>) src(%arg10 : memref<80x128xf32, #tpu.memory_space<vmem>>) dst(%dma_wait3A_115 : memref<80x128xf32, #tpu.memory_space<hbm>>)
    } else {
    }
    %mul3A_58 = arith.constant 129 : i32
    %mul3A_59 = arith.muli %add3A, %mul3A_58 : i32
    %add3A_60 = arith.constant 133 : i32
    %add3A_61 = arith.addi %mul3A_59, %add3A_60 : i32
    %lt3A_62 = arith.constant 4125 : i32
    %lt3A_63 = arith.cmpi slt, %add3A_61, %lt3A_62 : i32
    %and3A_64 = arith.constant false
    %and3A_65 = arith.andi %and3A_64, %lt3A_63 : i1
    %convert_element_type3A_66 = arith.extui %and3A_65 : i1 to i32
    %cond3A_67 = arith.constant 0 : i32
    %cond3A_68 = arith.cmpi ne, %convert_element_type3A_66, %cond3A_67 : i32
    scf.if %cond3A_68 {
      %jit3A = arith.constant 125 : i32
      %div3A = arith.divsi %add3A_61, %jit3A : i32
      %sign3A = arith.constant 0 : i32
      %sign3A_91 = arith.cmpi sgt, %add3A_61, %sign3A : i32
      %sign3A_92 = arith.extui %sign3A_91 : i1 to i32
      %sign3A_93 = arith.constant 0 : i32
      %sign3A_94 = arith.cmpi slt, %add3A_61, %sign3A_93 : i32
      %sign3A_95 = arith.extui %sign3A_94 : i1 to i32
      %sign3A_96 = arith.subi %sign3A_92, %sign3A_95 : i32
      %sign3A_97 = arith.constant 0 : i32
      %sign3A_98 = arith.cmpi sgt, %jit3A, %sign3A_97 : i32
      %sign3A_99 = arith.extui %sign3A_98 : i1 to i32
      %sign3A_100 = arith.constant 0 : i32
      %sign3A_101 = arith.cmpi slt, %jit3A, %sign3A_100 : i32
      %sign3A_102 = arith.extui %sign3A_101 : i1 to i32
      %sign3A_103 = arith.subi %sign3A_99, %sign3A_102 : i32
      %ne3A = arith.cmpi ne, %sign3A_96, %sign3A_103 : i32
      %rem3A = arith.remsi %add3A_61, %jit3A : i32
      %ne3A_104 = arith.constant 0 : i32
      %ne3A_105 = arith.cmpi ne, %rem3A, %ne3A_104 : i32
      %and3A_106 = arith.andi %ne3A, %ne3A_105 : i1
      %sub3A = arith.constant 1 : i32
      %sub3A_107 = arith.subi %div3A, %sub3A : i32
      %select_n3A = arith.select %and3A_106, %sub3A_107, %div3A : i32
      %mul3A_108 = arith.constant 125 : i32
      %mul3A_109 = arith.muli %select_n3A, %mul3A_108 : i32
      %sub3A_110 = arith.subi %add3A_61, %mul3A_109 : i32
      %mul3A_111 = arith.constant 80 : i32
      %mul3A_112 = arith.muli %sub3A_110, %mul3A_111 : i32
      %mul3A_113 = arith.constant 128 : i32
      %mul3A_114 = arith.muli %select_n3A, %mul3A_113 : i32
      %dma_wait3A = tpu.memref_slice %arg4[%mul3A_112, %mul3A_114] : memref<10000x4224xf32, #tpu.memory_space<hbm>> -> memref<80x128xf32, #tpu.memory_space<hbm>>
      %dma_wait3A_115 = tpu.memref_slice %arg4[%mul3A_112, %mul3A_114] : memref<10000x4224xf32, #tpu.memory_space<hbm>> -> memref<80x128xf32, #tpu.memory_space<hbm>>
      tpu.wait_dma2 semaphore(%arg27 : memref<!tpu.dma_semaphore, #tpu.memory_space<semaphore_mem>>) src(%arg11 : memref<80x128xf32, #tpu.memory_space<vmem>>) dst(%dma_wait3A_115 : memref<80x128xf32, #tpu.memory_space<hbm>>)
    } else {
    }
    %mul3A_69 = arith.constant 129 : i32
    %mul3A_70 = arith.muli %add3A, %mul3A_69 : i32
    %add3A_71 = arith.constant 134 : i32
    %add3A_72 = arith.addi %mul3A_70, %add3A_71 : i32
    %lt3A_73 = arith.constant 4125 : i32
    %lt3A_74 = arith.cmpi slt, %add3A_72, %lt3A_73 : i32
    %and3A_75 = arith.constant false
    %and3A_76 = arith.andi %and3A_75, %lt3A_74 : i1
    %convert_element_type3A_77 = arith.extui %and3A_76 : i1 to i32
    %cond3A_78 = arith.constant 0 : i32
    %cond3A_79 = arith.cmpi ne, %convert_element_type3A_77, %cond3A_78 : i32
    scf.if %cond3A_79 {
      %jit3A = arith.constant 125 : i32
      %div3A = arith.divsi %add3A_72, %jit3A : i32
      %sign3A = arith.constant 0 : i32
      %sign3A_91 = arith.cmpi sgt, %add3A_72, %sign3A : i32
      %sign3A_92 = arith.extui %sign3A_91 : i1 to i32
      %sign3A_93 = arith.constant 0 : i32
      %sign3A_94 = arith.cmpi slt, %add3A_72, %sign3A_93 : i32
      %sign3A_95 = arith.extui %sign3A_94 : i1 to i32
      %sign3A_96 = arith.subi %sign3A_92, %sign3A_95 : i32
      %sign3A_97 = arith.constant 0 : i32
      %sign3A_98 = arith.cmpi sgt, %jit3A, %sign3A_97 : i32
      %sign3A_99 = arith.extui %sign3A_98 : i1 to i32
      %sign3A_100 = arith.constant 0 : i32
      %sign3A_101 = arith.cmpi slt, %jit3A, %sign3A_100 : i32
      %sign3A_102 = arith.extui %sign3A_101 : i1 to i32
      %sign3A_103 = arith.subi %sign3A_99, %sign3A_102 : i32
      %ne3A = arith.cmpi ne, %sign3A_96, %sign3A_103 : i32
      %rem3A = arith.remsi %add3A_72, %jit3A : i32
      %ne3A_104 = arith.constant 0 : i32
      %ne3A_105 = arith.cmpi ne, %rem3A, %ne3A_104 : i32
      %and3A_106 = arith.andi %ne3A, %ne3A_105 : i1
      %sub3A = arith.constant 1 : i32
      %sub3A_107 = arith.subi %div3A, %sub3A : i32
      %select_n3A = arith.select %and3A_106, %sub3A_107, %div3A : i32
      %mul3A_108 = arith.constant 125 : i32
      %mul3A_109 = arith.muli %select_n3A, %mul3A_108 : i32
      %sub3A_110 = arith.subi %add3A_72, %mul3A_109 : i32
      %mul3A_111 = arith.constant 80 : i32
      %mul3A_112 = arith.muli %sub3A_110, %mul3A_111 : i32
      %mul3A_113 = arith.constant 128 : i32
      %mul3A_114 = arith.muli %select_n3A, %mul3A_113 : i32
      %dma_wait3A = tpu.memref_slice %arg4[%mul3A_112, %mul3A_114] : memref<10000x4224xf32, #tpu.memory_space<hbm>> -> memref<80x128xf32, #tpu.memory_space<hbm>>
      %dma_wait3A_115 = tpu.memref_slice %arg4[%mul3A_112, %mul3A_114] : memref<10000x4224xf32, #tpu.memory_space<hbm>> -> memref<80x128xf32, #tpu.memory_space<hbm>>
      tpu.wait_dma2 semaphore(%arg28 : memref<!tpu.dma_semaphore, #tpu.memory_space<semaphore_mem>>) src(%arg12 : memref<80x128xf32, #tpu.memory_space<vmem>>) dst(%dma_wait3A_115 : memref<80x128xf32, #tpu.memory_space<hbm>>)
    } else {
    }
    %mul3A_80 = arith.constant 129 : i32
    %mul3A_81 = arith.muli %add3A, %mul3A_80 : i32
    %add3A_82 = arith.constant 135 : i32
    %add3A_83 = arith.addi %mul3A_81, %add3A_82 : i32
    %lt3A_84 = arith.constant 4125 : i32
    %lt3A_85 = arith.cmpi slt, %add3A_83, %lt3A_84 : i32
    %and3A_86 = arith.constant false
    %and3A_87 = arith.andi %and3A_86, %lt3A_85 : i1
    %convert_element_type3A_88 = arith.extui %and3A_87 : i1 to i32
    %cond3A_89 = arith.constant 0 : i32
    %cond3A_90 = arith.cmpi ne, %convert_element_type3A_88, %cond3A_89 : i32
    scf.if %cond3A_90 {
      %jit3A = arith.constant 125 : i32
      %div3A = arith.divsi %add3A_83, %jit3A : i32
      %sign3A = arith.constant 0 : i32
      %sign3A_91 = arith.cmpi sgt, %add3A_83, %sign3A : i32
      %sign3A_92 = arith.extui %sign3A_91 : i1 to i32
      %sign3A_93 = arith.constant 0 : i32
      %sign3A_94 = arith.cmpi slt, %add3A_83, %sign3A_93 : i32
      %sign3A_95 = arith.extui %sign3A_94 : i1 to i32
      %sign3A_96 = arith.subi %sign3A_92, %sign3A_95 : i32
      %sign3A_97 = arith.constant 0 : i32
      %sign3A_98 = arith.cmpi sgt, %jit3A, %sign3A_97 : i32
      %sign3A_99 = arith.extui %sign3A_98 : i1 to i32
      %sign3A_100 = arith.constant 0 : i32
      %sign3A_101 = arith.cmpi slt, %jit3A, %sign3A_100 : i32
      %sign3A_102 = arith.extui %sign3A_101 : i1 to i32
      %sign3A_103 = arith.subi %sign3A_99, %sign3A_102 : i32
      %ne3A = arith.cmpi ne, %sign3A_96, %sign3A_103 : i32
      %rem3A = arith.remsi %add3A_83, %jit3A : i32
      %ne3A_104 = arith.constant 0 : i32
      %ne3A_105 = arith.cmpi ne, %rem3A, %ne3A_104 : i32
      %and3A_106 = arith.andi %ne3A, %ne3A_105 : i1
      %sub3A = arith.constant 1 : i32
      %sub3A_107 = arith.subi %div3A, %sub3A : i32
      %select_n3A = arith.select %and3A_106, %sub3A_107, %div3A : i32
      %mul3A_108 = arith.constant 125 : i32
      %mul3A_109 = arith.muli %select_n3A, %mul3A_108 : i32
      %sub3A_110 = arith.subi %add3A_83, %mul3A_109 : i32
      %mul3A_111 = arith.constant 80 : i32
      %mul3A_112 = arith.muli %sub3A_110, %mul3A_111 : i32
      %mul3A_113 = arith.constant 128 : i32
      %mul3A_114 = arith.muli %select_n3A, %mul3A_113 : i32
      %dma_wait3A = tpu.memref_slice %arg4[%mul3A_112, %mul3A_114] : memref<10000x4224xf32, #tpu.memory_space<hbm>> -> memref<80x128xf32, #tpu.memory_space<hbm>>
      %dma_wait3A_115 = tpu.memref_slice %arg4[%mul3A_112, %mul3A_114] : memref<10000x4224xf32, #tpu.memory_space<hbm>> -> memref<80x128xf32, #tpu.memory_space<hbm>>
      tpu.wait_dma2 semaphore(%arg29 : memref<!tpu.dma_semaphore, #tpu.memory_space<semaphore_mem>>) src(%arg13 : memref<80x128xf32, #tpu.memory_space<vmem>>) dst(%dma_wait3A_115 : memref<80x128xf32, #tpu.memory_space<hbm>>)
    } else {
    }
    return
  }
}

module attributes {stable_mosaic.version = 14 : i64} {
  func.func @_prep_body(%arg0: i32, %arg1: i32, %arg2: memref<5000x128xf32, #tpu.memory_space<vmem>>, %arg3: memref<8x128xf32, #tpu.memory_space<vmem>>, %arg4: memref<5000x128xf32, #tpu.memory_space<vmem>>) attributes {dimension_semantics = [#tpu.dimension_semantics<arbitrary>, #tpu.dimension_semantics<arbitrary>], iteration_bounds = array<i64: 2, 2>, scalar_prefetch = 0 : i64, scratch_operands = 0 : i64, tpu.core_type = #tpu.core_type<tc>, window_params = [{transform_indices = @transform_0, window_bounds = array<i64: 5000, 128>}, {pipeline_mode = #tpu.pipeline_mode<synchronous>, transform_indices = @transform_1, window_bounds = array<i64: 8, 128>}, {transform_indices = @transform_2, window_bounds = array<i64: 5000, 128>}]} {
    %eq3A = arith.constant 0 : i32
    %eq3A_0 = arith.cmpi eq, %arg0, %eq3A : i32
    %eq3A_1 = arith.constant 0 : i32
    %eq3A_2 = arith.cmpi eq, %arg1, %eq3A_1 : i32
    %and3A = arith.andi %eq3A_0, %eq3A_2 : i1
    %convert_element_type3A = arith.extui %and3A : i1 to i32
    %cond3A = arith.constant 0 : i32
    %cond3A_3 = arith.cmpi ne, %convert_element_type3A, %cond3A : i32
    scf.if %cond3A_3 {
      %broadcast_in_dim3A_26 = arith.constant 0.000000e+00 : f32
      %broadcast_in_dim3A_27 = vector.broadcast %broadcast_in_dim3A_26 : f32 to vector<8x128xf32>
      %swap3A_28 = arith.constant 0 : index
      %swap3A_29 = arith.constant 0 : index
      %swap3A_30 = vector.load %arg3[%swap3A_28, %swap3A_29] : memref<8x128xf32, #tpu.memory_space<vmem>>, vector<8x128xf32>
      tpu.vector_store %arg3[%swap3A_28, %swap3A_29], %broadcast_in_dim3A_27 {strides = array<i32>} : memref<8x128xf32, #tpu.memory_space<vmem>>, vector<8x128xf32>,
    } else {
    }
    %get3A = arith.constant 0 : index
    %get3A_4 = arith.constant 0 : index
    %get3A_5 = vector.load %arg2[%get3A, %get3A_4] : memref<5000x128xf32, #tpu.memory_space<vmem>>, vector<5000x128xf32>
    %eq3A_6 = arith.constant 0 : i32
    %eq3A_7 = arith.cmpi eq, %arg0, %eq3A_6 : i32
    %convert_element_type3A_8 = arith.extui %eq3A_7 : i1 to i32
    %cond3A_9 = arith.constant 0 : i32
    %cond3A_10 = arith.cmpi ne, %convert_element_type3A_8, %cond3A_9 : i32
    scf.if %cond3A_10 {
      %mul3A_26 = arith.mulf %get3A_5, %get3A_5 : vector<5000x128xf32>
      %reduce_sum3A = arith.constant dense<0.000000e+00> : vector<128xf32>
      %reduce_sum3A_27 = vector.multi_reduction <add>, %mul3A_26, %reduce_sum3A [0] : vector<5000x128xf32> to vector<128xf32>
      %broadcast_in_dim3A_28 = vector.shape_cast %reduce_sum3A_27 : vector<128xf32> to vector<1x128xf32>
      %get3A_29 = arith.constant 0 : index
      %get3A_30 = arith.constant 0 : index
      %get3A_31 = vector.load %arg3[%get3A_29, %get3A_30] : memref<8x128xf32, #tpu.memory_space<vmem>>, vector<8x128xf32>
      %broadcast_in_dim3A_32 = vector.shape_cast %broadcast_in_dim3A_28 : vector<1x128xf32> to vector<1x128xf32>
      %broadcast_in_dim3A_33 = vector.broadcast %broadcast_in_dim3A_32 : vector<1x128xf32> to vector<8x128xf32>
      %add3A = arith.addf %get3A_31, %broadcast_in_dim3A_33 : vector<8x128xf32>
      %swap3A_34 = arith.constant 0 : index
      %swap3A_35 = arith.constant 0 : index
      %swap3A_36 = vector.load %arg3[%swap3A_34, %swap3A_35] : memref<8x128xf32, #tpu.memory_space<vmem>>, vector<8x128xf32>
      tpu.vector_store %arg3[%swap3A_34, %swap3A_35], %add3A {strides = array<i32>} : memref<8x128xf32, #tpu.memory_space<vmem>>, vector<8x128xf32>,
    } else {
    }
    %get3A_11 = arith.constant 0 : index
    %get3A_12 = arith.constant 0 : index
    %get3A_13 = vector.load %arg3[%get3A_11, %get3A_12] : memref<8x128xf32, #tpu.memory_space<vmem>>, vector<1x128xf32>
    %sqrt3A = math.sqrt %get3A_13 : vector<1x128xf32>
    %max3A = arith.constant 9.99999996E-13 : f32
    %max3A_14 = vector.broadcast %max3A : f32 to vector<1x128xf32>
    %max3A_15 = arith.maximumf %sqrt3A, %max3A_14 : vector<1x128xf32>
    %iota3A = tpu.iota {dimensions = array<i32: 1>} : vector<1x128xi32>
    %ge3A = arith.constant 3 : i32
    %ge3A_16 = vector.broadcast %ge3A : i32 to vector<1x128xi32>
    %ge3A_17 = arith.cmpi sge, %iota3A, %ge3A_16 : vector<1x128xi32>
    %lt3A = arith.constant 6 : i32
    %lt3A_18 = vector.broadcast %lt3A : i32 to vector<1x128xi32>
    %lt3A_19 = arith.cmpi slt, %iota3A, %lt3A_18 : vector<1x128xi32>
    %and3A_20 = arith.andi %ge3A_17, %lt3A_19 : vector<1x128xi1>
    %div3A = arith.constant 1.000000e+00 : f32
    %div3A_21 = vector.broadcast %div3A : f32 to vector<1x128xf32>
    %div3A_22 = arith.divf %div3A_21, %max3A_15 : vector<1x128xf32>
    %jit3A = arith.constant 0.00392156886 : f32
    %broadcast_in_dim3A = vector.broadcast %jit3A : f32 to vector<1x128xf32>
    %select_n3A = arith.select %and3A_20, %broadcast_in_dim3A, %div3A_22 : vector<1x128xi1>, vector<1x128xf32>
    %mul3A = vector.broadcast %select_n3A : vector<1x128xf32> to vector<5000x128xf32>
    %mul3A_23 = arith.mulf %get3A_5, %mul3A : vector<5000x128xf32>
    %swap3A = arith.constant 0 : index
    %swap3A_24 = arith.constant 0 : index
    %swap3A_25 = vector.load %arg4[%swap3A, %swap3A_24] : memref<5000x128xf32, #tpu.memory_space<vmem>>, vector<5000x128xf32>
    tpu.vector_store %arg4[%swap3A, %swap3A_24], %mul3A_23 {strides = array<i32>} : memref<5000x128xf32, #tpu.memory_space<vmem>>, vector<5000x128xf32>,
    return
  }
  func.func @transform_0(%arg0: i32, %arg1: i32) -> (i32, i32) {
    %c0_i32 = arith.constant 0 : i32
    %c0_i32_0 = arith.constant 0 : i32
    return %arg1, %c0_i32 : i32, i32
  }
  func.func @transform_1(%arg0: i32, %arg1: i32) -> (i32, i32) {
    %c0_i32 = arith.constant 0 : i32
    %c0_i32_0 = arith.constant 0 : i32
    %c0_i32_1 = arith.constant 0 : i32
    return %c0_i32, %c0_i32_0 : i32, i32
  }
  func.func @transform_2(%arg0: i32, %arg1: i32) -> (i32, i32) {
    %c0_i32 = arith.constant 0 : i32
    %c0_i32_0 = arith.constant 0 : i32
    return %arg1, %c0_i32 : i32, i32
  }
}

</mosaic_0001>

<sc_bundles>
// kernel: kernel.4.cloned.1.call-start
scs
__scs_entry_jumppad:
0x0: {  	(pc) =	sbr.rel $0x88, $3  }
0x1: {  	(tag) =	ssettag $0x0;
	lr =	simm.s32 $0x1  }
0x2: {  	[smem:$0x3F9F] =	sst lr;
	_ =	strace $0xD0000000  }
0x3: {  	_ = 	snop  }
0x4: {  	_ = 	snop  }
0x5: {  	_ = 	snop  }
0x6: {  	_ = 	snop  }
0x7: {  	_ = 	snop  }
__scs_overlays_trampoline_lowered:
0x8: {  	[smem:$0x3FAE] =	sst s0  }
0x9: {  	[smem:$0x3FAF] =	sst s1  }
0xa: {  	[smem:$0x3FB0] =	sst s2  }
0xb: {  	[smem:$0x3FB1] =	sst s3  }
0xc: {  	[smem:$0x3FB2] =	sst s4  }
0xd: {  	[smem:$0x3FB3] =	sst s5  }
0xe: {  	[smem:$0x3FB4] =	sst s6  }
0xf: {  	[smem:$0x3FB5] =	sst s7  }
0x10: {  	[smem:$0x3FB6] =	sst s8  }
0x11: {  	[smem:$0x3FB7] =	sst s9;
	s0 =	simm.s32 @!p0 $0x0  }
0x12: {  	s1 =	sld [smem:$0x3F9D];
	s0 =	simm.s32 @p0 $0x1  }
0x13: {  	[smem:$0x3FB8] =	sst s0;
	s0 =	simm.s32 @!p1 $0x0  }
0x14: {  	s2 =	sld [smem:$0x3F9C];
	s0 =	simm.s32 @p1 $0x1  }
0x15: {  	[smem:$0x3FB9] =	sst s0;
	s0 =	simm.s32 @!p2 $0x0  }
0x16: {  	s3 =	sld [smem:$0x3FDB];
	s0 =	simm.s32 @p2 $0x1  }
0x17: {  	s4 =	simm.s32 $0x1BF5;
	[smem:$0x3FBB] =	sst s0  }
0x18: {  	s0 =	sld [smem:$0x3F9E];
	_ =	swait.ge [sflag:s4], $0x0  }
0x19: {  	s7 =	sld [smem:$0x3F9F]  }
0x1a: {  	s8 =	sadd.s32 $0xFFFFE003, lr  }
0x1b: {  	s9 =	sadd.s32 $0xFFFFFEF7, lr;
	s5 =	simm.s32 $0xFFFFFFFF;
	p2 =	slt.u32 s8, $0xFFFFF086  }
0x1c: {  	p1 =	slt.u32 s9, $0xF7A;
	s5 =	simm.s32 @!p2 $0x0  }
0x1d: {  	s5 =	simm.s32 @p1 $0x1;
	p0 =	seq.s32 s7, s2  }
0x1e: {  	s7 =	smul.u32 @!p0 $0xF7A, s2;
	p2 =	seq.s32 @!p0 s5, $0x0  }
0x1f: {  	s9 =	smul.u32 $0xF7A, s1;
	s8 =	simm.s32 @!p0 $0x1BF5;
	p2 =	por !p2, p0  }
0x20: {  	[sflag:s8] =	ssyncset.s32 @!p0 $0xFFFFF086;
	s6 =	sadd.s32 @!p0 s3, s7;
	s7 =	simm.s32 @!p0 $0x108  }
0x21: {  	s3 =	sadd.s32 s3, s9;
	s6 =	sadd.s32 @!p0 $0x88, s6;
	s7 =	simm.s32 @p2 $0x1082  }
0x22: {  	[simem:s7], [sflag:s8] =	dma.local @!p0 [hbm:s6], $0xF7A  }
0x23: {  	s9 =	sor.u32 $0xD0000000, s2;
	s6 =	simm.s32 $0x108;
	_ =	swait.ge @!p0 [sflag:s8], $0x0  }
0x24: {  	s3 =	sadd.s32 $0x88, s3;
	s6 =	simm.s32 @!p1 $0x1082;
	[sflag:s4] =	ssyncset.s32 $0xFFFFF086  }
0x25: {  	[simem:s6], [sflag:s4] =	dma.local [hbm:s3], $0xF7A  }
0x26: {  	[smem:$0x3F9F] =	sst s1;
	(tag) =	ssettag s2;
	_ =	strace s9  }
0x27: {  	s1 =	sld [smem:$0x3FAF]  }
0x28: {  	s2 =	sld [smem:$0x3FB0]  }
0x29: {  	s4 =	sld [smem:$0x3FB2]  }
0x2a: {  	p0 =	seq.s32 s5, $0x0;
	s5 =	sld [smem:$0x3FB3]  }
0x2b: {  	s6 =	sld [smem:$0x3FB4]  }
0x2c: {  	s7 =	sld [smem:$0x3FB5]  }
0x2d: {  	s3 =	simm.s32 $0x108;
	s8 =	sld [smem:$0x3FB6]  }
0x2e: {  	s3 =	simm.s32 @!p0 $0x1082;
	s9 =	sld [smem:$0x3FB7]  }
0x2f: {  	lr =	sadd.s32 s0, s3;
	s0 =	sld [smem:$0x3FAE]  }
0x30: {  	s3 =	sld [smem:$0x3FB1]  }
0x31: {  	[smem:$0x3FBA] =	sst s10  }
0x32: {  	s10 =	sld [smem:$0x3FB8];
	_ =	sdelay $0x3  }
0x33: {  	p0 =	seq.s32 s10, $0x1;
	s10 =	sld [smem:$0x3FBA];
	_ =	sdelay $0x3  }
0x34: {  	[smem:$0x3FBA] =	sst s10  }
0x35: {  	s10 =	sld [smem:$0x3FB9];
	_ =	sdelay $0x3  }
0x36: {  	p1 =	seq.s32 s10, $0x1;
	s10 =	sld [smem:$0x3FBA];
	_ =	sdelay $0x3  }
0x37: {  	[smem:$0x3FBA] =	sst s10  }
0x38: {  	s10 =	sld [smem:$0x3FBB]  }
0x39: {  	_ = 	snop;
	(pc) =	sbr.ind lr, $3  }
0x3a: {  	_ = 	snop  }
0x3b: {  	_ = 	snop  }
0x3c: {  	p2 =	seq.s32 s10, $0x1;
	s10 =	sld [smem:$0x3FBA]  }
0x3d: {  	_ =	shalt  }
0x3e: {  	_ =	shalt  }
0x3f: {  	_ =	shalt  }
0x40: {  	_ =	shalt  }
0x41: {  	_ =	shalt  }
0x42: {  	_ =	shalt  }
0x43: {  	_ =	shalt  }
0x44: {  	_ =	shalt  }
0x45: {  	_ =	shalt  }
0x46: {  	_ =	shalt  }
0x47: {  	_ =	shalt  }
0x48: {  	_ =	shalt  }
0x49: {  	_ =	shalt  }
0x4a: {  	_ =	shalt  }
0x4b: {  	_ =	shalt  }
0x4c: {  	_ =	shalt  }
0x4d: {  	_ =	shalt  }
0x4e: {  	_ =	shalt  }
0x4f: {  	_ =	shalt  }
0x50: {  	_ =	shalt  }
0x51: {  	_ =	shalt  }
0x52: {  	_ =	shalt  }
0x53: {  	_ =	shalt  }
0x54: {  	_ =	shalt  }
0x55: {  	_ =	shalt  }
0x56: {  	_ =	shalt  }
0x57: {  	_ =	shalt  }
0x58: {  	_ =	shalt  }
0x59: {  	_ =	shalt  }
0x5a: {  	_ =	shalt  }
0x5b: {  	_ =	shalt  }
0x5c: {  	_ =	shalt  }
0x5d: {  	_ =	shalt  }
0x5e: {  	_ =	shalt  }
0x5f: {  	_ =	shalt  }
0x60: {  	_ =	shalt  }
0x61: {  	_ =	shalt  }
0x62: {  	_ =	shalt  }
0x63: {  	_ =	shalt  }
0x64: {  	_ =	shalt  }
0x65: {  	_ =	shalt  }
0x66: {  	_ =	shalt  }
0x67: {  	_ =	shalt  }
0x68: {  	_ =	shalt  }
0x69: {  	_ =	shalt  }
0x6a: {  	_ =	shalt  }
0x6b: {  	_ =	shalt  }
0x6c: {  	_ =	shalt  }
0x6d: {  	_ =	shalt  }
0x6e: {  	_ =	shalt  }
0x6f: {  	_ =	shalt  }
0x70: {  	_ =	shalt  }
0x71: {  	_ =	shalt  }
0x72: {  	_ =	shalt  }
0x73: {  	_ =	shalt  }
0x74: {  	_ =	shalt  }
0x75: {  	_ =	shalt  }
0x76: {  	_ =	shalt  }
0x77: {  	_ =	shalt  }
0x78: {  	_ =	shalt  }
0x79: {  	_ =	shalt  }
0x7a: {  	_ =	shalt  }
0x7b: {  	_ =	shalt  }
0x7c: {  	_ =	shalt  }
0x7d: {  	_ =	shalt  }
0x7e: {  	_ =	shalt  }
0x7f: {  	_ =	shalt  }
0x80: {  	_ =	shalt  }
0x81: {  	_ =	shalt  }
0x82: {  	_ =	shalt  }
0x83: {  	_ =	shalt  }
0x84: {  	_ =	shalt  }
0x85: {  	_ =	shalt  }
0x86: {  	_ =	shalt  }
0x87: {  	_ =	shalt  }
.Lfunc_end0:
.L_simem_size_0:
called_computation_lowered:
.L_overlay_start_0:
0x88: {  	s2 =	sld [smem:$0x3FD9]  }
0x89: {  	s3 =	sld [smem:$0x3FFE];
	_ =	sdelay $0x1  }
0x8a: {  	s1 =	srdreg.scid  }
0x8b: {  	s0 =	sand.u32 $0x1, s1  }
0x8c: {  	s17 =	sshll.u32 s0, $0xA;
	s2 =	sadd.s32 s3, s2  }
0x8d: {  	s2 =	sadd.s32 s2, s17  }
0x8e: {  	[smem:$0x3FC6] =	sst s2  }
0x8f: {  	_ = 	snop  }
0x90: {  	s2 =	sld [smem:$0x3FD0];
	(tm) =	ssettm $0x1  }
0x91: {  	s18 =	sld [smem:$0x3FFB];
	_ =	sdelay $0x3  }
0x92: {  	_ =	strace s18  }
0x93: {  	s3 =	sld [smem:$0x3FFC];
	_ =	sdelay $0x3  }
0x94: {  	_ =	strace s3  }
0x95: {  	s3 =	sld [smem:$0x3FFD];
	_ =	sdelay $0x3  }
0x96: {  	_ =	strace s3  }
0x97: {  	_ =	strace $0x8FFFFFFF  }
0x98: {  	s19 =	sld [smem:$0x3FDB];
	_ =	sdelay $0x1  }
0x99: {  	s4 =	simm.s32 $_scs_section_size  }
0x9a: {  	s5 =	simm.s32 $_size__tile_overlayer_lowered;
	s6 =	simm.s32 $_tile_overlayer_lowered  }
0x9b: {  	s22 =	simm.s32 $0x1BFF;
	s21 =	sshll.u32 s6, $0x1;
	s3 =	sadd.s32 s4, s19  }
0x9c: {  	s7 =	simm.s32 $0x0;
	s20 =	sshll.u32 s5, $0x1;
	s5 =	sadd.s32 s21, s3  }
0x9d: {  	[timem:s7], [sflag:s22] =	dma.local [hbm:s5], s20  }
0x9e: {  	_ =	swait.ge [sflag:s22], s20  }
0x9f: {  	s4 =	ssub.s32 $0x0, s20;
	[sflag:s22] =	ssyncset.done $0x0  }
0xa0: {  	[sflag:s22] =	ssyncadd.s32 s4;
	_ =	sdelay $0x1  }
0xa1: {  	s23 =	simm.s32 $0x1B8B  }
0xa2: {  	_ =	swait.ge [sflag:s23], $0x1  }
0xa3: {  	[sflag:s23] =	ssyncset.done $0x0  }
0xa4: {  	s25 =	simm.s32 $0x1B8E;
	s24 =	sld [smem:$0x3FFE];
	[sflag:s23] =	ssyncadd.s32 $0xFFFFFFFF  }
0xa5: {  	s26 =	simm.s32 $execute0_lowered;
	[smem:$0x3FD2] =	sst s25  }
0xa6: {  	s5 =	sshll.u32 s26, $0x1;
	_ =	strace $0x80000046;
	[dreg:$0x1] =	wrdreg $0xFFFFFFFF  }
0xa7: {  	s28 =	simm.s32 $_size_execute0_lowered;
	s3 =	sadd.s32 s3, s5;
	[dreg:$0x0] =	wrdreg $0x0  }
0xa8: {  	s5 =	sshll.u32 s28, $0x1;
	[dreg:$0x2] =	wrdreg s3  }
0xa9: {  	[dreg:$0x3] =	wrdreg s5  }
0xaa: {  	[dreg:$0x4] =	wrdreg $0xC0  }
0xab: {  	_ =	task [dreg:s7], $0x5FFFF  }
0xac: {  	[dreg:$0x1] =	wrdreg $0xFFFFFFFF  }
0xad: {  	[dreg:$0x0] =	wrdreg $0x60  }
0xae: {  	[dreg:$0x2] =	wrdreg s24  }
0xaf: {  	[dreg:$0x3] =	wrdreg s2  }
0xb0: {  	[dreg:$0x4] =	wrdreg $0x9  }
0xb1: {  	_ =	task.clear_ibuf [dreg:s7], $0x5FFFF;
	_ =	strace $0x90000046  }
0xb2: {  	s29 =	simm.s32 $0x9;
	_ =	strace $0x80000048  }
0xb3: {  	_ =	swait.ge [sflag:s29], $0x1  }
0xb4: {  	[sflag:s29] =	ssyncadd.s32 $0xFFFFFFFF  }
0xb5: {  	_ =	strace $0x90000048  }
0xb6: {  	_ =	sfence  }
0xb7: {  	s30 =	sld [smem:$0x0];
	_ =	sdelay $0x2  }
0xb8: {  	s31 =	sshll.u32 s1, $0xD;
	s1 =	sshrl.u32 s1, $0x2  }
0xb9: {  	s3 =	sand.u32 $0x4000, s31;
	s1 =	sadd.s32 s1, s30  }
0xba: {  	s0 =	sor.u32 s3, s0;
	s1 =	sshll.u32 s1, $0x11  }
0xbb: {  	s0 =	sor.u32 s1, s0  }
0xbc: {  	s0 =	sadd.s32 $0x8F2B, s0  }
0xbd: {  	[sflag:s0] =	ssyncadd.remote.s32 $0x1  }
0xbe: {  	_ =	sfence.sel $0xFFFF  }
0xbf: {  	[dreg:$0x0] =	wrdreg $0xFFFFFFFF;
	(pc) =	sbr.abs _section_cstart, $3  }
0xc0: {  	[dreg:$0x1] =	wrdreg $0xFFFFFFFF  }
0xc1: {  	_ =	task.clear_ibuf [dreg:s7], $0x2FFFF;
	_ =	strace $0x9FFFFFFF  }
0xc2: {  	(tm) =	ssettm $0x7FFFFFFF  }
0xc3: {  	_ =	shalt  }
tec
execute0_lowered:
.L_overlay_start_1:
0x0: {  	(tag) =	ssettag $0x1  }
0x1: {  	s0 =	srdreg.scid;
	s1 =	rddreg [dreg:$0x0]  }
0x2: {  	s4 =	stileid.u32;
	s2 =	rddreg [dreg:$0x1]  }
0x3: {  	s6 =	simm.s32 $0x0;
	s0 =	sand.u32 $0x1, s0;
	s3 =	sshll.u32 s4, $0x1  }
0x4: {  	[smem:$0x7FF] =	sst s6;
	s7 =	smul.u32 $0x102, s4;
	s4 =	sadd.s32 $0xA00, s1  }
0x5: {  	s3 =	sor.u32 s0, s3;
	s29 =	ssub.s32 $0x2, s0;
	s0 =	smul.u32 $0x81, s0  }
0x6: {  	_ =	strace $0x80000047;
	s5 =	smul.u32 $0x50A, s3;
	s8 =	sshrl.u32 s29, $0x1  }
.Ltmp0:
0x7: {  	p0 =	seq.s32 s3, $0x1F;
	s30 =	ssub.s32 s29, s8;
	(pc) =	sbr.rel .LBB2_1-.Ltmp0, $4  }
0x8: {  	s7 =	sadd.s32 s0, s7;
	s0 =	simm.s32 @!p0 $0x0;
	s31 =	smax.u32 s30, $0x1  }
0x9: {  	s1 =	sadd.s32 s5, s1;
	s0 =	simm.s32 @p0 $0x1;
	[dreg:$0x4] =	wrdreg s31  }
0xa: {  	s1 =	sadd.s32 $0x27C00, s1;
	[smem:$0x7FD] =	sst s0  }
0xb: {  	v0 =	vlaneseq.u32;
	s3 =	simm.s32 $0x0;
	[dreg:$0x3] =	wrdreg s1  }
.LBB2_7:
0xc: {  	s0 =	sld [smem:$0x7FD];
	_ =	sdelay $0x2  }
0xd: {  	p1 =	seq.s32 s0, $0x1  }
0xe: {  	s0 =	simm.s32 @!p1 $0x9  }
0xf: {  	_ =	swait.ge @!p1 [sflag:s0], $0x2800  }
0x10: {  	s3 =	rddreg [dreg:$0x5]  }
0x11: {  	s1 =	rddreg [dreg:$0x4];
	s3 =	sadd.s32 $0x1, s3  }
0x12: {  	p0 =	sne.s32 s3, s1  }
.Ltmp1:
0x13: {  	_ = 	snop;
	(pc) =	sbr.rel @!p0 .LBB2_8-.Ltmp1, $3  }
0x14: {  	_ =	sdelay $0x1  }
0x15: {  	[sflag:s0] =	ssyncset.done @!p1 $0x0  }
0x16: {  	[sflag:s0] =	ssyncadd.s32 @!p1 $0xFFFFD800  }
.LBB2_1:
0x17: {  	[dreg:$0x5] =	wrdreg s3;
	s0 =	simm.s32 $0x0  }
.Ltmp2:
0x18: {  	s1 =	rddreg [dreg:$0x3];
	s31 =	simm.s32 $0x11;
	(pc) =	sbr.rel .LBB2_2-.Ltmp2, $4  }
0x19: {  	[tilespmem:s0], [sflag:$0x11] =	stream.linear.gather [hbm4b:s1+s0], $0x2850, $0x38;
	[tilespmem:$0x16880] =	vst v63  }
0x1a: {  	_ =	swait.ge [sflag:s31], $0x2850  }
0x1b: {  	s13 =	simm.s32 $0x230;
	[sflag:s31] =	ssyncset.done $0x0  }
0x1c: {  	s14 =	simm.s32 $0x260;
	s15 =	simm.s32 $0x0;
	[sflag:s31] =	ssyncadd.s32 $0xFFFFD7B0  }
.LBB2_3:
0x1d: {  	s0 =	simm.s32 $0x9  }
0x1e: {  	_ =	swait.ge [sflag:s0], $0x2800  }
0x1f: {  	[sflag:s0] =	ssyncset.done $0x0  }
0x20: {  	[sflag:s0] =	ssyncadd.s32 $0xFFFFD800  }
.LBB2_5:
0x21: {  	s0 =	smul.u32 $0x625, s16;
	_ =	sdelay $0x1  }
0x22: {  	s0 =	sshrl.u32 s0, $0x10  }
0x23: {  	s1 =	ssub.s32 s16, s0  }
0x24: {  	s1 =	sand.u32 $0xFFFE, s1  }
0x25: {  	s1 =	sshrl.u32 s1, $0x1  }
0x26: {  	s0 =	sadd.s32 s0, s1  }
0x27: {  	s0 =	sand.u32 $0xFFC0, s0  }
0x28: {  	s0 =	sshrl.u32 s0, $0x6  }
0x29: {  	s0 =	smul.u32 $0x7D, s0  }
0x2a: {  	v1 =	vld [tilespmem:s14+$0xFFFFFDA0]  }
0x2b: {  	s0 =	ssub.s32 s16, s0  }
0x2c: {  	s0 =	smul.u32 $0x50, s0;
	_ =	sdelay $0x1  }
0x2d: {  	s0 =	sand.u32 $0xFFF0, s0  }
0x2e: {  	vm0 =	veq.s32 v1, $0x0;
	v2 =	vor.u32 s0, v0  }
0x2f: {  	v1 =	vsel vm0, v2, v1  }
0x30: {  	[tilespmem:s14+$0xFFFFFDA0] =	vst v1;
	v1 =	vld [tilespmem:s14+$0xFFFFFDB0];
	_ =	sdelay $0x3  }
0x31: {  	s26 =	sadd.s32 $0x10, s0  }
0x32: {  	v2 =	vor.u32 s26, v0;
	vm12 =	veq.s32 v1, $0x0  }
0x33: {  	v1 =	vsel vm12, v2, v1  }
0x34: {  	[tilespmem:s14+$0xFFFFFDB0] =	vst v1;
	v1 =	vld [tilespmem:s14+$0xFFFFFDC0];
	_ =	sdelay $0x3  }
0x35: {  	s28 =	sadd.s32 $0x20, s0  }
0x36: {  	v2 =	vor.u32 s28, v0;
	vm13 =	veq.s32 v1, $0x0  }
0x37: {  	v1 =	vsel vm13, v2, v1  }
0x38: {  	[tilespmem:s14+$0xFFFFFDC0] =	vst v1;
	v1 =	vld [tilespmem:s14+$0xFFFFFDD0];
	_ =	sdelay $0x3  }
0x39: {  	s29 =	sadd.s32 $0x30, s0  }
0x3a: {  	v2 =	vor.u32 s29, v0;
	vm14 =	veq.s32 v1, $0x0  }
0x3b: {  	v1 =	vsel vm14, v2, v1  }
0x3c: {  	[tilespmem:s14+$0xFFFFFDD0] =	vst v1;
	v1 =	vld [tilespmem:s14+$0xFFFFFDE0];
	_ =	sdelay $0x3  }
0x3d: {  	s0 =	sadd.s32 $0x40, s0  }
0x3e: {  	v2 =	vor.u32 s0, v0;
	vm15 =	veq.s32 v1, $0x0  }
0x3f: {  	v1 =	vsel vm15, v2, v1  }
0x40: {  	s30 =	sadd.s32 $0xFFFFFDA0, s14;
	s31 =	simm.s32 $0x50;
	s3 =	simm.s32 $0x2880;
	[tilespmem:s14+$0xFFFFFDE0] =	vst v1  }
0x41: {  	[tilespmem:s3], [sflag:$0x1] =	stream.indirect.gather [hbm4b:s4+s31], $0x80, s30, s31, $0xb8;
	[tilespmem:$0x16880] =	vst v63  }
.LBB2_6:
0x42: {  	s0 =	sadd.s32 $0x1, s15  }
0x43: {  	s17 =	sadd.s32 s7, s0  }
0x44: {  	p0 =	slt.u32 s0, $0x81;
	p1 =	slt.u32 s17, $0x101D  }
0x45: {  	p0 =	por !p0, !p1  }
0x46: {  	p2 =	por !p0, !p0  }
0x47: {  	s0 =	simm.s32 @!p2 $0x0  }
0x48: {  	s0 =	simm.s32 @p2 $0x1  }
0x49: {  	[smem:$0x7FB] =	sst s0;
	s0 =	smul.u32 @p2 $0x625, s17  }
0x4a: {  	_ = 	snop  }
0x4b: {  	s0 =	sshrl.u32 @p2 s0, $0x10  }
0x4c: {  	s1 =	ssub.s32 @p2 s17, s0  }
0x4d: {  	s1 =	sand.u32 @p2 $0xFFFE, s1  }
0x4e: {  	p0 =	por !p2, p3;
	s1 =	sshrl.u32 @p2 s1, $0x1  }
0x4f: {  	s3 =	simm.s32 @!p0 $0xA;
	s0 =	sadd.s32 @p2 s0, s1  }
0x50: {  	_ =	swait.ge @!p0 [sflag:s3], $0x2800;
	s0 =	sand.u32 @p2 $0xFFC0, s0  }
0x51: {  	[sflag:s3] =	ssyncset.done @!p0 $0x0;
	s18 =	sshrl.u32 @p2 s0, $0x6  }
0x52: {  	[sflag:s3] =	ssyncadd.s32 @!p0 $0xFFFFD800;
	s0 =	smul.u32 @p2 $0x7D, s18  }
0x53: {  	v1 =	vld @p2 [tilespmem:s14+$0xFFFFFDF0]  }
0x54: {  	s0 =	ssub.s32 @p2 s17, s0  }
0x55: {  	s0 =	smul.u32 @p2 $0x50, s0;
	_ =	sdelay $0x1  }
0x56: {  	v2 =	vlaneseq.u32 @p2;
	s0 =	sand.u32 @p2 $0xFFF0, s0  }
0x57: {  	vm0 =	veq.s32 @p2 v1, $0x0;
	v3 =	vor.u32 @p2 s0, v2  }
0x58: {  	v1 =	vsel @p2 vm0, v3, v1  }
0x59: {  	[tilespmem:s14+$0xFFFFFDF0] =	vst @p2 v1;
	v1 =	vld @p2 [tilespmem:s14+$0xFFFFFE00];
	_ =	sdelay $0x3  }
0x5a: {  	s1 =	sadd.s32 @p2 $0x10, s0  }
0x5b: {  	v3 =	vor.u32 @p2 s1, v2;
	vm0 =	veq.s32 @p2 v1, $0x0  }
0x5c: {  	s1 =	sadd.s32 @p2 $0xFFFFFE20, s13;
	v1 =	vsel @p2 vm0, v3, v1  }
0x5d: {  	s1 =	sor.u32 @p2 $0x70, s1;
	[tilespmem:s14+$0xFFFFFE00] =	vst @p2 v1  }
0x5e: {  	v1 =	vld @p2 [tilespmem:s1+$0x0];
	_ =	sdelay $0x3  }
0x5f: {  	s3 =	sadd.s32 @p2 $0x20, s0  }
0x60: {  	v3 =	vor.u32 @p2 s3, v2;
	vm0 =	veq.s32 @p2 v1, $0x0  }
0x61: {  	v1 =	vsel @p2 vm0, v3, v1  }
0x62: {  	[tilespmem:s1+$0x0] =	vst @p2 v1  }
0x63: {  	v1 =	vld @p2 [tilespmem:s14+$0xFFFFFE20];
	_ =	sdelay $0x3  }
0x64: {  	s1 =	sadd.s32 @p2 $0x30, s0  }
0x65: {  	v3 =	vor.u32 @p2 s1, v2;
	vm0 =	veq.s32 @p2 v1, $0x0  }
0x66: {  	v1 =	vsel @p2 vm0, v3, v1  }
0x67: {  	[tilespmem:s14+$0xFFFFFE20] =	vst @p2 v1;
	v1 =	vld @p2 [tilespmem:s14+$0xFFFFFE30];
	_ =	sdelay $0x2  }
0x68: {  	s5 =	sadd.s32 $0x2, s15  }
0x69: {  	s19 =	sadd.s32 s7, s5;
	s0 =	sadd.s32 @p2 $0x40, s0  }
0x6a: {  	p5 =	slt.u32 s5, $0x81;
	p6 =	slt.u32 s19, $0x101D;
	v2 =	vor.u32 @p2 s0, v2;
	vm0 =	veq.s32 @p2 v1, $0x0  }
0x6b: {  	s20 =	simm.s32 @p2 $0x5080;
	p0 =	por !p5, !p6;
	v1 =	vsel @p2 vm0, v2, v1  }
0x6c: {  	p0 =	por !p0, !p0;
	s0 =	sadd.s32 @p2 $0xFFFFFDF0, s14;
	s1 =	simm.s32 @p2 $0x50;
	[tilespmem:s14+$0xFFFFFE30] =	vst @p2 v1  }
0x6d: {  	[tilespmem:s20], [sflag:$0x2] =	stream.indirect.gather @p2 [hbm4b:s4+s1], $0x80, s0, s1, $0xb8;
	[tilespmem:$0x16880] =	vst v63  }
0x6e: {  	s3 =	smul.u32 @p0 $0x625, s19;
	s0 =	simm.s32 @!p0 $0x0  }
0x6f: {  	s0 =	simm.s32 @p0 $0x1  }
0x70: {  	[smem:$0x7FC] =	sst s0;
	s0 =	sshrl.u32 @p0 s3, $0x10  }
0x71: {  	s1 =	ssub.s32 @p0 s19, s0  }
0x72: {  	p2 =	por p0, p0;
	s1 =	sand.u32 @p0 $0xFFFE, s1  }
0x73: {  	p0 =	por !p0, p3;
	s1 =	sshrl.u32 @p2 s1, $0x1  }
0x74: {  	s3 =	simm.s32 @!p0 $0xB;
	s0 =	sadd.s32 @p2 s0, s1  }
0x75: {  	_ =	swait.ge @!p0 [sflag:s3], $0x2800;
	s0 =	sand.u32 @p2 $0xFFC0, s0  }
0x76: {  	[sflag:s3] =	ssyncset.done @!p0 $0x0;
	s21 =	sshrl.u32 @p2 s0, $0x6  }
0x77: {  	[sflag:s3] =	ssyncadd.s32 @!p0 $0xFFFFD800;
	s0 =	smul.u32 @p2 $0x7D, s21  }
0x78: {  	v1 =	vld @p2 [tilespmem:s14+$0xFFFFFE40]  }
0x79: {  	s0 =	ssub.s32 @p2 s19, s0  }
0x7a: {  	s0 =	smul.u32 @p2 $0x50, s0;
	_ =	sdelay $0x1  }
0x7b: {  	v2 =	vlaneseq.u32 @p2;
	s0 =	sand.u32 @p2 $0xFFF0, s0  }
0x7c: {  	vm0 =	veq.s32 @p2 v1, $0x0;
	v3 =	vor.u32 @p2 s0, v2  }
0x7d: {  	s1 =	sadd.s32 @p2 $0xFFFFFE70, s13;
	v1 =	vsel @p2 vm0, v3, v1  }
0x7e: {  	s3 =	sor.u32 @p2 $0x30, s1;
	[tilespmem:s14+$0xFFFFFE40] =	vst @p2 v1  }
0x7f: {  	v1 =	vld @p2 [tilespmem:s3+$0x0];
	_ =	sdelay $0x3  }
0x80: {  	s5 =	sadd.s32 @p2 $0x10, s0  }
0x81: {  	v3 =	vor.u32 @p2 s5, v2;
	vm0 =	veq.s32 @p2 v1, $0x0  }
0x82: {  	v1 =	vsel @p2 vm0, v3, v1  }
0x83: {  	[tilespmem:s3+$0x0] =	vst @p2 v1  }
0x84: {  	v1 =	vld @p2 [tilespmem:s14+$0xFFFFFE60];
	_ =	sdelay $0x3  }
0x85: {  	s3 =	sadd.s32 @p2 $0x20, s0  }
0x86: {  	v3 =	vor.u32 @p2 s3, v2;
	vm0 =	veq.s32 @p2 v1, $0x0  }
0x87: {  	s3 =	sadd.s32 @p2 $0xFFFFFE90, s13;
	v1 =	vsel @p2 vm0, v3, v1  }
0x88: {  	s3 =	sor.u32 @p2 $0x50, s3;
	[tilespmem:s14+$0xFFFFFE60] =	vst @p2 v1  }
0x89: {  	v1 =	vld @p2 [tilespmem:s3+$0x0];
	_ =	sdelay $0x3  }
0x8a: {  	s5 =	sadd.s32 @p2 $0x30, s0  }
0x8b: {  	v3 =	vor.u32 @p2 s5, v2;
	vm0 =	veq.s32 @p2 v1, $0x0  }
0x8c: {  	v1 =	vsel @p2 vm0, v3, v1  }
0x8d: {  	s1 =	sor.u32 @p2 $0x60, s1;
	[tilespmem:s3+$0x0] =	vst @p2 v1  }
0x8e: {  	v1 =	vld @p2 [tilespmem:s1+$0x0];
	_ =	sdelay $0x1  }
0x8f: {  	s6 =	sadd.s32 $0x3, s15  }
0x90: {  	s22 =	sadd.s32 s7, s6  }
0x91: {  	p4 =	slt.u32 s22, $0x101D;
	p1 =	slt.u32 s6, $0x81;
	s0 =	sadd.s32 @p2 $0x40, s0  }
0x92: {  	p0 =	por !p1, !p4;
	v2 =	vor.u32 @p2 s0, v2;
	vm0 =	veq.s32 @p2 v1, $0x0  }
0x93: {  	s23 =	simm.s32 @p2 $0x7880;
	p4 =	por !p0, !p0;
	v1 =	vsel @p2 vm0, v2, v1  }
0x94: {  	s0 =	sadd.s32 @p2 $0xFFFFFE40, s14;
	s3 =	smul.u32 @p4 $0x625, s22;
	[tilespmem:s1+$0x0] =	vst @p2 v1;
	s1 =	simm.s32 @p2 $0x50  }
0x95: {  	[tilespmem:s23], [sflag:$0x3] =	stream.indirect.gather @p2 [hbm4b:s4+s1], $0x80, s0, s1, $0xb8;
	[tilespmem:$0x16880] =	vst v63  }
0x96: {  	s0 =	sshrl.u32 @p4 s3, $0x10  }
0x97: {  	s1 =	ssub.s32 @p4 s22, s0  }
0x98: {  	s1 =	sand.u32 @p4 $0xFFFE, s1  }
0x99: {  	p0 =	por !p4, p3;
	s1 =	sshrl.u32 @p4 s1, $0x1  }
0x9a: {  	s3 =	simm.s32 @!p0 $0xC;
	s0 =	sadd.s32 @p4 s0, s1  }
0x9b: {  	_ =	swait.ge @!p0 [sflag:s3], $0x2800;
	s0 =	sand.u32 @p4 $0xFFC0, s0  }
0x9c: {  	[sflag:s3] =	ssyncset.done @!p0 $0x0;
	s24 =	sshrl.u32 @p4 s0, $0x6  }
0x9d: {  	[sflag:s3] =	ssyncadd.s32 @!p0 $0xFFFFD800;
	s0 =	smul.u32 @p4 $0x7D, s24  }
0x9e: {  	v1 =	vld @p4 [tilespmem:s14+$0xFFFFFE90]  }
0x9f: {  	s0 =	ssub.s32 @p4 s22, s0  }
0xa0: {  	s0 =	smul.u32 @p4 $0x50, s0;
	_ =	sdelay $0x1  }
0xa1: {  	v2 =	vlaneseq.u32 @p4;
	s0 =	sand.u32 @p4 $0xFFF0, s0  }
0xa2: {  	vm0 =	veq.s32 @p4 v1, $0x0;
	v3 =	vor.u32 @p4 s0, v2  }
0xa3: {  	v1 =	vsel @p4 vm0, v3, v1  }
0xa4: {  	[tilespmem:s14+$0xFFFFFE90] =	vst @p4 v1;
	v1 =	vld @p4 [tilespmem:s14+$0xFFFFFEA0];
	_ =	sdelay $0x3  }
0xa5: {  	s1 =	sadd.s32 @p4 $0x10, s0  }
0xa6: {  	v3 =	vor.u32 @p4 s1, v2;
	vm0 =	veq.s32 @p4 v1, $0x0  }
0xa7: {  	v1 =	vsel @p4 vm0, v3, v1  }
0xa8: {  	[tilespmem:s14+$0xFFFFFEA0] =	vst @p4 v1;
	v1 =	vld @p4 [tilespmem:s14+$0xFFFFFEB0];
	_ =	sdelay $0x3  }
0xa9: {  	s1 =	sadd.s32 @p4 $0x20, s0  }
0xaa: {  	v3 =	vor.u32 @p4 s1, v2;
	vm0 =	veq.s32 @p4 v1, $0x0  }
0xab: {  	v1 =	vsel @p4 vm0, v3, v1  }
0xac: {  	[tilespmem:s14+$0xFFFFFEB0] =	vst @p4 v1;
	v1 =	vld @p4 [tilespmem:s14+$0xFFFFFEC0];
	_ =	sdelay $0x3  }
0xad: {  	s1 =	sadd.s32 @p4 $0x30, s0  }
0xae: {  	v3 =	vor.u32 @p4 s1, v2;
	vm0 =	veq.s32 @p4 v1, $0x0  }
0xaf: {  	v1 =	vsel @p4 vm0, v3, v1  }
0xb0: {  	[tilespmem:s14+$0xFFFFFEC0] =	vst @p4 v1;
	v1 =	vld @p4 [tilespmem:s14+$0xFFFFFED0];
	_ =	sdelay $0x1  }
0xb1: {  	s8 =	sadd.s32 $0x4, s15  }
0xb2: {  	s25 =	sadd.s32 s7, s8  }
0xb3: {  	p5 =	slt.u32 s8, $0x81;
	p6 =	slt.u32 s25, $0x101D;
	s0 =	sadd.s32 @p4 $0x40, s0  }
0xb4: {  	p0 =	por !p5, !p6;
	v2 =	vor.u32 @p4 s0, v2;
	vm0 =	veq.s32 @p4 v1, $0x0  }
0xb5: {  	s26 =	simm.s32 @p4 $0xA080;
	p5 =	por !p0, !p0;
	v1 =	vsel @p4 vm0, v2, v1  }
0xb6: {  	s3 =	smul.u32 @p5 $0x625, s25;
	s0 =	sadd.s32 @p4 $0xFFFFFE90, s14;
	s1 =	simm.s32 @p4 $0x50;
	[tilespmem:s14+$0xFFFFFED0] =	vst @p4 v1  }
0xb7: {  	[tilespmem:s26], [sflag:$0x4] =	stream.indirect.gather @p4 [hbm4b:s4+s1], $0x80, s0, s1, $0xb8;
	[tilespmem:$0x16880] =	vst v63  }
0xb8: {  	s0 =	sshrl.u32 @p5 s3, $0x10  }
0xb9: {  	s1 =	ssub.s32 @p5 s25, s0  }
0xba: {  	s1 =	sand.u32 @p5 $0xFFFE, s1  }
0xbb: {  	p0 =	por !p5, p3;
	s1 =	sshrl.u32 @p5 s1, $0x1  }
0xbc: {  	s3 =	simm.s32 @!p0 $0xD;
	s0 =	sadd.s32 @p5 s0, s1  }
0xbd: {  	_ =	swait.ge @!p0 [sflag:s3], $0x2800;
	s0 =	sand.u32 @p5 $0xFFC0, s0  }
0xbe: {  	[sflag:s3] =	ssyncset.done @!p0 $0x0;
	s28 =	sshrl.u32 @p5 s0, $0x6  }
0xbf: {  	[sflag:s3] =	ssyncadd.s32 @!p0 $0xFFFFD800;
	s0 =	smul.u32 @p5 $0x7D, s28  }
0xc0: {  	v1 =	vld @p5 [tilespmem:s14+$0xFFFFFEE0]  }
0xc1: {  	s0 =	ssub.s32 @p5 s25, s0  }
0xc2: {  	s0 =	smul.u32 @p5 $0x50, s0;
	_ =	sdelay $0x1  }
0xc3: {  	v2 =	vlaneseq.u32 @p5;
	s0 =	sand.u32 @p5 $0xFFF0, s0  }
0xc4: {  	vm0 =	veq.s32 @p5 v1, $0x0;
	v3 =	vor.u32 @p5 s0, v2  }
0xc5: {  	s1 =	sadd.s32 @p5 $0xFFFFFF10, s13;
	v1 =	vsel @p5 vm0, v3, v1  }
0xc6: {  	s3 =	sor.u32 @p5 $0x50, s1;
	[tilespmem:s14+$0xFFFFFEE0] =	vst @p5 v1  }
0xc7: {  	v1 =	vld @p5 [tilespmem:s3+$0x0];
	_ =	sdelay $0x3  }
0xc8: {  	s5 =	sadd.s32 @p5 $0x10, s0  }
0xc9: {  	v3 =	vor.u32 @p5 s5, v2;
	vm0 =	veq.s32 @p5 v1, $0x0  }
0xca: {  	v1 =	vsel @p5 vm0, v3, v1  }
0xcb: {  	[tilespmem:s3+$0x0] =	vst @p5 v1;
	s3 =	sor.u32 @p5 $0x60, s1  }
0xcc: {  	v1 =	vld @p5 [tilespmem:s3+$0x0];
	_ =	sdelay $0x3  }
0xcd: {  	s5 =	sadd.s32 @p5 $0x20, s0  }
0xce: {  	v3 =	vor.u32 @p5 s5, v2;
	vm0 =	veq.s32 @p5 v1, $0x0  }
0xcf: {  	v1 =	vsel @p5 vm0, v3, v1  }
0xd0: {  	s1 =	sor.u32 @p5 $0x70, s1;
	[tilespmem:s3+$0x0] =	vst @p5 v1  }
0xd1: {  	v1 =	vld @p5 [tilespmem:s1+$0x0];
	_ =	sdelay $0x3  }
0xd2: {  	s3 =	sadd.s32 @p5 $0x30, s0  }
0xd3: {  	v3 =	vor.u32 @p5 s3, v2;
	vm0 =	veq.s32 @p5 v1, $0x0  }
0xd4: {  	v1 =	vsel @p5 vm0, v3, v1  }
0xd5: {  	[tilespmem:s1+$0x0] =	vst @p5 v1  }
0xd6: {  	v1 =	vld @p5 [tilespmem:s14+$0xFFFFFF20];
	_ =	sdelay $0x1  }
0xd7: {  	s9 =	sadd.s32 $0x5, s15  }
0xd8: {  	s29 =	sadd.s32 s7, s9  }
0xd9: {  	p2 =	slt.u32 s9, $0x81;
	p6 =	slt.u32 s29, $0x101D;
	s0 =	sadd.s32 @p5 $0x40, s0  }
0xda: {  	p0 =	por !p2, !p6;
	v2 =	vor.u32 @p5 s0, v2;
	vm0 =	veq.s32 @p5 v1, $0x0  }
0xdb: {  	s30 =	simm.s32 @p5 $0xC880;
	p6 =	por !p0, !p0;
	v1 =	vsel @p5 vm0, v2, v1  }
0xdc: {  	s0 =	sadd.s32 @p5 $0xFFFFFEE0, s14;
	s3 =	smul.u32 @p6 $0x625, s29;
	s1 =	simm.s32 @p5 $0x50;
	[tilespmem:s14+$0xFFFFFF20] =	vst @p5 v1  }
0xdd: {  	[tilespmem:s30], [sflag:$0x5] =	stream.indirect.gather @p5 [hbm4b:s4+s1], $0x80, s0, s1, $0xb8;
	[tilespmem:$0x16880] =	vst v63  }
0xde: {  	s0 =	sshrl.u32 @p6 s3, $0x10  }
0xdf: {  	s1 =	ssub.s32 @p6 s29, s0  }
0xe0: {  	s1 =	sand.u32 @p6 $0xFFFE, s1  }
0xe1: {  	p0 =	por !p6, p3;
	s1 =	sshrl.u32 @p6 s1, $0x1  }
0xe2: {  	s3 =	simm.s32 @!p0 $0xE;
	s0 =	sadd.s32 @p6 s0, s1  }
0xe3: {  	_ =	swait.ge @!p0 [sflag:s3], $0x2800;
	s0 =	sand.u32 @p6 $0xFFC0, s0  }
0xe4: {  	[sflag:s3] =	ssyncset.done @!p0 $0x0;
	s31 =	sshrl.u32 @p6 s0, $0x6  }
0xe5: {  	[sflag:s3] =	ssyncadd.s32 @!p0 $0xFFFFD800;
	s0 =	smul.u32 @p6 $0x7D, s31  }
0xe6: {  	v1 =	vld @p6 [tilespmem:s14+$0xFFFFFF30]  }
0xe7: {  	s0 =	ssub.s32 @p6 s29, s0  }
0xe8: {  	s0 =	smul.u32 @p6 $0x50, s0;
	_ =	sdelay $0x1  }
0xe9: {  	v2 =	vlaneseq.u32 @p6;
	s0 =	sand.u32 @p6 $0xFFF0, s0  }
0xea: {  	vm0 =	veq.s32 @p6 v1, $0x0;
	v3 =	vor.u32 @p6 s0, v2  }
0xeb: {  	v1 =	vsel @p6 vm0, v3, v1  }
0xec: {  	[tilespmem:s14+$0xFFFFFF30] =	vst @p6 v1;
	v1 =	vld @p6 [tilespmem:s14+$0xFFFFFF40];
	_ =	sdelay $0x3  }
0xed: {  	s1 =	sadd.s32 @p6 $0x10, s0  }
0xee: {  	v3 =	vor.u32 @p6 s1, v2;
	vm0 =	veq.s32 @p6 v1, $0x0  }
0xef: {  	s1 =	sadd.s32 @p6 $0xFFFFFF60, s13;
	v1 =	vsel @p6 vm0, v3, v1  }
0xf0: {  	s3 =	sor.u32 @p6 $0x30, s1;
	[tilespmem:s14+$0xFFFFFF40] =	vst @p6 v1  }
0xf1: {  	v1 =	vld @p6 [tilespmem:s3+$0x0];
	_ =	sdelay $0x3  }
0xf2: {  	s5 =	sadd.s32 @p6 $0x20, s0  }
0xf3: {  	v3 =	vor.u32 @p6 s5, v2;
	vm0 =	veq.s32 @p6 v1, $0x0  }
0xf4: {  	v1 =	vsel @p6 vm0, v3, v1  }
0xf5: {  	[tilespmem:s3+$0x0] =	vst @p6 v1  }
0xf6: {  	v1 =	vld @p6 [tilespmem:s14+$0xFFFFFF60];
	_ =	sdelay $0x3  }
0xf7: {  	s3 =	sadd.s32 @p6 $0x30, s0  }
0xf8: {  	v3 =	vor.u32 @p6 s3, v2;
	vm0 =	veq.s32 @p6 v1, $0x0  }
0xf9: {  	v1 =	vsel @p6 vm0, v3, v1  }
0xfa: {  	s3 =	sor.u32 @p6 $0x50, s1;
	[tilespmem:s14+$0xFFFFFF60] =	vst @p6 v1  }
0xfb: {  	v1 =	vld @p6 [tilespmem:s3+$0x0];
	_ =	sdelay $0x1  }
0xfc: {  	s10 =	sadd.s32 $0x6, s15  }
0xfd: {  	s1 =	sadd.s32 s7, s10  }
0xfe: {  	p1 =	slt.u32 s10, $0x81;
	s0 =	sadd.s32 @p6 $0x40, s0;
	p2 =	slt.u32 s1, $0x101D  }
0xff: {  	v2 =	vor.u32 @p6 s0, v2;
	p0 =	por !p1, !p2;
	vm0 =	veq.s32 @p6 v1, $0x0  }
0x100: {  	s5 =	sadd.s32 @p6 $0xFFFFFF30, s14;
	p1 =	por !p0, !p0;
	v1 =	vsel @p6 vm0, v2, v1  }
0x101: {  	s0 =	simm.s32 @p6 $0xF080;
	s6 =	smul.u32 @p1 $0x625, s1;
	[tilespmem:s3+$0x0] =	vst @p6 v1;
	s3 =	simm.s32 @p6 $0x50  }
0x102: {  	[tilespmem:s0], [sflag:$0x6] =	stream.indirect.gather @p6 [hbm4b:s4+s3], $0x80, s5, s3, $0xb8;
	[tilespmem:$0x16880] =	vst v63  }
0x103: {  	s3 =	sshrl.u32 @p1 s6, $0x10  }
0x104: {  	s5 =	ssub.s32 @p1 s1, s3  }
0x105: {  	s5 =	sand.u32 @p1 $0xFFFE, s5  }
0x106: {  	p0 =	por !p1, p3;
	s5 =	sshrl.u32 @p1 s5, $0x1  }
0x107: {  	s6 =	simm.s32 @!p0 $0xF;
	s3 =	sadd.s32 @p1 s3, s5  }
0x108: {  	_ =	swait.ge @!p0 [sflag:s6], $0x2800;
	s3 =	sand.u32 @p1 $0xFFC0, s3  }
0x109: {  	[sflag:s6] =	ssyncset.done @!p0 $0x0;
	s3 =	sshrl.u32 @p1 s3, $0x6  }
0x10a: {  	[sflag:s6] =	ssyncadd.s32 @!p0 $0xFFFFD800;
	s5 =	smul.u32 @p1 $0x7D, s3  }
0x10b: {  	v1 =	vld @p1 [tilespmem:s14+$0xFFFFFF80]  }
0x10c: {  	s5 =	ssub.s32 @p1 s1, s5  }
0x10d: {  	s5 =	smul.u32 @p1 $0x50, s5;
	_ =	sdelay $0x1  }
0x10e: {  	v2 =	vlaneseq.u32 @p1;
	s6 =	sand.u32 @p1 $0xFFF0, s5  }
0x10f: {  	vm0 =	veq.s32 @p1 v1, $0x0;
	v3 =	vor.u32 @p1 s6, v2  }
0x110: {  	s5 =	sadd.s32 @p1 $0xFFFFFFB0, s13;
	v1 =	vsel @p1 vm0, v3, v1  }
0x111: {  	s5 =	sor.u32 @p1 $0x70, s5;
	[tilespmem:s14+$0xFFFFFF80] =	vst @p1 v1  }
0x112: {  	v1 =	vld @p1 [tilespmem:s5+$0x0];
	_ =	sdelay $0x3  }
0x113: {  	s8 =	sadd.s32 @p1 $0x10, s6  }
0x114: {  	v3 =	vor.u32 @p1 s8, v2;
	vm0 =	veq.s32 @p1 v1, $0x0  }
0x115: {  	v1 =	vsel @p1 vm0, v3, v1  }
0x116: {  	[tilespmem:s5+$0x0] =	vst @p1 v1  }
0x117: {  	v1 =	vld @p1 [tilespmem:s14+$0xFFFFFFA0];
	_ =	sdelay $0x3  }
0x118: {  	s5 =	sadd.s32 @p1 $0x20, s6  }
0x119: {  	v3 =	vor.u32 @p1 s5, v2;
	vm0 =	veq.s32 @p1 v1, $0x0  }
0x11a: {  	v1 =	vsel @p1 vm0, v3, v1  }
0x11b: {  	[tilespmem:s14+$0xFFFFFFA0] =	vst @p1 v1;
	v1 =	vld @p1 [tilespmem:s14+$0xFFFFFFB0];
	_ =	sdelay $0x3  }
0x11c: {  	s5 =	sadd.s32 @p1 $0x30, s6  }
0x11d: {  	v3 =	vor.u32 @p1 s5, v2;
	vm0 =	veq.s32 @p1 v1, $0x0  }
0x11e: {  	v1 =	vsel @p1 vm0, v3, v1  }
0x11f: {  	[tilespmem:s14+$0xFFFFFFB0] =	vst @p1 v1;
	v1 =	vld @p1 [tilespmem:s14+$0xFFFFFFC0];
	_ =	sdelay $0x1  }
0x120: {  	s11 =	sadd.s32 $0x7, s15  }
0x121: {  	s5 =	sadd.s32 s7, s11  }
0x122: {  	p0 =	slt.u32 s11, $0x81;
	s6 =	sadd.s32 @p1 $0x40, s6;
	p2 =	slt.u32 s5, $0x101D  }
0x123: {  	v2 =	vor.u32 @p1 s6, v2;
	p0 =	por !p0, !p2;
	vm0 =	veq.s32 @p1 v1, $0x0  }
0x124: {  	s12 =	simm.s32 @p1 $0x50;
	p2 =	por !p0, !p0;
	v1 =	vsel @p1 vm0, v2, v1  }
0x125: {  	s8 =	sadd.s32 @p1 $0xFFFFFF80, s14;
	s6 =	simm.s32 @p1 $0x11880;
	s10 =	smul.u32 @p2 $0x625, s5;
	[tilespmem:s14+$0xFFFFFFC0] =	vst @p1 v1  }
0x126: {  	[tilespmem:s6], [sflag:$0x7] =	stream.indirect.gather @p1 [hbm4b:s4+s12], $0x80, s8, s12, $0xb8;
	[tilespmem:$0x16880] =	vst v63  }
0x127: {  	s8 =	sshrl.u32 @p2 s10, $0x10  }
0x128: {  	s10 =	ssub.s32 @p2 s5, s8  }
0x129: {  	s10 =	sand.u32 @p2 $0xFFFE, s10  }
0x12a: {  	p0 =	por !p2, p3;
	s10 =	sshrl.u32 @p2 s10, $0x1  }
0x12b: {  	s12 =	simm.s32 @!p0 $0x10;
	s8 =	sadd.s32 @p2 s8, s10  }
0x12c: {  	_ =	swait.ge @!p0 [sflag:s12], $0x2800;
	s8 =	sand.u32 @p2 $0xFFC0, s8  }
0x12d: {  	[sflag:s12] =	ssyncset.done @!p0 $0x0;
	s8 =	sshrl.u32 @p2 s8, $0x6  }
0x12e: {  	[sflag:s12] =	ssyncadd.s32 @!p0 $0xFFFFD800;
	s10 =	smul.u32 @p2 $0x7D, s8  }
0x12f: {  	v1 =	vld @p2 [tilespmem:s14+$0xFFFFFFD0]  }
0x130: {  	s10 =	ssub.s32 @p2 s5, s10  }
0x131: {  	s10 =	smul.u32 @p2 $0x50, s10;
	_ =	sdelay $0x1  }
0x132: {  	v2 =	vlaneseq.u32 @p2;
	s10 =	sand.u32 @p2 $0xFFF0, s10  }
0x133: {  	vm0 =	veq.s32 @p2 v1, $0x0;
	v3 =	vor.u32 @p2 s10, v2  }
0x134: {  	v1 =	vsel @p2 vm0, v3, v1  }
0x135: {  	[tilespmem:s14+$0xFFFFFFD0] =	vst @p2 v1;
	v1 =	vld @p2 [tilespmem:s14+$0xFFFFFFE0];
	_ =	sdelay $0x3  }
0x136: {  	s12 =	sadd.s32 @p2 $0x10, s10  }
0x137: {  	v3 =	vor.u32 @p2 s12, v2;
	vm0 =	veq.s32 @p2 v1, $0x0  }
0x138: {  	v1 =	vsel @p2 vm0, v3, v1  }
0x139: {  	[tilespmem:s14+$0xFFFFFFE0] =	vst @p2 v1;
	v1 =	vld @p2 [tilespmem:s14+$0xFFFFFFF0];
	_ =	sdelay $0x3  }
0x13a: {  	s12 =	sadd.s32 @p2 $0x20, s10  }
0x13b: {  	v3 =	vor.u32 @p2 s12, v2;
	vm0 =	veq.s32 @p2 v1, $0x0  }
0x13c: {  	v1 =	vsel @p2 vm0, v3, v1  }
0x13d: {  	[tilespmem:s14+$0xFFFFFFF0] =	vst @p2 v1;
	v1 =	vld @p2 [tilespmem:s14+$0x0];
	_ =	sdelay $0x2  }
0x13e: {  	p0 =	sgt.u32 s16, $0x101C  }
0x13f: {  	s11 =	sadd.s32 @p2 $0x30, s10;
	s12 =	smul.u32 @!p0 $0x625, s16  }
0x140: {  	v3 =	vor.u32 @p2 s11, v2;
	vm0 =	veq.s32 @p2 v1, $0x0  }
0x141: {  	s11 =	sshrl.u32 @!p0 s12, $0x10;
	v1 =	vsel @p2 vm0, v3, v1  }
0x142: {  	s9 =	sor.u32 @p2 $0x70, s13;
	s12 =	ssub.s32 @!p0 s16, s11;
	[tilespmem:s14+$0x0] =	vst @p2 v1  }
0x143: {  	s12 =	sand.u32 @!p0 $0xFFFE, s12;
	v1 =	vld @p2 [tilespmem:s9+$0x0]  }
0x144: {  	s12 =	sshrl.u32 @!p0 s12, $0x1  }
0x145: {  	s11 =	sadd.s32 @!p0 s11, s12  }
0x146: {  	s11 =	sand.u32 @!p0 $0xFFC0, s11  }
0x147: {  	s10 =	sadd.s32 @p2 $0x40, s10;
	s11 =	sshrl.u32 @!p0 s11, $0x6  }
0x148: {  	v2 =	vor.u32 @p2 s10, v2;
	s12 =	smul.u32 @!p0 $0xFFFFFF83, s11;
	vm0 =	veq.s32 @p2 v1, $0x0  }
0x149: {  	s10 =	sadd.s32 @p2 $0xFFFFFFD0, s14;
	v1 =	vsel @p2 vm0, v2, v1  }
0x14a: {  	s12 =	sadd.s32 @!p0 s16, s12;
	s16 =	simm.s32 @p2 $0x14080;
	[tilespmem:s9+$0x0] =	vst @p2 v1;
	s9 =	simm.s32 @p2 $0x50  }
0x14b: {  	[tilespmem:s16], [sflag:$0x8] =	stream.indirect.gather @p2 [hbm4b:s4+s9], $0x80, s10, s9, $0xb8;
	[tilespmem:$0x16880] =	vst v63  }
0x14c: {  	s12 =	smul.u32 @!p0 $0x50, s12;
	s10 =	simm.s32 @!p0 $0x1  }
0x14d: {  	_ =	swait.ge @!p0 [sflag:s10], $0x2800  }
0x14e: {  	s9 =	sshrl.u32 @!p0 s12, $0x3;
	s12 =	sld [smem:$0x7FB];
	_ =	sdelay $0x1  }
0x14f: {  	s9 =	smul.u32 @!p0 $0x8400, s9  }
0x150: {  	[sflag:s10] =	ssyncset.done @!p0 $0x0;
	p3 =	seq.s32 s12, $0x1;
	s12 =	sld [smem:$0x7FB]  }
0x151: {  	s11 =	sshll.u32 @!p0 s11, $0xA;
	[sflag:s10] =	ssyncadd.s32 @!p0 $0xFFFFD800;
	[smem:$0x7FA] =	sst s0  }
0x152: {  	s9 =	sadd.s32 @!p0 s11, s9;
	s11 =	smul.u32 @p3 $0xFFFFFF83, s18;
	s0 =	sld [smem:$0x7FB]  }
0x153: {  	s10 =	simm.s32 @!p0 $0x400;
	s9 =	sshrl.u32 @!p0 s9, $0x3;
	p3 =	seq.s32 s12, $0x1  }
0x154: {  	s9 =	sadd.s32 @!p0 s2, s9;
	s12 =	simm.s32 @!p0 $0x8400;
	s11 =	sadd.s32 @p3 s17, s11  }
0x155: {  	s17 =	simm.s32 @!p0 $0x2880;
	p3 =	seq.s32 s0, $0x1;
	s0 =	sld [smem:$0x7FA]  }
0x156: {  	[hbm4b:s9+s10] =	stream.strided.scatter @!p0 [tilespmem:s17], [sflag:$0x9], $0x2800, s12, s10, $0x38;
	[tilespmem:$0x16880] =	vst v63  }
0x157: {  	s17 =	sld [smem:$0x7FB];
	_ =	sdelay $0x2  }
0x158: {  	p0 =	seq.s32 s17, $0x1  }
0x159: {  	s11 =	smul.u32 @p3 $0x50, s11;
	s10 =	simm.s32 @p0 $0x2  }
0x15a: {  	_ =	swait.ge @p0 [sflag:s10], $0x2800  }
0x15b: {  	s9 =	sshrl.u32 @p0 s11, $0x3;
	s11 =	sshll.u32 @p0 s18, $0xA;
	s18 =	sld [smem:$0x7FC]  }
0x15c: {  	_ = 	snop  }
0x15d: {  	s9 =	smul.u32 @p0 $0x8400, s9  }
0x15e: {  	p3 =	seq.s32 s18, $0x1  }
0x15f: {  	s9 =	sadd.s32 @p0 s11, s9;
	s11 =	smul.u32 @p3 $0xFFFFFF83, s21  }
0x160: {  	s12 =	simm.s32 @p0 $0x8400;
	[sflag:s10] =	ssyncset.done @p0 $0x0  }
0x161: {  	[sflag:s10] =	ssyncadd.s32 @p0 $0xFFFFD800;
	s9 =	sshrl.u32 @p0 s9, $0x3;
	s10 =	sadd.s32 @p3 s19, s11  }
0x162: {  	s9 =	sadd.s32 @p0 s2, s9;
	s11 =	simm.s32 @p0 $0x400;
	s10 =	smul.u32 @p3 $0x50, s10  }
0x163: {  	[hbm4b:s9+s11] =	stream.strided.scatter @p0 [tilespmem:s20], [sflag:$0xA], $0x2800, s12, s11, $0x38;
	[tilespmem:$0x16880] =	vst v63  }
0x164: {  	s9 =	sshrl.u32 @p3 s10, $0x3  }
0x165: {  	s9 =	smul.u32 @p3 $0x8400, s9  }
0x166: {  	s11 =	sshll.u32 @p3 s21, $0xA;
	s10 =	simm.s32 @p3 $0x3  }
0x167: {  	_ =	swait.ge @p3 [sflag:s10], $0x2800;
	s9 =	sadd.s32 @p3 s11, s9;
	s11 =	smul.u32 @p4 $0xFFFFFF83, s24  }
0x168: {  	s12 =	simm.s32 @p3 $0x8400;
	[sflag:s10] =	ssyncset.done @p3 $0x0  }
0x169: {  	[sflag:s10] =	ssyncadd.s32 @p3 $0xFFFFD800;
	s9 =	sshrl.u32 @p3 s9, $0x3;
	s10 =	sadd.s32 @p4 s22, s11  }
0x16a: {  	s9 =	sadd.s32 @p3 s2, s9;
	s11 =	simm.s32 @p3 $0x400;
	s10 =	smul.u32 @p4 $0x50, s10  }
0x16b: {  	[hbm4b:s9+s11] =	stream.strided.scatter @p3 [tilespmem:s23], [sflag:$0xB], $0x2800, s12, s11, $0x38;
	[tilespmem:$0x16880] =	vst v63  }
0x16c: {  	s9 =	sshrl.u32 @p4 s10, $0x3  }
0x16d: {  	s9 =	smul.u32 @p4 $0x8400, s9  }
0x16e: {  	s11 =	sshll.u32 @p4 s24, $0xA;
	s10 =	simm.s32 @p4 $0x4  }
0x16f: {  	_ =	swait.ge @p4 [sflag:s10], $0x2800;
	s9 =	sadd.s32 @p4 s11, s9;
	s11 =	smul.u32 @p5 $0xFFFFFF83, s28  }
0x170: {  	s12 =	simm.s32 @p4 $0x8400;
	[sflag:s10] =	ssyncset.done @p4 $0x0  }
0x171: {  	[sflag:s10] =	ssyncadd.s32 @p4 $0xFFFFD800;
	s9 =	sshrl.u32 @p4 s9, $0x3;
	s10 =	sadd.s32 @p5 s25, s11  }
0x172: {  	s9 =	sadd.s32 @p4 s2, s9;
	s11 =	simm.s32 @p4 $0x400;
	s10 =	smul.u32 @p5 $0x50, s10  }
0x173: {  	[hbm4b:s9+s11] =	stream.strided.scatter @p4 [tilespmem:s26], [sflag:$0xC], $0x2800, s12, s11, $0x38;
	[tilespmem:$0x16880] =	vst v63  }
0x174: {  	s9 =	sshrl.u32 @p5 s10, $0x3  }
0x175: {  	s9 =	smul.u32 @p5 $0x8400, s9  }
0x176: {  	s11 =	sshll.u32 @p5 s28, $0xA;
	s10 =	simm.s32 @p5 $0x5  }
0x177: {  	_ =	swait.ge @p5 [sflag:s10], $0x2800;
	s9 =	sadd.s32 @p5 s11, s9;
	s11 =	smul.u32 @p6 $0xFFFFFF83, s31  }
0x178: {  	s12 =	simm.s32 @p5 $0x8400;
	[sflag:s10] =	ssyncset.done @p5 $0x0  }
0x179: {  	[sflag:s10] =	ssyncadd.s32 @p5 $0xFFFFD800;
	s9 =	sshrl.u32 @p5 s9, $0x3;
	s10 =	sadd.s32 @p6 s29, s11  }
0x17a: {  	s9 =	sadd.s32 @p5 s2, s9;
	s11 =	simm.s32 @p5 $0x400;
	s10 =	smul.u32 @p6 $0x50, s10  }
0x17b: {  	[hbm4b:s9+s11] =	stream.strided.scatter @p5 [tilespmem:s30], [sflag:$0xD], $0x2800, s12, s11, $0x38;
	[tilespmem:$0x16880] =	vst v63  }
0x17c: {  	s9 =	sshrl.u32 @p6 s10, $0x3  }
0x17d: {  	s10 =	simm.s32 @p6 $0x6;
	s9 =	smul.u32 @p6 $0x8400, s9  }
0x17e: {  	s11 =	sshll.u32 @p6 s31, $0xA;
	_ =	swait.ge @p6 [sflag:s10], $0x2800  }
0x17f: {  	[sflag:s10] =	ssyncset.done @p6 $0x0;
	s9 =	sadd.s32 @p6 s11, s9;
	s11 =	smul.u32 @p1 $0xFFFFFF83, s3  }
0x180: {  	[sflag:s10] =	ssyncadd.s32 @p6 $0xFFFFD800  }
0x181: {  	s10 =	simm.s32 @p6 $0x400;
	s9 =	sshrl.u32 @p6 s9, $0x3;
	s1 =	sadd.s32 @p1 s1, s11  }
0x182: {  	s9 =	sadd.s32 @p6 s2, s9;
	s11 =	simm.s32 @p6 $0x8400;
	s1 =	smul.u32 @p1 $0x50, s1  }
0x183: {  	[hbm4b:s9+s10] =	stream.strided.scatter @p6 [tilespmem:s0], [sflag:$0xE], $0x2800, s11, s10, $0x38;
	[tilespmem:$0x16880] =	vst v63  }
0x184: {  	s0 =	sshrl.u32 @p1 s1, $0x3  }
0x185: {  	s0 =	smul.u32 @p1 $0x8400, s0  }
0x186: {  	s3 =	sshll.u32 @p1 s3, $0xA;
	s1 =	simm.s32 @p1 $0x7  }
0x187: {  	_ =	swait.ge @p1 [sflag:s1], $0x2800;
	s0 =	sadd.s32 @p1 s3, s0;
	s3 =	smul.u32 @p2 $0xFFFFFF83, s8  }
0x188: {  	[sflag:s1] =	ssyncset.done @p1 $0x0;
	s0 =	sshrl.u32 @p1 s0, $0x3  }
0x189: {  	[sflag:s1] =	ssyncadd.s32 @p1 $0xFFFFD800;
	s0 =	sadd.s32 @p1 s2, s0;
	s1 =	sadd.s32 @p2 s5, s3  }
0x18a: {  	s3 =	simm.s32 @p1 $0x400;
	s5 =	simm.s32 @p1 $0x8400;
	s1 =	smul.u32 @p2 $0x50, s1  }
0x18b: {  	[hbm4b:s0+s3] =	stream.strided.scatter @p1 [tilespmem:s6], [sflag:$0xF], $0x2800, s5, s3, $0x38;
	[tilespmem:$0x16880] =	vst v63  }
0x18c: {  	s15 =	sadd.s32 $0x8, s15;
	s0 =	sshrl.u32 @p2 s1, $0x3  }
0x18d: {  	p0 =	sne.s32 s15, $0x88;
	s1 =	simm.s32 @p2 $0x8;
	s0 =	smul.u32 @p2 $0x8400, s0  }
.Ltmp3:
0x18e: {  	s3 =	sshll.u32 @p2 s8, $0xA;
	_ =	swait.ge @p2 [sflag:s1], $0x2800;
	(pc) =	sbr.rel @!p0 .LBB2_7-.Ltmp3, $4  }
0x18f: {  	s13 =	sadd.s32 $0x280, s13;
	[sflag:s1] =	ssyncset.done @p2 $0x0;
	s0 =	sadd.s32 @p2 s3, s0  }
0x190: {  	s14 =	sadd.s32 $0x280, s14;
	[sflag:s1] =	ssyncadd.s32 @p2 $0xFFFFD800;
	s0 =	sshrl.u32 @p2 s0, $0x3  }
0x191: {  	s1 =	simm.s32 @p2 $0x400;
	s3 =	simm.s32 @p2 $0x8400;
	s0 =	sadd.s32 @p2 s2, s0  }
0x192: {  	[hbm4b:s0+s1] =	stream.strided.scatter @p2 [tilespmem:s16], [sflag:$0x10], $0x2800, s3, s1, $0x38;
	[tilespmem:$0x16880] =	vst v63  }
.LBB2_2:
0x193: {  	s16 =	sadd.s32 s15, s7;
	p3 =	seq.s32 s15, $0x0  }
0x194: {  	p0 =	sgt.u32 @!p3 s16, $0x101C  }
0x195: {  	p0 =	por p3, p0  }
.Ltmp4:
0x196: {  	_ = 	snop;
	(pc) =	sbr.rel @!p0 .LBB2_3-.Ltmp4, $1  }
0x197: {  	_ =	sdelay $0x3  }
0x198: {  	p0 =	sgt.u32 s16, $0x101C  }
.Ltmp5:
0x199: {  	_ = 	snop;
	(pc) =	sbr.rel @p0 .LBB2_6-.Ltmp5, $4  }
.Ltmp6:
0x19a: {  	_ = 	snop;
	(pc) =	sbr.rel @!p0 .LBB2_5-.Ltmp6, $4  }
0x19b: {  	_ = 	snop  }
0x19c: {  	_ = 	snop  }
0x19d: {  	_ = 	snop  }
0x19e: {  	_ = 	snop  }
.LBB2_8:
0x19f: {  	_ =	sfence.sel $0x180000  }
0x1a0: {  	[bflag:$0x0] =	sbarrier.arrive $0xFFFF  }
0x1a1: {  	_ =	strace $0x90000047  }
0x1a2: {  	s0 =	stileid.u32;
	[bflag:$0x2] =	sbarrier.arrive $0xFFFF  }
0x1a3: {  	p0 =	sne.s32 s0, $0x0;
	s0 =	rddreg [dreg:$0x2]  }
0x1a4: {  	s0 =	sadd.s32 @!p0 $0x100000, s0  }
0x1a5: {  	[sflag:s0] =	ssyncadd.tile.s32 @!p0 $0x1;
	_ =	shalt  }
.Lfunc_end2:
_tile_overlayer_lowered:
.L_overlay_start_2:
0x1a6: {  	(tag) =	ssettag $0x2  }
0x1a7: {  	s0 =	rddreg [dreg:$0x0];
	s2 =	stileid.u32  }
0x1a8: {  	s1 =	rddreg [dreg:$0x1];
	p0 =	sne.s32 s2, $0x0  }
0x1a9: {  	s3 =	rddreg [dreg:$0x2];
	[bflag:$0x3] =	sbarrier.arrive $0xFFFF;
	s2 =	simm.s32 @!p0 $0x1C11  }
0x1aa: {  	[timem:s3], [sflag:s2] =	dma.local @!p0 [hbm:s0], s1  }
0x1ab: {  	s0 =	simm.s32 @!p0 $0x11  }
0x1ac: {  	_ =	swait.ge @!p0 [sflag:s0], s1  }
0x1ad: {  	s1 =	ssub.s32 @!p0 $0x0, s1;
	[sflag:s0] =	ssyncset.done @!p0 $0x0  }
0x1ae: {  	[sflag:s0] =	ssyncadd.s32 @!p0 s1  }
0x1af: {  	[bflag:$0x3] =	sbarrier.arrive $0xFFFF  }
0x1b0: {  	_ =	shalt  }

</sc_bundles>
